<compile_context>
chip_gen: v7x
topology: tpu7x:2x2x1
jax: 0.10.2.dev20260603
libtpu: 0.0.44.dev20260713+nightly
codegen_flags: <defaults>
</compile_context>

<pallas_src>
import functools

import jax
import jax.numpy as jnp
from jax import lax
from jax.experimental import pallas as pl
from jax.experimental.pallas import tpu as pltpu
from jax.experimental.pallas import tpu_sc as plsc

_CHUNK = 8192
_NMOM = 50
_CSTRIDE = 16


def _sc_moments(n2g, n2g_coarse, cols, num_graphs):
    N = n2g.shape[0]
    assert N >= _CHUNK and (N - _CHUNK) % 8 == 0
    NCRS = n2g_coarse.shape[0]
    info = plsc.get_sparse_core_info()
    NC, NS, L = info.num_cores, info.num_subcores, info.num_lanes
    NW = NC * NS
    assert NW * L == num_graphs
    cbits = max(1, (NCRS - 1).bit_length())
    mesh = plsc.VectorSubcoreMesh(core_axis_name="c", subcore_axis_name="s")

    @functools.partial(
        pl.kernel,
        mesh=mesh,
        compiler_params=pltpu.CompilerParams(needs_layout_passes=False),
        out_type=jax.ShapeDtypeStruct((NW * _NMOM * L,), jnp.float32),
        scratch_types=[pltpu.VMEM((NCRS,), jnp.int32)]
        + [pltpu.VMEM((_CHUNK,), jnp.float32)] * 9
        + [pltpu.VMEM((_NMOM * L,), jnp.float32)]
        + [pltpu.VMEM((8 * L,), jnp.int32)] * 2
        + [pltpu.VMEM((_CSTRIDE * L,), jnp.int32)]
        + [pltpu.SemaphoreType.DMA],
    )
    def body(n2g_hbm, crs_hbm, c0h, c1h, c2h, c3h, c4h, c5h, c6h, c7h, c8h,
             out_hbm, crsv, b0, b1, b2, b3, b4, b5, b6, b7, b8,
             outv, idx0, idx1, finev, sem):
        colsh = (c0h, c1h, c2h, c3h, c4h, c5h, c6h, c7h, c8h)
        bufs = (b0, b1, b2, b3, b4, b5, b6, b7, b8)
        wid = lax.axis_index("s") * NC + lax.axis_index("c")
        pltpu.sync_copy(crs_hbm, crsv)
        lane = lax.broadcasted_iota(jnp.int32, (L,), 0)
        g = wid * L + lane

        def lower_bound(target):
            def itc(_, lh):
                lo, hi = lh
                mid = jnp.minimum((lo + hi) >> 1, NCRS - 1)
                v = plsc.load_gather(crsv, [mid])
                pred = v < target
                return jnp.where(pred, mid + 1, lo), jnp.where(pred, hi, mid)

            jc, _ = lax.fori_loop(
                0, cbits, itc,
                (jnp.zeros((L,), jnp.int32), jnp.full((L,), NCRS, jnp.int32)),
            )
            w = jnp.maximum(_CSTRIDE * jc - (_CSTRIDE - 1), 0)
            for k in range(_CSTRIDE):
                ent = jnp.clip(w + k, 0, N - 1)
                if k < 8:
                    idx0[pl.ds(k * L, L)] = ent
                else:
                    idx1[pl.ds((k - 8) * L, L)] = ent
            cp0 = pltpu.async_copy(n2g_hbm.at[idx0], finev.at[pl.ds(0, 8 * L)], sem)
            cp1 = pltpu.async_copy(n2g_hbm.at[idx1], finev.at[pl.ds(8 * L, 8 * L)], sem)
            cp0.wait()
            cp1.wait()

            def itf(_, lh):
                lo, hi = lh
                mid = jnp.minimum((lo + hi) >> 1, _CSTRIDE - 1)
                v = plsc.load_gather(finev, [mid * L + lane])
                pred = v < target
                return jnp.where(pred, mid + 1, lo), jnp.where(pred, hi, mid)

            flo, _ = lax.fori_loop(
                0, 5, itf,
                (jnp.zeros((L,), jnp.int32), jnp.full((L,), _CSTRIDE, jnp.int32)),
            )
            return jnp.minimum(w + flo, N)

        s = lower_bound(g)
        e = lower_bound(g + 1)
        c0 = (jnp.min(s) >> 3) << 3
        hi_t = jnp.max(e)
        accs0 = [jnp.zeros((L,), jnp.float32) for _ in range(_NMOM - 1)]

        def chunk_cond(st):
            return st[0] < hi_t

        def chunk_body(st):
            c, ptr = st[0], st[1]
            accs = st[2:]
            ca = pl.multiple_of(jnp.minimum(c, N - _CHUNK), 8)
            cps = [
                pltpu.async_copy(colsh[k].at[pl.ds(ca, _CHUNK)], bufs[k], sem)
                for k in range(9)
            ]
            for cp in cps:
                cp.wait()
            cend = c + _CHUNK
            rem = jnp.maximum(jnp.minimum(e, cend) - ptr, 0)
            T = jnp.max(rem)

            def it(_, st2):
                p, *a = st2
                active = (p < e) & (p < cend)
                idxl = jnp.clip(p - ca, 0, _CHUNK - 1)
                fm = jnp.where(active, 1.0, 0.0).astype(jnp.float32)
                v = [plsc.load_gather(bufs[k], [idxl]) * fm for k in range(9)]
                ptx, pty, ptz, ppx, ppy, ppz, pnx, pny, pnz = v
                prods = [
                    ptx, pty, ptz,
                    ppx, ppy, ppz,
                    ppx * ppx, ppx * ppy, ppx * ppz,
                    ppy * ppy, ppy * ppz, ppz * ppz,
                    ptx * ptx, ptx * pty, ptx * ptz,
                    pty * pty, pty * ptz, ptz * ptz,
                    ptx * ppx, ptx * ppy, ptx * ppz,
                    pty * ppx, pty * ppy, pty * ppz,
                    ptz * ppx, ptz * ppy, ptz * ppz,
                    pnx, pny, pnz,
                    ppx * pnx, ppx * pny, ppx * pnz,
                    ppy * pnx, ppy * pny, ppy * pnz,
                    ppz * pnx, ppz * pny, ppz * pnz,
                    ptx * pnx, ptx * pny, ptx * pnz,
                    pty * pnx, pty * pny, pty * pnz,
                    ptz * pnx, ptz * pny, ptz * pnz,
                    pnx * pnx + pny * pny + pnz * pnz,
                ]
                p = p + jnp.where(active, 1, 0)
                return (p, *[x + q for x, q in zip(a, prods)])

            st2 = lax.fori_loop(0, T, it, (ptr, *accs))
            return (c + _CHUNK, *st2)

        st = lax.while_loop(chunk_cond, chunk_body, (c0, s, *accs0))
        accs = st[2:]
        cnt = (e - s).astype(jnp.float32)
        vals = [cnt] + list(accs)
        for m in range(_NMOM):
            outv[pl.ds(m * L, L)] = vals[m]
        pltpu.sync_copy(outv, out_hbm.at[pl.ds(wid * _NMOM * L, _NMOM * L)])

    return body(n2g, n2g_coarse, *cols)


def _tc_finalize(M, mr, W1T, b1r, W2T, b2r, nl_row, nl_col, sig_col, num_graphs):
    G = num_graphs
    EMB = mr.shape[1]
    NL = sig_col.shape[0]

    def body(m_ref, mr_ref, w1_ref, b1_ref, w2_ref, b2_ref, nlr_ref, nlc_ref,
             sig_ref, o1_ref, o2_ref):
        row = lambda i: m_ref[i:i + 1, :]
        cnt = row(0)
        Spt = [row(1 + i) for i in range(3)]
        Spp = [row(4 + i) for i in range(3)]

        def sym(b):
            r = [row(b), row(b + 1), row(b + 2), row(b + 3), row(b + 4), row(b + 5)]
            return [[r[0], r[1], r[2]], [r[1], r[3], r[4]], [r[2], r[4], r[5]]]

        def full(b):
            return [[row(b + 3 * i + j) for j in range(3)] for i in range(3)]

        Spp_pp = sym(7)
        Spt_pt = sym(13)
        Spt_pp = full(19)
        Spn = [row(28 + i) for i in range(3)]
        Spp_pn = full(31)
        Spt_pn = full(40)
        Snn = row(49)
        Sd = [Spn[i] - Spp[i] for i in range(3)]
        Spp_d = [[Spp_pn[i][j] - Spp_pp[i][j] for j in range(3)] for i in range(3)]
        Spt_d = [[Spt_pn[i][j] - Spt_pp[i][j] for j in range(3)] for i in range(3)]
        Sdd = (Snn - 2.0 * (Spp_pn[0][0] + Spp_pn[1][1] + Spp_pn[2][2])
               + Spp_pp[0][0] + Spp_pp[1][1] + Spp_pp[2][2])

        r1 = 1.0 / jnp.maximum(cnt, 1.0)
        P = [[Spp_pp[i][j] - Spp[i] * Spp[j] * r1 for j in range(3)] for i in range(3)]
        O = [[Spt_pp[i][j] - Spt[i] * Spp[j] * r1 for j in range(3)] for i in range(3)]
        Tm = [[Spt_pt[i][j] - Spt[i] * Spt[j] * r1 for j in range(3)] for i in range(3)]
        Cpd = [[Spp_d[i][j] - Spp[i] * Sd[j] * r1 for j in range(3)] for i in range(3)]
        Ctd = [[Spt_d[i][j] - Spt[i] * Sd[j] * r1 for j in range(3)] for i in range(3)]

        def fr2(A):
            t = A[0][0] * 0.0
            for i in range(3):
                for j in range(3):
                    t = t + A[i][j] * A[i][j]
            return t

        den = jnp.sqrt(fr2(P)) + jnp.sqrt(fr2(O))
        X = P[0][0] * 0.0
        for i in range(3):
            for j in range(3):
                X = X + P[i][j] * Cpd[i][j] - O[i][j] * Ctd[i][j]
        Y = P[0][0] * 0.0
        for i in range(3):
            for j in range(3):
                for k in range(3):
                    Y = Y + (P[i][j] * P[j][k] * P[k][i]
                             - 2.0 * P[i][j] * O[k][j] * O[k][i]
                             + O[i][j] * O[k][j] * Tm[i][k])

        nlr = nlr_ref[0:1, :]
        lev = lax.broadcasted_iota(jnp.int32, (NL, G), 0)
        oh = jnp.where(lev == nlr, 1.0, 0.0)
        sig = jnp.sum(sig_ref[:, :] * oh, axis=0, keepdims=True)
        inv_s2 = 1.0 / (sig * sig)
        A2 = (Sdd + (4.0 / den) * X + (4.0 / (den * den)) * Y) * inv_s2
        A2 = jnp.where(cnt > 0.0, A2, 0.0)
        o1_ref[:, :] = jnp.sum(A2, axis=1, keepdims=True) / G

        x = mr_ref[:, :]
        h = jnp.dot(x, w1_ref[:, :], preferred_element_type=jnp.float32) + b1_ref[0:1, :]
        h = h / (1.0 + jnp.exp(-h))
        p = jnp.dot(h, w2_ref[:, :], preferred_element_type=jnp.float32) + b2_ref[0:1, :]
        mx = jnp.max(p, axis=1, keepdims=True)
        lse = jnp.log(jnp.sum(jnp.exp(p - mx), axis=1, keepdims=True)) + mx
        cls = lax.broadcasted_iota(jnp.int32, (G, EMB), 1)
        sel = jnp.sum(jnp.where(cls == nlc_ref[:, :], p, 0.0), axis=1, keepdims=True)
        o2_ref[:, :] = jnp.sum(lse - sel, axis=0, keepdims=True) / G

    o1, o2 = pl.pallas_call(
        body,
        out_shape=[
            jax.ShapeDtypeStruct((1, 1), jnp.float32),
            jax.ShapeDtypeStruct((1, 1), jnp.float32),
        ],
    )(M, mr, W1T, b1r, W2T, b2r, nl_row, nl_col, sig_col)
    return o1, o2


def kernel(node2graph, edge_index, num_graphs, energy, molecule_repr,
           pos_noise_pred, pos_perturbed, pos_target, sigmas, noise_level,
           W1, b1, W2, b2):
    del edge_index, energy, num_graphs
    G = molecule_repr.shape[0]
    n2g = node2graph.astype(jnp.int32)

    cols = []
    for arr in (pos_target, pos_perturbed, pos_noise_pred):
        for i in range(3):
            cols.append(arr[:, i])

    crs = n2g[::_CSTRIDE]
    pad_c = (-crs.shape[0]) % 8
    crs = jnp.pad(crs, (0, pad_c), constant_values=jnp.int32(1 << 30))

    flat = _sc_moments(n2g, crs, cols, G)
    info = plsc.get_sparse_core_info()
    NW = info.num_cores * info.num_subcores
    L = info.num_lanes
    M = jnp.transpose(flat.reshape(NW, _NMOM, L), (1, 0, 2)).reshape(_NMOM, NW * L)

    nl = noise_level.astype(jnp.int32)
    o1, o2 = _tc_finalize(
        M,
        molecule_repr,
        W1.T, b1.reshape(1, -1),
        W2.T, b2.reshape(1, -1),
        nl.reshape(1, G), nl.reshape(G, 1),
        sigmas.reshape(-1, 1),
        G,
    )
    return (o1.reshape(()), o2.reshape(()))

# --- scband reference (transcript-rebuilt; emitter-appended) ---
"""Pipeline reference for scband-geo-ssl-pdm-68796786147703 (READ-ONLY COPY).

The authoritative reference and input builder live on the scoring server;
editing this copy changes nothing except your own understanding.
"""

import jax, jax.numpy as jnp
import numpy as np

N = 100000
E = 1600000
G = 512
EMB = 128
NL = 50

def _seg_mean(x, idx):
    s = jax.ops.segment_sum(x, idx, num_segments=G)
    cnt = jax.ops.segment_sum(jnp.ones((x.shape[0], 1), x.dtype), idx, num_segments=G)
    return s / jnp.clip(cnt, 1.0, None)

def _get_score_target(pos_perturbed, pos_target, node2graph):
    v = pos_target.shape[-1]
    center = _seg_mean(pos_target, node2graph)
    perturbed_center = _seg_mean(pos_perturbed, node2graph)
    pos_c = pos_target - center[node2graph]
    pos_perturbed_c = pos_perturbed - perturbed_center[node2graph]
    ppc_left = jnp.repeat(pos_perturbed_c, v, axis=-1)
    ppc_right = jnp.tile(pos_perturbed_c, (1, v))
    pos_c_left = jnp.repeat(pos_c, v, axis=-1)
    ptp = jax.ops.segment_sum(ppc_left * ppc_right, node2graph, num_segments=G).reshape(-1, v, v)
    otp = jax.ops.segment_sum(pos_c_left * ppc_right, node2graph, num_segments=G).reshape(-1, v, v)
    ptp = ptp[node2graph]
    otp = otp[node2graph]
    num = -2.0 * (jnp.einsum('ni,nij->nj', pos_perturbed_c, ptp) - jnp.einsum('ni,nij->nj', pos_c, otp))
    den = jnp.linalg.norm(ptp.reshape(-1, v * v), axis=1) + jnp.linalg.norm(otp.reshape(-1, v * v), axis=1)
    return num / den[:, None]

def setup_inputs(seed: int = 0):
    key = jax.random.key(seed)
    ks = jax.random.split(key, 12)
    node2graph = jnp.sort(jax.random.randint(ks[0], (N,), 0, G))
    edge_index = jax.random.randint(ks[1], (2, E), 0, N)
    energy = jax.random.normal(ks[2], (G,), jnp.float32)
    molecule_repr = jax.random.normal(ks[3], (G, EMB), jnp.float32)
    pos_noise_pred = jax.random.normal(ks[4], (N, 3), jnp.float32)
    pos_perturbed = jax.random.normal(ks[5], (N, 3), jnp.float32)
    pos_target = jax.random.normal(ks[6], (N, 3), jnp.float32)
    sigmas = jnp.asarray(np.exp(np.linspace(np.log(10.0), np.log(0.01), NL)), dtype=jnp.float32)
    noise_level = jax.random.randint(ks[7], (G,), 0, NL)
    s = 1.0 / np.sqrt(EMB)
    W1 = jax.random.uniform(ks[8], (EMB, EMB), jnp.float32, minval=-s, maxval=s)
    b1 = jax.random.uniform(ks[9], (EMB,), jnp.float32, minval=-s, maxval=s)
    W2 = jax.random.uniform(ks[10], (EMB, EMB), jnp.float32, minval=-s, maxval=s)
    b2 = jax.random.uniform(ks[11], (EMB,), jnp.float32, minval=-s, maxval=s)
    return {"node2graph": node2graph, "edge_index": edge_index, "num_graphs": G, "energy": energy, "molecule_repr": molecule_repr, "pos_noise_pred": pos_noise_pred, "pos_perturbed": pos_perturbed, "pos_target": pos_target, "sigmas": sigmas, "noise_level": noise_level, "W1": W1, "b1": b1, "W2": W2, "b2": b2}

def reference(node2graph, edge_index, num_graphs, energy, molecule_repr, pos_noise_pred, pos_perturbed, pos_target, sigmas, noise_level, W1, b1, W2, b2):
    edge2graph = node2graph[edge_index[0]]  # computed in the original forward but never used
    used_sigmas = sigmas[noise_level][node2graph][:, None]
    score_target = _get_score_target(pos_perturbed, pos_target, node2graph) / used_sigmas
    pred_noise = (pos_noise_pred - pos_perturbed) * (1.0 / used_sigmas)
    pos_denoise = jnp.sum((pred_noise - score_target) ** 2, axis=-1)
    pos_denoise = jnp.sum(jax.ops.segment_sum(pos_denoise, node2graph, num_segments=energy.shape[0])) / num_graphs
    h = jax.nn.silu(molecule_repr @ W1.T + b1)
    pred_scale = h @ W2.T + b2
    logp = jax.nn.log_softmax(pred_scale, axis=-1)
    ce = -jnp.take_along_axis(logp, noise_level[:, None], axis=1).squeeze(1)
    return (pos_denoise, ce.mean())

if __name__ == "__main__":
    import jax
    _d = setup_inputs()
    print(jax.jit(kernel)(*tuple(_d.values())))

</pallas_src>

<mosaic_0001>
#map = affine_map<(d0, d1) -> (0)>
module attributes {stable_mosaic.version = 14 : i64} {
  func.func @body(%arg0: i32, %arg1: i32, %arg2: memref<100000xi32, #tpu.memory_space<hbm>>, %arg3: memref<6256xi32, #tpu.memory_space<hbm>>, %arg4: memref<100000xf32, #tpu.memory_space<hbm>>, %arg5: memref<100000xf32, #tpu.memory_space<hbm>>, %arg6: memref<100000xf32, #tpu.memory_space<hbm>>, %arg7: memref<100000xf32, #tpu.memory_space<hbm>>, %arg8: memref<100000xf32, #tpu.memory_space<hbm>>, %arg9: memref<100000xf32, #tpu.memory_space<hbm>>, %arg10: memref<100000xf32, #tpu.memory_space<hbm>>, %arg11: memref<100000xf32, #tpu.memory_space<hbm>>, %arg12: memref<100000xf32, #tpu.memory_space<hbm>>, %arg13: memref<25600xf32, #tpu.memory_space<hbm>>, %arg14: memref<6256xi32, #tpu.memory_space<vmem>>, %arg15: memref<8192xf32, #tpu.memory_space<vmem>>, %arg16: memref<8192xf32, #tpu.memory_space<vmem>>, %arg17: memref<8192xf32, #tpu.memory_space<vmem>>, %arg18: memref<8192xf32, #tpu.memory_space<vmem>>, %arg19: memref<8192xf32, #tpu.memory_space<vmem>>, %arg20: memref<8192xf32, #tpu.memory_space<vmem>>, %arg21: memref<8192xf32, #tpu.memory_space<vmem>>, %arg22: memref<8192xf32, #tpu.memory_space<vmem>>, %arg23: memref<8192xf32, #tpu.memory_space<vmem>>, %arg24: memref<800xf32, #tpu.memory_space<vmem>>, %arg25: memref<128xi32, #tpu.memory_space<vmem>>, %arg26: memref<128xi32, #tpu.memory_space<vmem>>, %arg27: memref<256xi32, #tpu.memory_space<vmem>>, %arg28: memref<!tpu.dma_semaphore, #tpu.memory_space<semaphore_mem>>) attributes {dimension_semantics = [#tpu.dimension_semantics<core_parallel>, #tpu.dimension_semantics<subcore_parallel>], iteration_bounds = array<i64: 2, 16>, scalar_prefetch = 0 : i64, scratch_operands = 15 : i64, tpu.core_type = #tpu.core_type<sc_vector_subcore>, window_params = [{transform_indices = #map}, {transform_indices = #map}, {transform_indices = #map}, {transform_indices = #map}, {transform_indices = #map}, {transform_indices = #map}, {transform_indices = #map}, {transform_indices = #map}, {transform_indices = #map}, {transform_indices = #map}, {transform_indices = #map}, {transform_indices = #map}]} {
    %mul3A = arith.constant 2 : i32
    %mul3A_0 = arith.muli %arg1, %mul3A : i32
    %add3A = arith.addi %mul3A_0, %arg0 : i32
    "tpu.region"() ({
      %run_scoped3A = tpu.sem_alloc : memref<!tpu.dma_semaphore, #tpu.memory_space<semaphore_mem>>
      tpu.enqueue_dma source(%arg3 : memref<6256xi32, #tpu.memory_space<hbm>>) target(%arg14 : memref<6256xi32, #tpu.memory_space<vmem>>) target_semaphore(%run_scoped3A : memref<!tpu.dma_semaphore, #tpu.memory_space<semaphore_mem>>)
      tpu.wait_dma2 semaphore(%run_scoped3A : memref<!tpu.dma_semaphore, #tpu.memory_space<semaphore_mem>>) src(%arg3 : memref<6256xi32, #tpu.memory_space<hbm>>) dst(%arg14 : memref<6256xi32, #tpu.memory_space<vmem>>)
      tpu.yield
    }) : () -> ()
    %iota3A = tpu.iota {dimensions = array<i32: 0>} : vector<16xi32>
    %mul3A_1 = arith.constant 16 : i32
    %mul3A_2 = arith.muli %add3A, %mul3A_1 : i32
    %add3A_3 = vector.broadcast %mul3A_2 : i32 to vector<16xi32>
    %add3A_4 = arith.addi %add3A_3, %iota3A : vector<16xi32>
    %broadcast_in_dim3A = arith.constant 0 : i32
    %broadcast_in_dim3A_5 = vector.broadcast %broadcast_in_dim3A : i32 to vector<16xi32>
    %broadcast_in_dim3A_6 = arith.constant 6256 : i32
    %broadcast_in_dim3A_7 = vector.broadcast %broadcast_in_dim3A_6 : i32 to vector<16xi32>
    %scan3A = arith.constant 0 : i32
    %scan3A_8 = arith.constant 13 : i32
    %scan3A_9 = arith.addi %scan3A, %scan3A_8 : i32
    %scan3A_10 = arith.constant 1 : i32
    %scan3A_11:2 = scf.for %scan3A_668 = %scan3A to %scan3A_9 step %scan3A_10 iter_args(%scan3A_669 = %broadcast_in_dim3A_5, %scan3A_670 = %broadcast_in_dim3A_7) -> (vector<16xi32>, vector<16xi32>)  : i32 {
      %add3A_671 = arith.addi %scan3A_669, %scan3A_670 : vector<16xi32>
      %shift_right_arithmetic3A_672 = arith.constant 1 : i32
      %shift_right_arithmetic3A_673 = vector.broadcast %shift_right_arithmetic3A_672 : i32 to vector<16xi32>
      %shift_right_arithmetic3A_674 = arith.shrsi %add3A_671, %shift_right_arithmetic3A_673 : vector<16xi32>
      %min3A_675 = arith.constant 6255 : i32
      %min3A_676 = vector.broadcast %min3A_675 : i32 to vector<16xi32>
      %min3A_677 = arith.minsi %shift_right_arithmetic3A_674, %min3A_676 : vector<16xi32>
      %gather3A = tpu.vector_load_idx %arg14[%min3A_677] : memref<6256xi32, #tpu.memory_space<vmem>>[vector<16xi32>], vector<16xi32>,
      %lt3A = arith.cmpi slt, %gather3A, %add3A_4 : vector<16xi32>
      %add3A_678 = arith.constant 1 : i32
      %add3A_679 = vector.broadcast %add3A_678 : i32 to vector<16xi32>
      %add3A_680 = arith.addi %min3A_677, %add3A_679 : vector<16xi32>
      %select_n3A = arith.select %lt3A, %add3A_680, %scan3A_669 : vector<16xi1>, vector<16xi32>
      %select_n3A_681 = arith.select %lt3A, %scan3A_670, %min3A_677 : vector<16xi1>, vector<16xi32>
      scf.yield %select_n3A, %select_n3A_681 : vector<16xi32>, vector<16xi32>
    }
    %scan3A_12 = arith.constant 13 : i32
    %mul3A_13 = arith.constant 16 : i32
    %mul3A_14 = vector.broadcast %mul3A_13 : i32 to vector<16xi32>
    %mul3A_15 = arith.muli %mul3A_14, %scan3A_11#0 : vector<16xi32>
    %sub3A = arith.constant 15 : i32
    %sub3A_16 = vector.broadcast %sub3A : i32 to vector<16xi32>
    %sub3A_17 = arith.subi %mul3A_15, %sub3A_16 : vector<16xi32>
    %max3A = arith.constant 0 : i32
    %max3A_18 = vector.broadcast %max3A : i32 to vector<16xi32>
    %max3A_19 = arith.maxsi %sub3A_17, %max3A_18 : vector<16xi32>
    %add3A_20 = arith.constant 0 : i32
    %add3A_21 = vector.broadcast %add3A_20 : i32 to vector<16xi32>
    %add3A_22 = arith.addi %max3A_19, %add3A_21 : vector<16xi32>
    %jit3A = arith.constant 0 : i32
    %jit3A_23 = arith.constant 99999 : i32
    %max3A_24 = vector.broadcast %jit3A : i32 to vector<16xi32>
    %max3A_25 = arith.maxsi %max3A_24, %add3A_22 : vector<16xi32>
    %min3A = vector.broadcast %jit3A_23 : i32 to vector<16xi32>
    %min3A_26 = arith.minsi %min3A, %max3A_25 : vector<16xi32>
    %swap3A = arith.constant 0 : index
    %swap3A_27 = tpu.vector_load %arg25[%swap3A] {strides = array<i32>} : memref<128xi32, #tpu.memory_space<vmem>>, vector<16xi32>,
    tpu.vector_store %arg25[%swap3A], %min3A_26 {strides = array<i32>} : memref<128xi32, #tpu.memory_space<vmem>>, vector<16xi32>,
    %add3A_28 = arith.constant 1 : i32
    %add3A_29 = vector.broadcast %add3A_28 : i32 to vector<16xi32>
    %add3A_30 = arith.addi %max3A_19, %add3A_29 : vector<16xi32>
    %jit3A_31 = arith.constant 0 : i32
    %jit3A_32 = arith.constant 99999 : i32
    %max3A_33 = vector.broadcast %jit3A_31 : i32 to vector<16xi32>
    %max3A_34 = arith.maxsi %max3A_33, %add3A_30 : vector<16xi32>
    %min3A_35 = vector.broadcast %jit3A_32 : i32 to vector<16xi32>
    %min3A_36 = arith.minsi %min3A_35, %max3A_34 : vector<16xi32>
    %swap3A_37 = arith.constant 16 : index
    %swap3A_38 = tpu.vector_load %arg25[%swap3A_37] {strides = array<i32>} : memref<128xi32, #tpu.memory_space<vmem>>, vector<16xi32>,
    tpu.vector_store %arg25[%swap3A_37], %min3A_36 {strides = array<i32>} : memref<128xi32, #tpu.memory_space<vmem>>, vector<16xi32>,
    %add3A_39 = arith.constant 2 : i32
    %add3A_40 = vector.broadcast %add3A_39 : i32 to vector<16xi32>
    %add3A_41 = arith.addi %max3A_19, %add3A_40 : vector<16xi32>
    %jit3A_42 = arith.constant 0 : i32
    %jit3A_43 = arith.constant 99999 : i32
    %max3A_44 = vector.broadcast %jit3A_42 : i32 to vector<16xi32>
    %max3A_45 = arith.maxsi %max3A_44, %add3A_41 : vector<16xi32>
    %min3A_46 = vector.broadcast %jit3A_43 : i32 to vector<16xi32>
    %min3A_47 = arith.minsi %min3A_46, %max3A_45 : vector<16xi32>
    %swap3A_48 = arith.constant 32 : index
    %swap3A_49 = tpu.vector_load %arg25[%swap3A_48] {strides = array<i32>} : memref<128xi32, #tpu.memory_space<vmem>>, vector<16xi32>,
    tpu.vector_store %arg25[%swap3A_48], %min3A_47 {strides = array<i32>} : memref<128xi32, #tpu.memory_space<vmem>>, vector<16xi32>,
    %add3A_50 = arith.constant 3 : i32
    %add3A_51 = vector.broadcast %add3A_50 : i32 to vector<16xi32>
    %add3A_52 = arith.addi %max3A_19, %add3A_51 : vector<16xi32>
    %jit3A_53 = arith.constant 0 : i32
    %jit3A_54 = arith.constant 99999 : i32
    %max3A_55 = vector.broadcast %jit3A_53 : i32 to vector<16xi32>
    %max3A_56 = arith.maxsi %max3A_55, %add3A_52 : vector<16xi32>
    %min3A_57 = vector.broadcast %jit3A_54 : i32 to vector<16xi32>
    %min3A_58 = arith.minsi %min3A_57, %max3A_56 : vector<16xi32>
    %swap3A_59 = arith.constant 48 : index
    %swap3A_60 = tpu.vector_load %arg25[%swap3A_59] {strides = array<i32>} : memref<128xi32, #tpu.memory_space<vmem>>, vector<16xi32>,
    tpu.vector_store %arg25[%swap3A_59], %min3A_58 {strides = array<i32>} : memref<128xi32, #tpu.memory_space<vmem>>, vector<16xi32>,
    %add3A_61 = arith.constant 4 : i32
    %add3A_62 = vector.broadcast %add3A_61 : i32 to vector<16xi32>
    %add3A_63 = arith.addi %max3A_19, %add3A_62 : vector<16xi32>
    %jit3A_64 = arith.constant 0 : i32
    %jit3A_65 = arith.constant 99999 : i32
    %max3A_66 = vector.broadcast %jit3A_64 : i32 to vector<16xi32>
    %max3A_67 = arith.maxsi %max3A_66, %add3A_63 : vector<16xi32>
    %min3A_68 = vector.broadcast %jit3A_65 : i32 to vector<16xi32>
    %min3A_69 = arith.minsi %min3A_68, %max3A_67 : vector<16xi32>
    %swap3A_70 = arith.constant 64 : index
    %swap3A_71 = tpu.vector_load %arg25[%swap3A_70] {strides = array<i32>} : memref<128xi32, #tpu.memory_space<vmem>>, vector<16xi32>,
    tpu.vector_store %arg25[%swap3A_70], %min3A_69 {strides = array<i32>} : memref<128xi32, #tpu.memory_space<vmem>>, vector<16xi32>,
    %add3A_72 = arith.constant 5 : i32
    %add3A_73 = vector.broadcast %add3A_72 : i32 to vector<16xi32>
    %add3A_74 = arith.addi %max3A_19, %add3A_73 : vector<16xi32>
    %jit3A_75 = arith.constant 0 : i32
    %jit3A_76 = arith.constant 99999 : i32
    %max3A_77 = vector.broadcast %jit3A_75 : i32 to vector<16xi32>
    %max3A_78 = arith.maxsi %max3A_77, %add3A_74 : vector<16xi32>
    %min3A_79 = vector.broadcast %jit3A_76 : i32 to vector<16xi32>
    %min3A_80 = arith.minsi %min3A_79, %max3A_78 : vector<16xi32>
    %swap3A_81 = arith.constant 80 : index
    %swap3A_82 = tpu.vector_load %arg25[%swap3A_81] {strides = array<i32>} : memref<128xi32, #tpu.memory_space<vmem>>, vector<16xi32>,
    tpu.vector_store %arg25[%swap3A_81], %min3A_80 {strides = array<i32>} : memref<128xi32, #tpu.memory_space<vmem>>, vector<16xi32>,
    %add3A_83 = arith.constant 6 : i32
    %add3A_84 = vector.broadcast %add3A_83 : i32 to vector<16xi32>
    %add3A_85 = arith.addi %max3A_19, %add3A_84 : vector<16xi32>
    %jit3A_86 = arith.constant 0 : i32
    %jit3A_87 = arith.constant 99999 : i32
    %max3A_88 = vector.broadcast %jit3A_86 : i32 to vector<16xi32>
    %max3A_89 = arith.maxsi %max3A_88, %add3A_85 : vector<16xi32>
    %min3A_90 = vector.broadcast %jit3A_87 : i32 to vector<16xi32>
    %min3A_91 = arith.minsi %min3A_90, %max3A_89 : vector<16xi32>
    %swap3A_92 = arith.constant 96 : index
    %swap3A_93 = tpu.vector_load %arg25[%swap3A_92] {strides = array<i32>} : memref<128xi32, #tpu.memory_space<vmem>>, vector<16xi32>,
    tpu.vector_store %arg25[%swap3A_92], %min3A_91 {strides = array<i32>} : memref<128xi32, #tpu.memory_space<vmem>>, vector<16xi32>,
    %add3A_94 = arith.constant 7 : i32
    %add3A_95 = vector.broadcast %add3A_94 : i32 to vector<16xi32>
    %add3A_96 = arith.addi %max3A_19, %add3A_95 : vector<16xi32>
    %jit3A_97 = arith.constant 0 : i32
    %jit3A_98 = arith.constant 99999 : i32
    %max3A_99 = vector.broadcast %jit3A_97 : i32 to vector<16xi32>
    %max3A_100 = arith.maxsi %max3A_99, %add3A_96 : vector<16xi32>
    %min3A_101 = vector.broadcast %jit3A_98 : i32 to vector<16xi32>
    %min3A_102 = arith.minsi %min3A_101, %max3A_100 : vector<16xi32>
    %swap3A_103 = arith.constant 112 : index
    %swap3A_104 = tpu.vector_load %arg25[%swap3A_103] {strides = array<i32>} : memref<128xi32, #tpu.memory_space<vmem>>, vector<16xi32>,
    tpu.vector_store %arg25[%swap3A_103], %min3A_102 {strides = array<i32>} : memref<128xi32, #tpu.memory_space<vmem>>, vector<16xi32>,
    %add3A_105 = arith.constant 8 : i32
    %add3A_106 = vector.broadcast %add3A_105 : i32 to vector<16xi32>
    %add3A_107 = arith.addi %max3A_19, %add3A_106 : vector<16xi32>
    %jit3A_108 = arith.constant 0 : i32
    %jit3A_109 = arith.constant 99999 : i32
    %max3A_110 = vector.broadcast %jit3A_108 : i32 to vector<16xi32>
    %max3A_111 = arith.maxsi %max3A_110, %add3A_107 : vector<16xi32>
    %min3A_112 = vector.broadcast %jit3A_109 : i32 to vector<16xi32>
    %min3A_113 = arith.minsi %min3A_112, %max3A_111 : vector<16xi32>
    %swap3A_114 = arith.constant 0 : index
    %swap3A_115 = tpu.vector_load %arg26[%swap3A_114] {strides = array<i32>} : memref<128xi32, #tpu.memory_space<vmem>>, vector<16xi32>,
    tpu.vector_store %arg26[%swap3A_114], %min3A_113 {strides = array<i32>} : memref<128xi32, #tpu.memory_space<vmem>>, vector<16xi32>,
    %add3A_116 = arith.constant 9 : i32
    %add3A_117 = vector.broadcast %add3A_116 : i32 to vector<16xi32>
    %add3A_118 = arith.addi %max3A_19, %add3A_117 : vector<16xi32>
    %jit3A_119 = arith.constant 0 : i32
    %jit3A_120 = arith.constant 99999 : i32
    %max3A_121 = vector.broadcast %jit3A_119 : i32 to vector<16xi32>
    %max3A_122 = arith.maxsi %max3A_121, %add3A_118 : vector<16xi32>
    %min3A_123 = vector.broadcast %jit3A_120 : i32 to vector<16xi32>
    %min3A_124 = arith.minsi %min3A_123, %max3A_122 : vector<16xi32>
    %swap3A_125 = arith.constant 16 : index
    %swap3A_126 = tpu.vector_load %arg26[%swap3A_125] {strides = array<i32>} : memref<128xi32, #tpu.memory_space<vmem>>, vector<16xi32>,
    tpu.vector_store %arg26[%swap3A_125], %min3A_124 {strides = array<i32>} : memref<128xi32, #tpu.memory_space<vmem>>, vector<16xi32>,
    %add3A_127 = arith.constant 10 : i32
    %add3A_128 = vector.broadcast %add3A_127 : i32 to vector<16xi32>
    %add3A_129 = arith.addi %max3A_19, %add3A_128 : vector<16xi32>
    %jit3A_130 = arith.constant 0 : i32
    %jit3A_131 = arith.constant 99999 : i32
    %max3A_132 = vector.broadcast %jit3A_130 : i32 to vector<16xi32>
    %max3A_133 = arith.maxsi %max3A_132, %add3A_129 : vector<16xi32>
    %min3A_134 = vector.broadcast %jit3A_131 : i32 to vector<16xi32>
    %min3A_135 = arith.minsi %min3A_134, %max3A_133 : vector<16xi32>
    %swap3A_136 = arith.constant 32 : index
    %swap3A_137 = tpu.vector_load %arg26[%swap3A_136] {strides = array<i32>} : memref<128xi32, #tpu.memory_space<vmem>>, vector<16xi32>,
    tpu.vector_store %arg26[%swap3A_136], %min3A_135 {strides = array<i32>} : memref<128xi32, #tpu.memory_space<vmem>>, vector<16xi32>,
    %add3A_138 = arith.constant 11 : i32
    %add3A_139 = vector.broadcast %add3A_138 : i32 to vector<16xi32>
    %add3A_140 = arith.addi %max3A_19, %add3A_139 : vector<16xi32>
    %jit3A_141 = arith.constant 0 : i32
    %jit3A_142 = arith.constant 99999 : i32
    %max3A_143 = vector.broadcast %jit3A_141 : i32 to vector<16xi32>
    %max3A_144 = arith.maxsi %max3A_143, %add3A_140 : vector<16xi32>
    %min3A_145 = vector.broadcast %jit3A_142 : i32 to vector<16xi32>
    %min3A_146 = arith.minsi %min3A_145, %max3A_144 : vector<16xi32>
    %swap3A_147 = arith.constant 48 : index
    %swap3A_148 = tpu.vector_load %arg26[%swap3A_147] {strides = array<i32>} : memref<128xi32, #tpu.memory_space<vmem>>, vector<16xi32>,
    tpu.vector_store %arg26[%swap3A_147], %min3A_146 {strides = array<i32>} : memref<128xi32, #tpu.memory_space<vmem>>, vector<16xi32>,
    %add3A_149 = arith.constant 12 : i32
    %add3A_150 = vector.broadcast %add3A_149 : i32 to vector<16xi32>
    %add3A_151 = arith.addi %max3A_19, %add3A_150 : vector<16xi32>
    %jit3A_152 = arith.constant 0 : i32
    %jit3A_153 = arith.constant 99999 : i32
    %max3A_154 = vector.broadcast %jit3A_152 : i32 to vector<16xi32>
    %max3A_155 = arith.maxsi %max3A_154, %add3A_151 : vector<16xi32>
    %min3A_156 = vector.broadcast %jit3A_153 : i32 to vector<16xi32>
    %min3A_157 = arith.minsi %min3A_156, %max3A_155 : vector<16xi32>
    %swap3A_158 = arith.constant 64 : index
    %swap3A_159 = tpu.vector_load %arg26[%swap3A_158] {strides = array<i32>} : memref<128xi32, #tpu.memory_space<vmem>>, vector<16xi32>,
    tpu.vector_store %arg26[%swap3A_158], %min3A_157 {strides = array<i32>} : memref<128xi32, #tpu.memory_space<vmem>>, vector<16xi32>,
    %add3A_160 = arith.constant 13 : i32
    %add3A_161 = vector.broadcast %add3A_160 : i32 to vector<16xi32>
    %add3A_162 = arith.addi %max3A_19, %add3A_161 : vector<16xi32>
    %jit3A_163 = arith.constant 0 : i32
    %jit3A_164 = arith.constant 99999 : i32
    %max3A_165 = vector.broadcast %jit3A_163 : i32 to vector<16xi32>
    %max3A_166 = arith.maxsi %max3A_165, %add3A_162 : vector<16xi32>
    %min3A_167 = vector.broadcast %jit3A_164 : i32 to vector<16xi32>
    %min3A_168 = arith.minsi %min3A_167, %max3A_166 : vector<16xi32>
    %swap3A_169 = arith.constant 80 : index
    %swap3A_170 = tpu.vector_load %arg26[%swap3A_169] {strides = array<i32>} : memref<128xi32, #tpu.memory_space<vmem>>, vector<16xi32>,
    tpu.vector_store %arg26[%swap3A_169], %min3A_168 {strides = array<i32>} : memref<128xi32, #tpu.memory_space<vmem>>, vector<16xi32>,
    %add3A_171 = arith.constant 14 : i32
    %add3A_172 = vector.broadcast %add3A_171 : i32 to vector<16xi32>
    %add3A_173 = arith.addi %max3A_19, %add3A_172 : vector<16xi32>
    %jit3A_174 = arith.constant 0 : i32
    %jit3A_175 = arith.constant 99999 : i32
    %max3A_176 = vector.broadcast %jit3A_174 : i32 to vector<16xi32>
    %max3A_177 = arith.maxsi %max3A_176, %add3A_173 : vector<16xi32>
    %min3A_178 = vector.broadcast %jit3A_175 : i32 to vector<16xi32>
    %min3A_179 = arith.minsi %min3A_178, %max3A_177 : vector<16xi32>
    %swap3A_180 = arith.constant 96 : index
    %swap3A_181 = tpu.vector_load %arg26[%swap3A_180] {strides = array<i32>} : memref<128xi32, #tpu.memory_space<vmem>>, vector<16xi32>,
    tpu.vector_store %arg26[%swap3A_180], %min3A_179 {strides = array<i32>} : memref<128xi32, #tpu.memory_space<vmem>>, vector<16xi32>,
    %add3A_182 = arith.constant 15 : i32
    %add3A_183 = vector.broadcast %add3A_182 : i32 to vector<16xi32>
    %add3A_184 = arith.addi %max3A_19, %add3A_183 : vector<16xi32>
    %jit3A_185 = arith.constant 0 : i32
    %jit3A_186 = arith.constant 99999 : i32
    %max3A_187 = vector.broadcast %jit3A_185 : i32 to vector<16xi32>
    %max3A_188 = arith.maxsi %max3A_187, %add3A_184 : vector<16xi32>
    %min3A_189 = vector.broadcast %jit3A_186 : i32 to vector<16xi32>
    %min3A_190 = arith.minsi %min3A_189, %max3A_188 : vector<16xi32>
    %swap3A_191 = arith.constant 112 : index
    %swap3A_192 = tpu.vector_load %arg26[%swap3A_191] {strides = array<i32>} : memref<128xi32, #tpu.memory_space<vmem>>, vector<16xi32>,
    tpu.vector_store %arg26[%swap3A_191], %min3A_190 {strides = array<i32>} : memref<128xi32, #tpu.memory_space<vmem>>, vector<16xi32>,
    %dma_start3A = arith.constant 0 : i32
    %dma_start3A_193 = tpu.memref_slice %arg27[%dma_start3A] : memref<256xi32, #tpu.memory_space<vmem>> -> memref<128xi32, #tpu.memory_space<vmem>>
    %dma_start3A_194 = arith.constant 0 : i32
    %dma_start3A_195 = tpu.memref_slice %arg2[%dma_start3A_194] : memref<100000xi32, #tpu.memory_space<hbm>> -> memref<100000xi32, #tpu.memory_space<hbm>>
    tpu.enqueue_indirect_dma source(%dma_start3A_195 : memref<100000xi32, #tpu.memory_space<hbm>>) target(%dma_start3A_193 : memref<128xi32, #tpu.memory_space<vmem>>) offsets(%arg25 : memref<128xi32, #tpu.memory_space<vmem>>) semaphore(%arg28 : memref<!tpu.dma_semaphore, #tpu.memory_space<semaphore_mem>>)
    %dma_start3A_196 = arith.constant 128 : i32
    %dma_start3A_197 = tpu.memref_slice %arg27[%dma_start3A_196] : memref<256xi32, #tpu.memory_space<vmem>> -> memref<128xi32, #tpu.memory_space<vmem>>
    %dma_start3A_198 = arith.constant 0 : i32
    %dma_start3A_199 = tpu.memref_slice %arg2[%dma_start3A_198] : memref<100000xi32, #tpu.memory_space<hbm>> -> memref<100000xi32, #tpu.memory_space<hbm>>
    tpu.enqueue_indirect_dma source(%dma_start3A_199 : memref<100000xi32, #tpu.memory_space<hbm>>) target(%dma_start3A_197 : memref<128xi32, #tpu.memory_space<vmem>>) offsets(%arg26 : memref<128xi32, #tpu.memory_space<vmem>>) semaphore(%arg28 : memref<!tpu.dma_semaphore, #tpu.memory_space<semaphore_mem>>)
    %dma_wait3A = arith.constant 0 : i32
    %dma_wait3A_200 = tpu.memref_slice %arg27[%dma_wait3A] : memref<256xi32, #tpu.memory_space<vmem>> -> memref<128xi32, #tpu.memory_space<vmem>>
    %dma_wait3A_201 = arith.constant 0 : i32
    %dma_wait3A_202 = tpu.memref_slice %arg2[%dma_wait3A_201] : memref<100000xi32, #tpu.memory_space<hbm>> -> memref<100000xi32, #tpu.memory_space<hbm>>
    tpu.wait_indirect_dma semaphore(%arg28 : memref<!tpu.dma_semaphore, #tpu.memory_space<semaphore_mem>>) src(%dma_wait3A_202 : memref<100000xi32, #tpu.memory_space<hbm>>) dst(%dma_wait3A_200 : memref<128xi32, #tpu.memory_space<vmem>>)
    %dma_wait3A_203 = arith.constant 128 : i32
    %dma_wait3A_204 = tpu.memref_slice %arg27[%dma_wait3A_203] : memref<256xi32, #tpu.memory_space<vmem>> -> memref<128xi32, #tpu.memory_space<vmem>>
    %dma_wait3A_205 = arith.constant 0 : i32
    %dma_wait3A_206 = tpu.memref_slice %arg2[%dma_wait3A_205] : memref<100000xi32, #tpu.memory_space<hbm>> -> memref<100000xi32, #tpu.memory_space<hbm>>
    tpu.wait_indirect_dma semaphore(%arg28 : memref<!tpu.dma_semaphore, #tpu.memory_space<semaphore_mem>>) src(%dma_wait3A_206 : memref<100000xi32, #tpu.memory_space<hbm>>) dst(%dma_wait3A_204 : memref<128xi32, #tpu.memory_space<vmem>>)
    %broadcast_in_dim3A_207 = arith.constant 0 : i32
    %broadcast_in_dim3A_208 = vector.broadcast %broadcast_in_dim3A_207 : i32 to vector<16xi32>
    %broadcast_in_dim3A_209 = arith.constant 16 : i32
    %broadcast_in_dim3A_210 = vector.broadcast %broadcast_in_dim3A_209 : i32 to vector<16xi32>
    %scan3A_211 = arith.constant 0 : i32
    %scan3A_212 = arith.constant 5 : i32
    %scan3A_213 = arith.addi %scan3A_211, %scan3A_212 : i32
    %scan3A_214 = arith.constant 1 : i32
    %scan3A_215:2 = scf.for %scan3A_668 = %scan3A_211 to %scan3A_213 step %scan3A_214 iter_args(%scan3A_669 = %broadcast_in_dim3A_208, %scan3A_670 = %broadcast_in_dim3A_210) -> (vector<16xi32>, vector<16xi32>)  : i32 {
      %add3A_671 = arith.addi %scan3A_669, %scan3A_670 : vector<16xi32>
      %shift_right_arithmetic3A_672 = arith.constant 1 : i32
      %shift_right_arithmetic3A_673 = vector.broadcast %shift_right_arithmetic3A_672 : i32 to vector<16xi32>
      %shift_right_arithmetic3A_674 = arith.shrsi %add3A_671, %shift_right_arithmetic3A_673 : vector<16xi32>
      %min3A_675 = arith.constant 15 : i32
      %min3A_676 = vector.broadcast %min3A_675 : i32 to vector<16xi32>
      %min3A_677 = arith.minsi %shift_right_arithmetic3A_674, %min3A_676 : vector<16xi32>
      %mul3A_678 = arith.constant 16 : i32
      %mul3A_679 = vector.broadcast %mul3A_678 : i32 to vector<16xi32>
      %mul3A_680 = arith.muli %min3A_677, %mul3A_679 : vector<16xi32>
      %add3A_681 = arith.addi %mul3A_680, %iota3A : vector<16xi32>
      %gather3A = tpu.vector_load_idx %arg27[%add3A_681] : memref<256xi32, #tpu.memory_space<vmem>>[vector<16xi32>], vector<16xi32>,
      %lt3A = arith.cmpi slt, %gather3A, %add3A_4 : vector<16xi32>
      %add3A_682 = arith.constant 1 : i32
      %add3A_683 = vector.broadcast %add3A_682 : i32 to vector<16xi32>
      %add3A_684 = arith.addi %min3A_677, %add3A_683 : vector<16xi32>
      %select_n3A = arith.select %lt3A, %add3A_684, %scan3A_669 : vector<16xi1>, vector<16xi32>
      %select_n3A_685 = arith.select %lt3A, %scan3A_670, %min3A_677 : vector<16xi1>, vector<16xi32>
      scf.yield %select_n3A, %select_n3A_685 : vector<16xi32>, vector<16xi32>
    }
    %scan3A_216 = arith.constant 5 : i32
    %add3A_217 = arith.addi %max3A_19, %scan3A_215#0 : vector<16xi32>
    %min3A_218 = arith.constant 100000 : i32
    %min3A_219 = vector.broadcast %min3A_218 : i32 to vector<16xi32>
    %min3A_220 = arith.minsi %add3A_217, %min3A_219 : vector<16xi32>
    %add3A_221 = arith.constant 1 : i32
    %add3A_222 = vector.broadcast %add3A_221 : i32 to vector<16xi32>
    %add3A_223 = arith.addi %add3A_4, %add3A_222 : vector<16xi32>
    %broadcast_in_dim3A_224 = arith.constant 0 : i32
    %broadcast_in_dim3A_225 = vector.broadcast %broadcast_in_dim3A_224 : i32 to vector<16xi32>
    %broadcast_in_dim3A_226 = arith.constant 6256 : i32
    %broadcast_in_dim3A_227 = vector.broadcast %broadcast_in_dim3A_226 : i32 to vector<16xi32>
    %scan3A_228 = arith.constant 0 : i32
    %scan3A_229 = arith.constant 13 : i32
    %scan3A_230 = arith.addi %scan3A_228, %scan3A_229 : i32
    %scan3A_231 = arith.constant 1 : i32
    %scan3A_232:2 = scf.for %scan3A_668 = %scan3A_228 to %scan3A_230 step %scan3A_231 iter_args(%scan3A_669 = %broadcast_in_dim3A_225, %scan3A_670 = %broadcast_in_dim3A_227) -> (vector<16xi32>, vector<16xi32>)  : i32 {
      %add3A_671 = arith.addi %scan3A_669, %scan3A_670 : vector<16xi32>
      %shift_right_arithmetic3A_672 = arith.constant 1 : i32
      %shift_right_arithmetic3A_673 = vector.broadcast %shift_right_arithmetic3A_672 : i32 to vector<16xi32>
      %shift_right_arithmetic3A_674 = arith.shrsi %add3A_671, %shift_right_arithmetic3A_673 : vector<16xi32>
      %min3A_675 = arith.constant 6255 : i32
      %min3A_676 = vector.broadcast %min3A_675 : i32 to vector<16xi32>
      %min3A_677 = arith.minsi %shift_right_arithmetic3A_674, %min3A_676 : vector<16xi32>
      %gather3A = tpu.vector_load_idx %arg14[%min3A_677] : memref<6256xi32, #tpu.memory_space<vmem>>[vector<16xi32>], vector<16xi32>,
      %lt3A = arith.cmpi slt, %gather3A, %add3A_223 : vector<16xi32>
      %add3A_678 = arith.constant 1 : i32
      %add3A_679 = vector.broadcast %add3A_678 : i32 to vector<16xi32>
      %add3A_680 = arith.addi %min3A_677, %add3A_679 : vector<16xi32>
      %select_n3A = arith.select %lt3A, %add3A_680, %scan3A_669 : vector<16xi1>, vector<16xi32>
      %select_n3A_681 = arith.select %lt3A, %scan3A_670, %min3A_677 : vector<16xi1>, vector<16xi32>
      scf.yield %select_n3A, %select_n3A_681 : vector<16xi32>, vector<16xi32>
    }
    %scan3A_233 = arith.constant 13 : i32
    %mul3A_234 = arith.constant 16 : i32
    %mul3A_235 = vector.broadcast %mul3A_234 : i32 to vector<16xi32>
    %mul3A_236 = arith.muli %mul3A_235, %scan3A_232#0 : vector<16xi32>
    %sub3A_237 = arith.constant 15 : i32
    %sub3A_238 = vector.broadcast %sub3A_237 : i32 to vector<16xi32>
    %sub3A_239 = arith.subi %mul3A_236, %sub3A_238 : vector<16xi32>
    %max3A_240 = arith.constant 0 : i32
    %max3A_241 = vector.broadcast %max3A_240 : i32 to vector<16xi32>
    %max3A_242 = arith.maxsi %sub3A_239, %max3A_241 : vector<16xi32>
    %add3A_243 = arith.constant 0 : i32
    %add3A_244 = vector.broadcast %add3A_243 : i32 to vector<16xi32>
    %add3A_245 = arith.addi %max3A_242, %add3A_244 : vector<16xi32>
    %jit3A_246 = arith.constant 0 : i32
    %jit3A_247 = arith.constant 99999 : i32
    %max3A_248 = vector.broadcast %jit3A_246 : i32 to vector<16xi32>
    %max3A_249 = arith.maxsi %max3A_248, %add3A_245 : vector<16xi32>
    %min3A_250 = vector.broadcast %jit3A_247 : i32 to vector<16xi32>
    %min3A_251 = arith.minsi %min3A_250, %max3A_249 : vector<16xi32>
    %swap3A_252 = arith.constant 0 : index
    %swap3A_253 = tpu.vector_load %arg25[%swap3A_252] {strides = array<i32>} : memref<128xi32, #tpu.memory_space<vmem>>, vector<16xi32>,
    tpu.vector_store %arg25[%swap3A_252], %min3A_251 {strides = array<i32>} : memref<128xi32, #tpu.memory_space<vmem>>, vector<16xi32>,
    %add3A_254 = arith.constant 1 : i32
    %add3A_255 = vector.broadcast %add3A_254 : i32 to vector<16xi32>
    %add3A_256 = arith.addi %max3A_242, %add3A_255 : vector<16xi32>
    %jit3A_257 = arith.constant 0 : i32
    %jit3A_258 = arith.constant 99999 : i32
    %max3A_259 = vector.broadcast %jit3A_257 : i32 to vector<16xi32>
    %max3A_260 = arith.maxsi %max3A_259, %add3A_256 : vector<16xi32>
    %min3A_261 = vector.broadcast %jit3A_258 : i32 to vector<16xi32>
    %min3A_262 = arith.minsi %min3A_261, %max3A_260 : vector<16xi32>
    %swap3A_263 = arith.constant 16 : index
    %swap3A_264 = tpu.vector_load %arg25[%swap3A_263] {strides = array<i32>} : memref<128xi32, #tpu.memory_space<vmem>>, vector<16xi32>,
    tpu.vector_store %arg25[%swap3A_263], %min3A_262 {strides = array<i32>} : memref<128xi32, #tpu.memory_space<vmem>>, vector<16xi32>,
    %add3A_265 = arith.constant 2 : i32
    %add3A_266 = vector.broadcast %add3A_265 : i32 to vector<16xi32>
    %add3A_267 = arith.addi %max3A_242, %add3A_266 : vector<16xi32>
    %jit3A_268 = arith.constant 0 : i32
    %jit3A_269 = arith.constant 99999 : i32
    %max3A_270 = vector.broadcast %jit3A_268 : i32 to vector<16xi32>
    %max3A_271 = arith.maxsi %max3A_270, %add3A_267 : vector<16xi32>
    %min3A_272 = vector.broadcast %jit3A_269 : i32 to vector<16xi32>
    %min3A_273 = arith.minsi %min3A_272, %max3A_271 : vector<16xi32>
    %swap3A_274 = arith.constant 32 : index
    %swap3A_275 = tpu.vector_load %arg25[%swap3A_274] {strides = array<i32>} : memref<128xi32, #tpu.memory_space<vmem>>, vector<16xi32>,
    tpu.vector_store %arg25[%swap3A_274], %min3A_273 {strides = array<i32>} : memref<128xi32, #tpu.memory_space<vmem>>, vector<16xi32>,
    %add3A_276 = arith.constant 3 : i32
    %add3A_277 = vector.broadcast %add3A_276 : i32 to vector<16xi32>
    %add3A_278 = arith.addi %max3A_242, %add3A_277 : vector<16xi32>
    %jit3A_279 = arith.constant 0 : i32
    %jit3A_280 = arith.constant 99999 : i32
    %max3A_281 = vector.broadcast %jit3A_279 : i32 to vector<16xi32>
    %max3A_282 = arith.maxsi %max3A_281, %add3A_278 : vector<16xi32>
    %min3A_283 = vector.broadcast %jit3A_280 : i32 to vector<16xi32>
    %min3A_284 = arith.minsi %min3A_283, %max3A_282 : vector<16xi32>
    %swap3A_285 = arith.constant 48 : index
    %swap3A_286 = tpu.vector_load %arg25[%swap3A_285] {strides = array<i32>} : memref<128xi32, #tpu.memory_space<vmem>>, vector<16xi32>,
    tpu.vector_store %arg25[%swap3A_285], %min3A_284 {strides = array<i32>} : memref<128xi32, #tpu.memory_space<vmem>>, vector<16xi32>,
    %add3A_287 = arith.constant 4 : i32
    %add3A_288 = vector.broadcast %add3A_287 : i32 to vector<16xi32>
    %add3A_289 = arith.addi %max3A_242, %add3A_288 : vector<16xi32>
    %jit3A_290 = arith.constant 0 : i32
    %jit3A_291 = arith.constant 99999 : i32
    %max3A_292 = vector.broadcast %jit3A_290 : i32 to vector<16xi32>
    %max3A_293 = arith.maxsi %max3A_292, %add3A_289 : vector<16xi32>
    %min3A_294 = vector.broadcast %jit3A_291 : i32 to vector<16xi32>
    %min3A_295 = arith.minsi %min3A_294, %max3A_293 : vector<16xi32>
    %swap3A_296 = arith.constant 64 : index
    %swap3A_297 = tpu.vector_load %arg25[%swap3A_296] {strides = array<i32>} : memref<128xi32, #tpu.memory_space<vmem>>, vector<16xi32>,
    tpu.vector_store %arg25[%swap3A_296], %min3A_295 {strides = array<i32>} : memref<128xi32, #tpu.memory_space<vmem>>, vector<16xi32>,
    %add3A_298 = arith.constant 5 : i32
    %add3A_299 = vector.broadcast %add3A_298 : i32 to vector<16xi32>
    %add3A_300 = arith.addi %max3A_242, %add3A_299 : vector<16xi32>
    %jit3A_301 = arith.constant 0 : i32
    %jit3A_302 = arith.constant 99999 : i32
    %max3A_303 = vector.broadcast %jit3A_301 : i32 to vector<16xi32>
    %max3A_304 = arith.maxsi %max3A_303, %add3A_300 : vector<16xi32>
    %min3A_305 = vector.broadcast %jit3A_302 : i32 to vector<16xi32>
    %min3A_306 = arith.minsi %min3A_305, %max3A_304 : vector<16xi32>
    %swap3A_307 = arith.constant 80 : index
    %swap3A_308 = tpu.vector_load %arg25[%swap3A_307] {strides = array<i32>} : memref<128xi32, #tpu.memory_space<vmem>>, vector<16xi32>,
    tpu.vector_store %arg25[%swap3A_307], %min3A_306 {strides = array<i32>} : memref<128xi32, #tpu.memory_space<vmem>>, vector<16xi32>,
    %add3A_309 = arith.constant 6 : i32
    %add3A_310 = vector.broadcast %add3A_309 : i32 to vector<16xi32>
    %add3A_311 = arith.addi %max3A_242, %add3A_310 : vector<16xi32>
    %jit3A_312 = arith.constant 0 : i32
    %jit3A_313 = arith.constant 99999 : i32
    %max3A_314 = vector.broadcast %jit3A_312 : i32 to vector<16xi32>
    %max3A_315 = arith.maxsi %max3A_314, %add3A_311 : vector<16xi32>
    %min3A_316 = vector.broadcast %jit3A_313 : i32 to vector<16xi32>
    %min3A_317 = arith.minsi %min3A_316, %max3A_315 : vector<16xi32>
    %swap3A_318 = arith.constant 96 : index
    %swap3A_319 = tpu.vector_load %arg25[%swap3A_318] {strides = array<i32>} : memref<128xi32, #tpu.memory_space<vmem>>, vector<16xi32>,
    tpu.vector_store %arg25[%swap3A_318], %min3A_317 {strides = array<i32>} : memref<128xi32, #tpu.memory_space<vmem>>, vector<16xi32>,
    %add3A_320 = arith.constant 7 : i32
    %add3A_321 = vector.broadcast %add3A_320 : i32 to vector<16xi32>
    %add3A_322 = arith.addi %max3A_242, %add3A_321 : vector<16xi32>
    %jit3A_323 = arith.constant 0 : i32
    %jit3A_324 = arith.constant 99999 : i32
    %max3A_325 = vector.broadcast %jit3A_323 : i32 to vector<16xi32>
    %max3A_326 = arith.maxsi %max3A_325, %add3A_322 : vector<16xi32>
    %min3A_327 = vector.broadcast %jit3A_324 : i32 to vector<16xi32>
    %min3A_328 = arith.minsi %min3A_327, %max3A_326 : vector<16xi32>
    %swap3A_329 = arith.constant 112 : index
    %swap3A_330 = tpu.vector_load %arg25[%swap3A_329] {strides = array<i32>} : memref<128xi32, #tpu.memory_space<vmem>>, vector<16xi32>,
    tpu.vector_store %arg25[%swap3A_329], %min3A_328 {strides = array<i32>} : memref<128xi32, #tpu.memory_space<vmem>>, vector<16xi32>,
    %add3A_331 = arith.constant 8 : i32
    %add3A_332 = vector.broadcast %add3A_331 : i32 to vector<16xi32>
    %add3A_333 = arith.addi %max3A_242, %add3A_332 : vector<16xi32>
    %jit3A_334 = arith.constant 0 : i32
    %jit3A_335 = arith.constant 99999 : i32
    %max3A_336 = vector.broadcast %jit3A_334 : i32 to vector<16xi32>
    %max3A_337 = arith.maxsi %max3A_336, %add3A_333 : vector<16xi32>
    %min3A_338 = vector.broadcast %jit3A_335 : i32 to vector<16xi32>
    %min3A_339 = arith.minsi %min3A_338, %max3A_337 : vector<16xi32>
    %swap3A_340 = arith.constant 0 : index
    %swap3A_341 = tpu.vector_load %arg26[%swap3A_340] {strides = array<i32>} : memref<128xi32, #tpu.memory_space<vmem>>, vector<16xi32>,
    tpu.vector_store %arg26[%swap3A_340], %min3A_339 {strides = array<i32>} : memref<128xi32, #tpu.memory_space<vmem>>, vector<16xi32>,
    %add3A_342 = arith.constant 9 : i32
    %add3A_343 = vector.broadcast %add3A_342 : i32 to vector<16xi32>
    %add3A_344 = arith.addi %max3A_242, %add3A_343 : vector<16xi32>
    %jit3A_345 = arith.constant 0 : i32
    %jit3A_346 = arith.constant 99999 : i32
    %max3A_347 = vector.broadcast %jit3A_345 : i32 to vector<16xi32>
    %max3A_348 = arith.maxsi %max3A_347, %add3A_344 : vector<16xi32>
    %min3A_349 = vector.broadcast %jit3A_346 : i32 to vector<16xi32>
    %min3A_350 = arith.minsi %min3A_349, %max3A_348 : vector<16xi32>
    %swap3A_351 = arith.constant 16 : index
    %swap3A_352 = tpu.vector_load %arg26[%swap3A_351] {strides = array<i32>} : memref<128xi32, #tpu.memory_space<vmem>>, vector<16xi32>,
    tpu.vector_store %arg26[%swap3A_351], %min3A_350 {strides = array<i32>} : memref<128xi32, #tpu.memory_space<vmem>>, vector<16xi32>,
    %add3A_353 = arith.constant 10 : i32
    %add3A_354 = vector.broadcast %add3A_353 : i32 to vector<16xi32>
    %add3A_355 = arith.addi %max3A_242, %add3A_354 : vector<16xi32>
    %jit3A_356 = arith.constant 0 : i32
    %jit3A_357 = arith.constant 99999 : i32
    %max3A_358 = vector.broadcast %jit3A_356 : i32 to vector<16xi32>
    %max3A_359 = arith.maxsi %max3A_358, %add3A_355 : vector<16xi32>
    %min3A_360 = vector.broadcast %jit3A_357 : i32 to vector<16xi32>
    %min3A_361 = arith.minsi %min3A_360, %max3A_359 : vector<16xi32>
    %swap3A_362 = arith.constant 32 : index
    %swap3A_363 = tpu.vector_load %arg26[%swap3A_362] {strides = array<i32>} : memref<128xi32, #tpu.memory_space<vmem>>, vector<16xi32>,
    tpu.vector_store %arg26[%swap3A_362], %min3A_361 {strides = array<i32>} : memref<128xi32, #tpu.memory_space<vmem>>, vector<16xi32>,
    %add3A_364 = arith.constant 11 : i32
    %add3A_365 = vector.broadcast %add3A_364 : i32 to vector<16xi32>
    %add3A_366 = arith.addi %max3A_242, %add3A_365 : vector<16xi32>
    %jit3A_367 = arith.constant 0 : i32
    %jit3A_368 = arith.constant 99999 : i32
    %max3A_369 = vector.broadcast %jit3A_367 : i32 to vector<16xi32>
    %max3A_370 = arith.maxsi %max3A_369, %add3A_366 : vector<16xi32>
    %min3A_371 = vector.broadcast %jit3A_368 : i32 to vector<16xi32>
    %min3A_372 = arith.minsi %min3A_371, %max3A_370 : vector<16xi32>
    %swap3A_373 = arith.constant 48 : index
    %swap3A_374 = tpu.vector_load %arg26[%swap3A_373] {strides = array<i32>} : memref<128xi32, #tpu.memory_space<vmem>>, vector<16xi32>,
    tpu.vector_store %arg26[%swap3A_373], %min3A_372 {strides = array<i32>} : memref<128xi32, #tpu.memory_space<vmem>>, vector<16xi32>,
    %add3A_375 = arith.constant 12 : i32
    %add3A_376 = vector.broadcast %add3A_375 : i32 to vector<16xi32>
    %add3A_377 = arith.addi %max3A_242, %add3A_376 : vector<16xi32>
    %jit3A_378 = arith.constant 0 : i32
    %jit3A_379 = arith.constant 99999 : i32
    %max3A_380 = vector.broadcast %jit3A_378 : i32 to vector<16xi32>
    %max3A_381 = arith.maxsi %max3A_380, %add3A_377 : vector<16xi32>
    %min3A_382 = vector.broadcast %jit3A_379 : i32 to vector<16xi32>
    %min3A_383 = arith.minsi %min3A_382, %max3A_381 : vector<16xi32>
    %swap3A_384 = arith.constant 64 : index
    %swap3A_385 = tpu.vector_load %arg26[%swap3A_384] {strides = array<i32>} : memref<128xi32, #tpu.memory_space<vmem>>, vector<16xi32>,
    tpu.vector_store %arg26[%swap3A_384], %min3A_383 {strides = array<i32>} : memref<128xi32, #tpu.memory_space<vmem>>, vector<16xi32>,
    %add3A_386 = arith.constant 13 : i32
    %add3A_387 = vector.broadcast %add3A_386 : i32 to vector<16xi32>
    %add3A_388 = arith.addi %max3A_242, %add3A_387 : vector<16xi32>
    %jit3A_389 = arith.constant 0 : i32
    %jit3A_390 = arith.constant 99999 : i32
    %max3A_391 = vector.broadcast %jit3A_389 : i32 to vector<16xi32>
    %max3A_392 = arith.maxsi %max3A_391, %add3A_388 : vector<16xi32>
    %min3A_393 = vector.broadcast %jit3A_390 : i32 to vector<16xi32>
    %min3A_394 = arith.minsi %min3A_393, %max3A_392 : vector<16xi32>
    %swap3A_395 = arith.constant 80 : index
    %swap3A_396 = tpu.vector_load %arg26[%swap3A_395] {strides = array<i32>} : memref<128xi32, #tpu.memory_space<vmem>>, vector<16xi32>,
    tpu.vector_store %arg26[%swap3A_395], %min3A_394 {strides = array<i32>} : memref<128xi32, #tpu.memory_space<vmem>>, vector<16xi32>,
    %add3A_397 = arith.constant 14 : i32
    %add3A_398 = vector.broadcast %add3A_397 : i32 to vector<16xi32>
    %add3A_399 = arith.addi %max3A_242, %add3A_398 : vector<16xi32>
    %jit3A_400 = arith.constant 0 : i32
    %jit3A_401 = arith.constant 99999 : i32
    %max3A_402 = vector.broadcast %jit3A_400 : i32 to vector<16xi32>
    %max3A_403 = arith.maxsi %max3A_402, %add3A_399 : vector<16xi32>
    %min3A_404 = vector.broadcast %jit3A_401 : i32 to vector<16xi32>
    %min3A_405 = arith.minsi %min3A_404, %max3A_403 : vector<16xi32>
    %swap3A_406 = arith.constant 96 : index
    %swap3A_407 = tpu.vector_load %arg26[%swap3A_406] {strides = array<i32>} : memref<128xi32, #tpu.memory_space<vmem>>, vector<16xi32>,
    tpu.vector_store %arg26[%swap3A_406], %min3A_405 {strides = array<i32>} : memref<128xi32, #tpu.memory_space<vmem>>, vector<16xi32>,
    %add3A_408 = arith.constant 15 : i32
    %add3A_409 = vector.broadcast %add3A_408 : i32 to vector<16xi32>
    %add3A_410 = arith.addi %max3A_242, %add3A_409 : vector<16xi32>
    %jit3A_411 = arith.constant 0 : i32
    %jit3A_412 = arith.constant 99999 : i32
    %max3A_413 = vector.broadcast %jit3A_411 : i32 to vector<16xi32>
    %max3A_414 = arith.maxsi %max3A_413, %add3A_410 : vector<16xi32>
    %min3A_415 = vector.broadcast %jit3A_412 : i32 to vector<16xi32>
    %min3A_416 = arith.minsi %min3A_415, %max3A_414 : vector<16xi32>
    %swap3A_417 = arith.constant 112 : index
    %swap3A_418 = tpu.vector_load %arg26[%swap3A_417] {strides = array<i32>} : memref<128xi32, #tpu.memory_space<vmem>>, vector<16xi32>,
    tpu.vector_store %arg26[%swap3A_417], %min3A_416 {strides = array<i32>} : memref<128xi32, #tpu.memory_space<vmem>>, vector<16xi32>,
    %dma_start3A_419 = arith.constant 0 : i32
    %dma_start3A_420 = tpu.memref_slice %arg27[%dma_start3A_419] : memref<256xi32, #tpu.memory_space<vmem>> -> memref<128xi32, #tpu.memory_space<vmem>>
    %dma_start3A_421 = arith.constant 0 : i32
    %dma_start3A_422 = tpu.memref_slice %arg2[%dma_start3A_421] : memref<100000xi32, #tpu.memory_space<hbm>> -> memref<100000xi32, #tpu.memory_space<hbm>>
    tpu.enqueue_indirect_dma source(%dma_start3A_422 : memref<100000xi32, #tpu.memory_space<hbm>>) target(%dma_start3A_420 : memref<128xi32, #tpu.memory_space<vmem>>) offsets(%arg25 : memref<128xi32, #tpu.memory_space<vmem>>) semaphore(%arg28 : memref<!tpu.dma_semaphore, #tpu.memory_space<semaphore_mem>>)
    %dma_start3A_423 = arith.constant 128 : i32
    %dma_start3A_424 = tpu.memref_slice %arg27[%dma_start3A_423] : memref<256xi32, #tpu.memory_space<vmem>> -> memref<128xi32, #tpu.memory_space<vmem>>
    %dma_start3A_425 = arith.constant 0 : i32
    %dma_start3A_426 = tpu.memref_slice %arg2[%dma_start3A_425] : memref<100000xi32, #tpu.memory_space<hbm>> -> memref<100000xi32, #tpu.memory_space<hbm>>
    tpu.enqueue_indirect_dma source(%dma_start3A_426 : memref<100000xi32, #tpu.memory_space<hbm>>) target(%dma_start3A_424 : memref<128xi32, #tpu.memory_space<vmem>>) offsets(%arg26 : memref<128xi32, #tpu.memory_space<vmem>>) semaphore(%arg28 : memref<!tpu.dma_semaphore, #tpu.memory_space<semaphore_mem>>)
    %dma_wait3A_427 = arith.constant 0 : i32
    %dma_wait3A_428 = tpu.memref_slice %arg27[%dma_wait3A_427] : memref<256xi32, #tpu.memory_space<vmem>> -> memref<128xi32, #tpu.memory_space<vmem>>
    %dma_wait3A_429 = arith.constant 0 : i32
    %dma_wait3A_430 = tpu.memref_slice %arg2[%dma_wait3A_429] : memref<100000xi32, #tpu.memory_space<hbm>> -> memref<100000xi32, #tpu.memory_space<hbm>>
    tpu.wait_indirect_dma semaphore(%arg28 : memref<!tpu.dma_semaphore, #tpu.memory_space<semaphore_mem>>) src(%dma_wait3A_430 : memref<100000xi32, #tpu.memory_space<hbm>>) dst(%dma_wait3A_428 : memref<128xi32, #tpu.memory_space<vmem>>)
    %dma_wait3A_431 = arith.constant 128 : i32
    %dma_wait3A_432 = tpu.memref_slice %arg27[%dma_wait3A_431] : memref<256xi32, #tpu.memory_space<vmem>> -> memref<128xi32, #tpu.memory_space<vmem>>
    %dma_wait3A_433 = arith.constant 0 : i32
    %dma_wait3A_434 = tpu.memref_slice %arg2[%dma_wait3A_433] : memref<100000xi32, #tpu.memory_space<hbm>> -> memref<100000xi32, #tpu.memory_space<hbm>>
    tpu.wait_indirect_dma semaphore(%arg28 : memref<!tpu.dma_semaphore, #tpu.memory_space<semaphore_mem>>) src(%dma_wait3A_434 : memref<100000xi32, #tpu.memory_space<hbm>>) dst(%dma_wait3A_432 : memref<128xi32, #tpu.memory_space<vmem>>)
    %broadcast_in_dim3A_435 = arith.constant 0 : i32
    %broadcast_in_dim3A_436 = vector.broadcast %broadcast_in_dim3A_435 : i32 to vector<16xi32>
    %broadcast_in_dim3A_437 = arith.constant 16 : i32
    %broadcast_in_dim3A_438 = vector.broadcast %broadcast_in_dim3A_437 : i32 to vector<16xi32>
    %scan3A_439 = arith.constant 0 : i32
    %scan3A_440 = arith.constant 5 : i32
    %scan3A_441 = arith.addi %scan3A_439, %scan3A_440 : i32
    %scan3A_442 = arith.constant 1 : i32
    %scan3A_443:2 = scf.for %scan3A_668 = %scan3A_439 to %scan3A_441 step %scan3A_442 iter_args(%scan3A_669 = %broadcast_in_dim3A_436, %scan3A_670 = %broadcast_in_dim3A_438) -> (vector<16xi32>, vector<16xi32>)  : i32 {
      %add3A_671 = arith.addi %scan3A_669, %scan3A_670 : vector<16xi32>
      %shift_right_arithmetic3A_672 = arith.constant 1 : i32
      %shift_right_arithmetic3A_673 = vector.broadcast %shift_right_arithmetic3A_672 : i32 to vector<16xi32>
      %shift_right_arithmetic3A_674 = arith.shrsi %add3A_671, %shift_right_arithmetic3A_673 : vector<16xi32>
      %min3A_675 = arith.constant 15 : i32
      %min3A_676 = vector.broadcast %min3A_675 : i32 to vector<16xi32>
      %min3A_677 = arith.minsi %shift_right_arithmetic3A_674, %min3A_676 : vector<16xi32>
      %mul3A_678 = arith.constant 16 : i32
      %mul3A_679 = vector.broadcast %mul3A_678 : i32 to vector<16xi32>
      %mul3A_680 = arith.muli %min3A_677, %mul3A_679 : vector<16xi32>
      %add3A_681 = arith.addi %mul3A_680, %iota3A : vector<16xi32>
      %gather3A = tpu.vector_load_idx %arg27[%add3A_681] : memref<256xi32, #tpu.memory_space<vmem>>[vector<16xi32>], vector<16xi32>,
      %lt3A = arith.cmpi slt, %gather3A, %add3A_223 : vector<16xi32>
      %add3A_682 = arith.constant 1 : i32
      %add3A_683 = vector.broadcast %add3A_682 : i32 to vector<16xi32>
      %add3A_684 = arith.addi %min3A_677, %add3A_683 : vector<16xi32>
      %select_n3A = arith.select %lt3A, %add3A_684, %scan3A_669 : vector<16xi1>, vector<16xi32>
      %select_n3A_685 = arith.select %lt3A, %scan3A_670, %min3A_677 : vector<16xi1>, vector<16xi32>
      scf.yield %select_n3A, %select_n3A_685 : vector<16xi32>, vector<16xi32>
    }
    %scan3A_444 = arith.constant 5 : i32
    %add3A_445 = arith.addi %max3A_242, %scan3A_443#0 : vector<16xi32>
    %min3A_446 = arith.constant 100000 : i32
    %min3A_447 = vector.broadcast %min3A_446 : i32 to vector<16xi32>
    %min3A_448 = arith.minsi %add3A_445, %min3A_447 : vector<16xi32>
    %reduce_min3A = arith.constant true
    %reduce_min3A_449 = vector.broadcast %reduce_min3A : i1 to vector<16xi1>
    %reduce_min3A_450 = arith.constant -2147483648 : i32
    %reduce_min3A_451 = vector.broadcast %reduce_min3A_450 : i32 to vector<16xi32>
    %reduce_min3A_452 = arith.xori %min3A_220, %reduce_min3A_451 : vector<16xi32>
    %reduce_min3A_453 = tpu.scan <min>, %reduce_min3A_452 masked %reduce_min3A_449 : vector<16xi32>, vector<16xi1> -> vector<16xi32>
    %reduce_min3A_454 = arith.xori %reduce_min3A_453, %reduce_min3A_451 : vector<16xi32>
    %reduce_min3A_455 = vector.extract %reduce_min3A_454[15] : i32 from vector<16xi32>
    %shift_right_arithmetic3A = arith.constant 3 : i32
    %shift_right_arithmetic3A_456 = arith.shrsi %reduce_min3A_455, %shift_right_arithmetic3A : i32
    %shift_left3A = arith.constant 3 : i32
    %shift_left3A_457 = arith.shli %shift_right_arithmetic3A_456, %shift_left3A : i32
    %reduce_max3A = arith.constant true
    %reduce_max3A_458 = vector.broadcast %reduce_max3A : i1 to vector<16xi1>
    %reduce_max3A_459 = arith.constant -2147483648 : i32
    %reduce_max3A_460 = vector.broadcast %reduce_max3A_459 : i32 to vector<16xi32>
    %reduce_max3A_461 = arith.xori %min3A_448, %reduce_max3A_460 : vector<16xi32>
    %reduce_max3A_462 = tpu.scan <max>, %reduce_max3A_461 masked %reduce_max3A_458 : vector<16xi32>, vector<16xi1> -> vector<16xi32>
    %reduce_max3A_463 = arith.xori %reduce_max3A_462, %reduce_max3A_460 : vector<16xi32>
    %reduce_max3A_464 = vector.extract %reduce_max3A_463[15] : i32 from vector<16xi32>
    %broadcast_in_dim3A_465 = arith.constant 0.000000e+00 : f32
    %broadcast_in_dim3A_466 = vector.broadcast %broadcast_in_dim3A_465 : f32 to vector<16xf32>
    %broadcast_in_dim3A_467 = arith.constant 0.000000e+00 : f32
    %broadcast_in_dim3A_468 = vector.broadcast %broadcast_in_dim3A_467 : f32 to vector<16xf32>
    %broadcast_in_dim3A_469 = arith.constant 0.000000e+00 : f32
    %broadcast_in_dim3A_470 = vector.broadcast %broadcast_in_dim3A_469 : f32 to vector<16xf32>
    %broadcast_in_dim3A_471 = arith.constant 0.000000e+00 : f32
    %broadcast_in_dim3A_472 = vector.broadcast %broadcast_in_dim3A_471 : f32 to vector<16xf32>
    %broadcast_in_dim3A_473 = arith.constant 0.000000e+00 : f32
    %broadcast_in_dim3A_474 = vector.broadcast %broadcast_in_dim3A_473 : f32 to vector<16xf32>
    %broadcast_in_dim3A_475 = arith.constant 0.000000e+00 : f32
    %broadcast_in_dim3A_476 = vector.broadcast %broadcast_in_dim3A_475 : f32 to vector<16xf32>
    %broadcast_in_dim3A_477 = arith.constant 0.000000e+00 : f32
    %broadcast_in_dim3A_478 = vector.broadcast %broadcast_in_dim3A_477 : f32 to vector<16xf32>
    %broadcast_in_dim3A_479 = arith.constant 0.000000e+00 : f32
    %broadcast_in_dim3A_480 = vector.broadcast %broadcast_in_dim3A_479 : f32 to vector<16xf32>
    %broadcast_in_dim3A_481 = arith.constant 0.000000e+00 : f32
    %broadcast_in_dim3A_482 = vector.broadcast %broadcast_in_dim3A_481 : f32 to vector<16xf32>
    %broadcast_in_dim3A_483 = arith.constant 0.000000e+00 : f32
    %broadcast_in_dim3A_484 = vector.broadcast %broadcast_in_dim3A_483 : f32 to vector<16xf32>
    %broadcast_in_dim3A_485 = arith.constant 0.000000e+00 : f32
    %broadcast_in_dim3A_486 = vector.broadcast %broadcast_in_dim3A_485 : f32 to vector<16xf32>
    %broadcast_in_dim3A_487 = arith.constant 0.000000e+00 : f32
    %broadcast_in_dim3A_488 = vector.broadcast %broadcast_in_dim3A_487 : f32 to vector<16xf32>
    %broadcast_in_dim3A_489 = arith.constant 0.000000e+00 : f32
    %broadcast_in_dim3A_490 = vector.broadcast %broadcast_in_dim3A_489 : f32 to vector<16xf32>
    %broadcast_in_dim3A_491 = arith.constant 0.000000e+00 : f32
    %broadcast_in_dim3A_492 = vector.broadcast %broadcast_in_dim3A_491 : f32 to vector<16xf32>
    %broadcast_in_dim3A_493 = arith.constant 0.000000e+00 : f32
    %broadcast_in_dim3A_494 = vector.broadcast %broadcast_in_dim3A_493 : f32 to vector<16xf32>
    %broadcast_in_dim3A_495 = arith.constant 0.000000e+00 : f32
    %broadcast_in_dim3A_496 = vector.broadcast %broadcast_in_dim3A_495 : f32 to vector<16xf32>
    %broadcast_in_dim3A_497 = arith.constant 0.000000e+00 : f32
    %broadcast_in_dim3A_498 = vector.broadcast %broadcast_in_dim3A_497 : f32 to vector<16xf32>
    %broadcast_in_dim3A_499 = arith.constant 0.000000e+00 : f32
    %broadcast_in_dim3A_500 = vector.broadcast %broadcast_in_dim3A_499 : f32 to vector<16xf32>
    %broadcast_in_dim3A_501 = arith.constant 0.000000e+00 : f32
    %broadcast_in_dim3A_502 = vector.broadcast %broadcast_in_dim3A_501 : f32 to vector<16xf32>
    %broadcast_in_dim3A_503 = arith.constant 0.000000e+00 : f32
    %broadcast_in_dim3A_504 = vector.broadcast %broadcast_in_dim3A_503 : f32 to vector<16xf32>
    %broadcast_in_dim3A_505 = arith.constant 0.000000e+00 : f32
    %broadcast_in_dim3A_506 = vector.broadcast %broadcast_in_dim3A_505 : f32 to vector<16xf32>
    %broadcast_in_dim3A_507 = arith.constant 0.000000e+00 : f32
    %broadcast_in_dim3A_508 = vector.broadcast %broadcast_in_dim3A_507 : f32 to vector<16xf32>
    %broadcast_in_dim3A_509 = arith.constant 0.000000e+00 : f32
    %broadcast_in_dim3A_510 = vector.broadcast %broadcast_in_dim3A_509 : f32 to vector<16xf32>
    %broadcast_in_dim3A_511 = arith.constant 0.000000e+00 : f32
    %broadcast_in_dim3A_512 = vector.broadcast %broadcast_in_dim3A_511 : f32 to vector<16xf32>
    %broadcast_in_dim3A_513 = arith.constant 0.000000e+00 : f32
    %broadcast_in_dim3A_514 = vector.broadcast %broadcast_in_dim3A_513 : f32 to vector<16xf32>
    %broadcast_in_dim3A_515 = arith.constant 0.000000e+00 : f32
    %broadcast_in_dim3A_516 = vector.broadcast %broadcast_in_dim3A_515 : f32 to vector<16xf32>
    %broadcast_in_dim3A_517 = arith.constant 0.000000e+00 : f32
    %broadcast_in_dim3A_518 = vector.broadcast %broadcast_in_dim3A_517 : f32 to vector<16xf32>
    %broadcast_in_dim3A_519 = arith.constant 0.000000e+00 : f32
    %broadcast_in_dim3A_520 = vector.broadcast %broadcast_in_dim3A_519 : f32 to vector<16xf32>
    %broadcast_in_dim3A_521 = arith.constant 0.000000e+00 : f32
    %broadcast_in_dim3A_522 = vector.broadcast %broadcast_in_dim3A_521 : f32 to vector<16xf32>
    %broadcast_in_dim3A_523 = arith.constant 0.000000e+00 : f32
    %broadcast_in_dim3A_524 = vector.broadcast %broadcast_in_dim3A_523 : f32 to vector<16xf32>
    %broadcast_in_dim3A_525 = arith.constant 0.000000e+00 : f32
    %broadcast_in_dim3A_526 = vector.broadcast %broadcast_in_dim3A_525 : f32 to vector<16xf32>
    %broadcast_in_dim3A_527 = arith.constant 0.000000e+00 : f32
    %broadcast_in_dim3A_528 = vector.broadcast %broadcast_in_dim3A_527 : f32 to vector<16xf32>
    %broadcast_in_dim3A_529 = arith.constant 0.000000e+00 : f32
    %broadcast_in_dim3A_530 = vector.broadcast %broadcast_in_dim3A_529 : f32 to vector<16xf32>
    %broadcast_in_dim3A_531 = arith.constant 0.000000e+00 : f32
    %broadcast_in_dim3A_532 = vector.broadcast %broadcast_in_dim3A_531 : f32 to vector<16xf32>
    %broadcast_in_dim3A_533 = arith.constant 0.000000e+00 : f32
    %broadcast_in_dim3A_534 = vector.broadcast %broadcast_in_dim3A_533 : f32 to vector<16xf32>
    %broadcast_in_dim3A_535 = arith.constant 0.000000e+00 : f32
    %broadcast_in_dim3A_536 = vector.broadcast %broadcast_in_dim3A_535 : f32 to vector<16xf32>
    %broadcast_in_dim3A_537 = arith.constant 0.000000e+00 : f32
    %broadcast_in_dim3A_538 = vector.broadcast %broadcast_in_dim3A_537 : f32 to vector<16xf32>
    %broadcast_in_dim3A_539 = arith.constant 0.000000e+00 : f32
    %broadcast_in_dim3A_540 = vector.broadcast %broadcast_in_dim3A_539 : f32 to vector<16xf32>
    %broadcast_in_dim3A_541 = arith.constant 0.000000e+00 : f32
    %broadcast_in_dim3A_542 = vector.broadcast %broadcast_in_dim3A_541 : f32 to vector<16xf32>
    %broadcast_in_dim3A_543 = arith.constant 0.000000e+00 : f32
    %broadcast_in_dim3A_544 = vector.broadcast %broadcast_in_dim3A_543 : f32 to vector<16xf32>
    %broadcast_in_dim3A_545 = arith.constant 0.000000e+00 : f32
    %broadcast_in_dim3A_546 = vector.broadcast %broadcast_in_dim3A_545 : f32 to vector<16xf32>
    %broadcast_in_dim3A_547 = arith.constant 0.000000e+00 : f32
    %broadcast_in_dim3A_548 = vector.broadcast %broadcast_in_dim3A_547 : f32 to vector<16xf32>
    %broadcast_in_dim3A_549 = arith.constant 0.000000e+00 : f32
    %broadcast_in_dim3A_550 = vector.broadcast %broadcast_in_dim3A_549 : f32 to vector<16xf32>
    %broadcast_in_dim3A_551 = arith.constant 0.000000e+00 : f32
    %broadcast_in_dim3A_552 = vector.broadcast %broadcast_in_dim3A_551 : f32 to vector<16xf32>
    %broadcast_in_dim3A_553 = arith.constant 0.000000e+00 : f32
    %broadcast_in_dim3A_554 = vector.broadcast %broadcast_in_dim3A_553 : f32 to vector<16xf32>
    %broadcast_in_dim3A_555 = arith.constant 0.000000e+00 : f32
    %broadcast_in_dim3A_556 = vector.broadcast %broadcast_in_dim3A_555 : f32 to vector<16xf32>
    %broadcast_in_dim3A_557 = arith.constant 0.000000e+00 : f32
    %broadcast_in_dim3A_558 = vector.broadcast %broadcast_in_dim3A_557 : f32 to vector<16xf32>
    %broadcast_in_dim3A_559 = arith.constant 0.000000e+00 : f32
    %broadcast_in_dim3A_560 = vector.broadcast %broadcast_in_dim3A_559 : f32 to vector<16xf32>
    %broadcast_in_dim3A_561 = arith.constant 0.000000e+00 : f32
    %broadcast_in_dim3A_562 = vector.broadcast %broadcast_in_dim3A_561 : f32 to vector<16xf32>
    %while3A:51 = scf.while (%while3A_668 = %shift_left3A_457, %while3A_669 = %min3A_220, %while3A_670 = %broadcast_in_dim3A_466, %while3A_671 = %broadcast_in_dim3A_468, %while3A_672 = %broadcast_in_dim3A_470, %while3A_673 = %broadcast_in_dim3A_472, %while3A_674 = %broadcast_in_dim3A_474, %while3A_675 = %broadcast_in_dim3A_476, %while3A_676 = %broadcast_in_dim3A_478, %while3A_677 = %broadcast_in_dim3A_480, %while3A_678 = %broadcast_in_dim3A_482, %while3A_679 = %broadcast_in_dim3A_484, %while3A_680 = %broadcast_in_dim3A_486, %while3A_681 = %broadcast_in_dim3A_488, %while3A_682 = %broadcast_in_dim3A_490, %while3A_683 = %broadcast_in_dim3A_492, %while3A_684 = %broadcast_in_dim3A_494, %while3A_685 = %broadcast_in_dim3A_496, %while3A_686 = %broadcast_in_dim3A_498, %while3A_687 = %broadcast_in_dim3A_500, %while3A_688 = %broadcast_in_dim3A_502, %while3A_689 = %broadcast_in_dim3A_504, %while3A_690 = %broadcast_in_dim3A_506, %while3A_691 = %broadcast_in_dim3A_508, %while3A_692 = %broadcast_in_dim3A_510, %while3A_693 = %broadcast_in_dim3A_512, %while3A_694 = %broadcast_in_dim3A_514, %while3A_695 = %broadcast_in_dim3A_516, %while3A_696 = %broadcast_in_dim3A_518, %while3A_697 = %broadcast_in_dim3A_520, %while3A_698 = %broadcast_in_dim3A_522, %while3A_699 = %broadcast_in_dim3A_524, %while3A_700 = %broadcast_in_dim3A_526, %while3A_701 = %broadcast_in_dim3A_528, %while3A_702 = %broadcast_in_dim3A_530, %while3A_703 = %broadcast_in_dim3A_532, %while3A_704 = %broadcast_in_dim3A_534, %while3A_705 = %broadcast_in_dim3A_536, %while3A_706 = %broadcast_in_dim3A_538, %while3A_707 = %broadcast_in_dim3A_540, %while3A_708 = %broadcast_in_dim3A_542, %while3A_709 = %broadcast_in_dim3A_544, %while3A_710 = %broadcast_in_dim3A_546, %while3A_711 = %broadcast_in_dim3A_548, %while3A_712 = %broadcast_in_dim3A_550, %while3A_713 = %broadcast_in_dim3A_552, %while3A_714 = %broadcast_in_dim3A_554, %while3A_715 = %broadcast_in_dim3A_556, %while3A_716 = %broadcast_in_dim3A_558, %while3A_717 = %broadcast_in_dim3A_560, %while3A_718 = %broadcast_in_dim3A_562) : (i32, vector<16xi32>, vector<16xf32>, vector<16xf32>, vector<16xf32>, vector<16xf32>, vector<16xf32>, vector<16xf32>, vector<16xf32>, vector<16xf32>, vector<16xf32>, vector<16xf32>, vector<16xf32>, vector<16xf32>, vector<16xf32>, vector<16xf32>, vector<16xf32>, vector<16xf32>, vector<16xf32>, vector<16xf32>, vector<16xf32>, vector<16xf32>, vector<16xf32>, vector<16xf32>, vector<16xf32>, vector<16xf32>, vector<16xf32>, vector<16xf32>, vector<16xf32>, vector<16xf32>, vector<16xf32>, vector<16xf32>, vector<16xf32>, vector<16xf32>, vector<16xf32>, vector<16xf32>, vector<16xf32>, vector<16xf32>, vector<16xf32>, vector<16xf32>, vector<16xf32>, vector<16xf32>, vector<16xf32>, vector<16xf32>, vector<16xf32>, vector<16xf32>, vector<16xf32>, vector<16xf32>, vector<16xf32>, vector<16xf32>, vector<16xf32>) -> (i32, vector<16xi32>, vector<16xf32>, vector<16xf32>, vector<16xf32>, vector<16xf32>, vector<16xf32>, vector<16xf32>, vector<16xf32>, vector<16xf32>, vector<16xf32>, vector<16xf32>, vector<16xf32>, vector<16xf32>, vector<16xf32>, vector<16xf32>, vector<16xf32>, vector<16xf32>, vector<16xf32>, vector<16xf32>, vector<16xf32>, vector<16xf32>, vector<16xf32>, vector<16xf32>, vector<16xf32>, vector<16xf32>, vector<16xf32>, vector<16xf32>, vector<16xf32>, vector<16xf32>, vector<16xf32>, vector<16xf32>, vector<16xf32>, vector<16xf32>, vector<16xf32>, vector<16xf32>, vector<16xf32>, vector<16xf32>, vector<16xf32>, vector<16xf32>, vector<16xf32>, vector<16xf32>, vector<16xf32>, vector<16xf32>, vector<16xf32>, vector<16xf32>, vector<16xf32>, vector<16xf32>, vector<16xf32>, vector<16xf32>, vector<16xf32>) {
      %lt3A = arith.cmpi slt, %while3A_668, %reduce_max3A_464 : i32
      scf.condition(%lt3A) %while3A_668, %while3A_669, %while3A_670, %while3A_671, %while3A_672, %while3A_673, %while3A_674, %while3A_675, %while3A_676, %while3A_677, %while3A_678, %while3A_679, %while3A_680, %while3A_681, %while3A_682, %while3A_683, %while3A_684, %while3A_685, %while3A_686, %while3A_687, %while3A_688, %while3A_689, %while3A_690, %while3A_691, %while3A_692, %while3A_693, %while3A_694, %while3A_695, %while3A_696, %while3A_697, %while3A_698, %while3A_699, %while3A_700, %while3A_701, %while3A_702, %while3A_703, %while3A_704, %while3A_705, %while3A_706, %while3A_707, %while3A_708, %while3A_709, %while3A_710, %while3A_711, %while3A_712, %while3A_713, %while3A_714, %while3A_715, %while3A_716, %while3A_717, %while3A_718 : i32, vector<16xi32>, vector<16xf32>, vector<16xf32>, vector<16xf32>, vector<16xf32>, vector<16xf32>, vector<16xf32>, vector<16xf32>, vector<16xf32>, vector<16xf32>, vector<16xf32>, vector<16xf32>, vector<16xf32>, vector<16xf32>, vector<16xf32>, vector<16xf32>, vector<16xf32>, vector<16xf32>, vector<16xf32>, vector<16xf32>, vector<16xf32>, vector<16xf32>, vector<16xf32>, vector<16xf32>, vector<16xf32>, vector<16xf32>, vector<16xf32>, vector<16xf32>, vector<16xf32>, vector<16xf32>, vector<16xf32>, vector<16xf32>, vector<16xf32>, vector<16xf32>, vector<16xf32>, vector<16xf32>, vector<16xf32>, vector<16xf32>, vector<16xf32>, vector<16xf32>, vector<16xf32>, vector<16xf32>, vector<16xf32>, vector<16xf32>, vector<16xf32>, vector<16xf32>, vector<16xf32>, vector<16xf32>, vector<16xf32>, vector<16xf32>
    } do {
    ^bb0(%while3A_668: i32, %while3A_669: vector<16xi32>, %while3A_670: vector<16xf32>, %while3A_671: vector<16xf32>, %while3A_672: vector<16xf32>, %while3A_673: vector<16xf32>, %while3A_674: vector<16xf32>, %while3A_675: vector<16xf32>, %while3A_676: vector<16xf32>, %while3A_677: vector<16xf32>, %while3A_678: vector<16xf32>, %while3A_679: vector<16xf32>, %while3A_680: vector<16xf32>, %while3A_681: vector<16xf32>, %while3A_682: vector<16xf32>, %while3A_683: vector<16xf32>, %while3A_684: vector<16xf32>, %while3A_685: vector<16xf32>, %while3A_686: vector<16xf32>, %while3A_687: vector<16xf32>, %while3A_688: vector<16xf32>, %while3A_689: vector<16xf32>, %while3A_690: vector<16xf32>, %while3A_691: vector<16xf32>, %while3A_692: vector<16xf32>, %while3A_693: vector<16xf32>, %while3A_694: vector<16xf32>, %while3A_695: vector<16xf32>, %while3A_696: vector<16xf32>, %while3A_697: vector<16xf32>, %while3A_698: vector<16xf32>, %while3A_699: vector<16xf32>, %while3A_700: vector<16xf32>, %while3A_701: vector<16xf32>, %while3A_702: vector<16xf32>, %while3A_703: vector<16xf32>, %while3A_704: vector<16xf32>, %while3A_705: vector<16xf32>, %while3A_706: vector<16xf32>, %while3A_707: vector<16xf32>, %while3A_708: vector<16xf32>, %while3A_709: vector<16xf32>, %while3A_710: vector<16xf32>, %while3A_711: vector<16xf32>, %while3A_712: vector<16xf32>, %while3A_713: vector<16xf32>, %while3A_714: vector<16xf32>, %while3A_715: vector<16xf32>, %while3A_716: vector<16xf32>, %while3A_717: vector<16xf32>, %while3A_718: vector<16xf32>):
      %min3A_719 = arith.constant 91808 : i32
      %min3A_720 = arith.minsi %while3A_668, %min3A_719 : i32
      %multiple_of3A = tpu.assume_multiple %min3A_720, 8 : i32
      %dma_start3A_721 = tpu.memref_slice %arg4[%multiple_of3A] : memref<100000xf32, #tpu.memory_space<hbm>> -> memref<8192xf32, #tpu.memory_space<hbm>>
      %dma_start3A_722 = tpu.memref_slice %arg4[%multiple_of3A] : memref<100000xf32, #tpu.memory_space<hbm>> -> memref<8192xf32, #tpu.memory_space<hbm>>
      tpu.enqueue_dma source(%dma_start3A_722 : memref<8192xf32, #tpu.memory_space<hbm>>) target(%arg15 : memref<8192xf32, #tpu.memory_space<vmem>>) target_semaphore(%arg28 : memref<!tpu.dma_semaphore, #tpu.memory_space<semaphore_mem>>)
      %dma_start3A_723 = tpu.memref_slice %arg5[%multiple_of3A] : memref<100000xf32, #tpu.memory_space<hbm>> -> memref<8192xf32, #tpu.memory_space<hbm>>
      %dma_start3A_724 = tpu.memref_slice %arg5[%multiple_of3A] : memref<100000xf32, #tpu.memory_space<hbm>> -> memref<8192xf32, #tpu.memory_space<hbm>>
      tpu.enqueue_dma source(%dma_start3A_724 : memref<8192xf32, #tpu.memory_space<hbm>>) target(%arg16 : memref<8192xf32, #tpu.memory_space<vmem>>) target_semaphore(%arg28 : memref<!tpu.dma_semaphore, #tpu.memory_space<semaphore_mem>>)
      %dma_start3A_725 = tpu.memref_slice %arg6[%multiple_of3A] : memref<100000xf32, #tpu.memory_space<hbm>> -> memref<8192xf32, #tpu.memory_space<hbm>>
      %dma_start3A_726 = tpu.memref_slice %arg6[%multiple_of3A] : memref<100000xf32, #tpu.memory_space<hbm>> -> memref<8192xf32, #tpu.memory_space<hbm>>
      tpu.enqueue_dma source(%dma_start3A_726 : memref<8192xf32, #tpu.memory_space<hbm>>) target(%arg17 : memref<8192xf32, #tpu.memory_space<vmem>>) target_semaphore(%arg28 : memref<!tpu.dma_semaphore, #tpu.memory_space<semaphore_mem>>)
      %dma_start3A_727 = tpu.memref_slice %arg7[%multiple_of3A] : memref<100000xf32, #tpu.memory_space<hbm>> -> memref<8192xf32, #tpu.memory_space<hbm>>
      %dma_start3A_728 = tpu.memref_slice %arg7[%multiple_of3A] : memref<100000xf32, #tpu.memory_space<hbm>> -> memref<8192xf32, #tpu.memory_space<hbm>>
      tpu.enqueue_dma source(%dma_start3A_728 : memref<8192xf32, #tpu.memory_space<hbm>>) target(%arg18 : memref<8192xf32, #tpu.memory_space<vmem>>) target_semaphore(%arg28 : memref<!tpu.dma_semaphore, #tpu.memory_space<semaphore_mem>>)
      %dma_start3A_729 = tpu.memref_slice %arg8[%multiple_of3A] : memref<100000xf32, #tpu.memory_space<hbm>> -> memref<8192xf32, #tpu.memory_space<hbm>>
      %dma_start3A_730 = tpu.memref_slice %arg8[%multiple_of3A] : memref<100000xf32, #tpu.memory_space<hbm>> -> memref<8192xf32, #tpu.memory_space<hbm>>
      tpu.enqueue_dma source(%dma_start3A_730 : memref<8192xf32, #tpu.memory_space<hbm>>) target(%arg19 : memref<8192xf32, #tpu.memory_space<vmem>>) target_semaphore(%arg28 : memref<!tpu.dma_semaphore, #tpu.memory_space<semaphore_mem>>)
      %dma_start3A_731 = tpu.memref_slice %arg9[%multiple_of3A] : memref<100000xf32, #tpu.memory_space<hbm>> -> memref<8192xf32, #tpu.memory_space<hbm>>
      %dma_start3A_732 = tpu.memref_slice %arg9[%multiple_of3A] : memref<100000xf32, #tpu.memory_space<hbm>> -> memref<8192xf32, #tpu.memory_space<hbm>>
      tpu.enqueue_dma source(%dma_start3A_732 : memref<8192xf32, #tpu.memory_space<hbm>>) target(%arg20 : memref<8192xf32, #tpu.memory_space<vmem>>) target_semaphore(%arg28 : memref<!tpu.dma_semaphore, #tpu.memory_space<semaphore_mem>>)
      %dma_start3A_733 = tpu.memref_slice %arg10[%multiple_of3A] : memref<100000xf32, #tpu.memory_space<hbm>> -> memref<8192xf32, #tpu.memory_space<hbm>>
      %dma_start3A_734 = tpu.memref_slice %arg10[%multiple_of3A] : memref<100000xf32, #tpu.memory_space<hbm>> -> memref<8192xf32, #tpu.memory_space<hbm>>
      tpu.enqueue_dma source(%dma_start3A_734 : memref<8192xf32, #tpu.memory_space<hbm>>) target(%arg21 : memref<8192xf32, #tpu.memory_space<vmem>>) target_semaphore(%arg28 : memref<!tpu.dma_semaphore, #tpu.memory_space<semaphore_mem>>)
      %dma_start3A_735 = tpu.memref_slice %arg11[%multiple_of3A] : memref<100000xf32, #tpu.memory_space<hbm>> -> memref<8192xf32, #tpu.memory_space<hbm>>
      %dma_start3A_736 = tpu.memref_slice %arg11[%multiple_of3A] : memref<100000xf32, #tpu.memory_space<hbm>> -> memref<8192xf32, #tpu.memory_space<hbm>>
      tpu.enqueue_dma source(%dma_start3A_736 : memref<8192xf32, #tpu.memory_space<hbm>>) target(%arg22 : memref<8192xf32, #tpu.memory_space<vmem>>) target_semaphore(%arg28 : memref<!tpu.dma_semaphore, #tpu.memory_space<semaphore_mem>>)
      %dma_start3A_737 = tpu.memref_slice %arg12[%multiple_of3A] : memref<100000xf32, #tpu.memory_space<hbm>> -> memref<8192xf32, #tpu.memory_space<hbm>>
      %dma_start3A_738 = tpu.memref_slice %arg12[%multiple_of3A] : memref<100000xf32, #tpu.memory_space<hbm>> -> memref<8192xf32, #tpu.memory_space<hbm>>
      tpu.enqueue_dma source(%dma_start3A_738 : memref<8192xf32, #tpu.memory_space<hbm>>) target(%arg23 : memref<8192xf32, #tpu.memory_space<vmem>>) target_semaphore(%arg28 : memref<!tpu.dma_semaphore, #tpu.memory_space<semaphore_mem>>)
      %dma_wait3A_739 = tpu.memref_slice %arg4[%multiple_of3A] : memref<100000xf32, #tpu.memory_space<hbm>> -> memref<8192xf32, #tpu.memory_space<hbm>>
      %dma_wait3A_740 = tpu.memref_slice %arg4[%multiple_of3A] : memref<100000xf32, #tpu.memory_space<hbm>> -> memref<8192xf32, #tpu.memory_space<hbm>>
      tpu.wait_dma2 semaphore(%arg28 : memref<!tpu.dma_semaphore, #tpu.memory_space<semaphore_mem>>) src(%dma_wait3A_740 : memref<8192xf32, #tpu.memory_space<hbm>>) dst(%arg15 : memref<8192xf32, #tpu.memory_space<vmem>>)
      %dma_wait3A_741 = tpu.memref_slice %arg5[%multiple_of3A] : memref<100000xf32, #tpu.memory_space<hbm>> -> memref<8192xf32, #tpu.memory_space<hbm>>
      %dma_wait3A_742 = tpu.memref_slice %arg5[%multiple_of3A] : memref<100000xf32, #tpu.memory_space<hbm>> -> memref<8192xf32, #tpu.memory_space<hbm>>
      tpu.wait_dma2 semaphore(%arg28 : memref<!tpu.dma_semaphore, #tpu.memory_space<semaphore_mem>>) src(%dma_wait3A_742 : memref<8192xf32, #tpu.memory_space<hbm>>) dst(%arg16 : memref<8192xf32, #tpu.memory_space<vmem>>)
      %dma_wait3A_743 = tpu.memref_slice %arg6[%multiple_of3A] : memref<100000xf32, #tpu.memory_space<hbm>> -> memref<8192xf32, #tpu.memory_space<hbm>>
      %dma_wait3A_744 = tpu.memref_slice %arg6[%multiple_of3A] : memref<100000xf32, #tpu.memory_space<hbm>> -> memref<8192xf32, #tpu.memory_space<hbm>>
      tpu.wait_dma2 semaphore(%arg28 : memref<!tpu.dma_semaphore, #tpu.memory_space<semaphore_mem>>) src(%dma_wait3A_744 : memref<8192xf32, #tpu.memory_space<hbm>>) dst(%arg17 : memref<8192xf32, #tpu.memory_space<vmem>>)
      %dma_wait3A_745 = tpu.memref_slice %arg7[%multiple_of3A] : memref<100000xf32, #tpu.memory_space<hbm>> -> memref<8192xf32, #tpu.memory_space<hbm>>
      %dma_wait3A_746 = tpu.memref_slice %arg7[%multiple_of3A] : memref<100000xf32, #tpu.memory_space<hbm>> -> memref<8192xf32, #tpu.memory_space<hbm>>
      tpu.wait_dma2 semaphore(%arg28 : memref<!tpu.dma_semaphore, #tpu.memory_space<semaphore_mem>>) src(%dma_wait3A_746 : memref<8192xf32, #tpu.memory_space<hbm>>) dst(%arg18 : memref<8192xf32, #tpu.memory_space<vmem>>)
      %dma_wait3A_747 = tpu.memref_slice %arg8[%multiple_of3A] : memref<100000xf32, #tpu.memory_space<hbm>> -> memref<8192xf32, #tpu.memory_space<hbm>>
      %dma_wait3A_748 = tpu.memref_slice %arg8[%multiple_of3A] : memref<100000xf32, #tpu.memory_space<hbm>> -> memref<8192xf32, #tpu.memory_space<hbm>>
      tpu.wait_dma2 semaphore(%arg28 : memref<!tpu.dma_semaphore, #tpu.memory_space<semaphore_mem>>) src(%dma_wait3A_748 : memref<8192xf32, #tpu.memory_space<hbm>>) dst(%arg19 : memref<8192xf32, #tpu.memory_space<vmem>>)
      %dma_wait3A_749 = tpu.memref_slice %arg9[%multiple_of3A] : memref<100000xf32, #tpu.memory_space<hbm>> -> memref<8192xf32, #tpu.memory_space<hbm>>
      %dma_wait3A_750 = tpu.memref_slice %arg9[%multiple_of3A] : memref<100000xf32, #tpu.memory_space<hbm>> -> memref<8192xf32, #tpu.memory_space<hbm>>
      tpu.wait_dma2 semaphore(%arg28 : memref<!tpu.dma_semaphore, #tpu.memory_space<semaphore_mem>>) src(%dma_wait3A_750 : memref<8192xf32, #tpu.memory_space<hbm>>) dst(%arg20 : memref<8192xf32, #tpu.memory_space<vmem>>)
      %dma_wait3A_751 = tpu.memref_slice %arg10[%multiple_of3A] : memref<100000xf32, #tpu.memory_space<hbm>> -> memref<8192xf32, #tpu.memory_space<hbm>>
      %dma_wait3A_752 = tpu.memref_slice %arg10[%multiple_of3A] : memref<100000xf32, #tpu.memory_space<hbm>> -> memref<8192xf32, #tpu.memory_space<hbm>>
      tpu.wait_dma2 semaphore(%arg28 : memref<!tpu.dma_semaphore, #tpu.memory_space<semaphore_mem>>) src(%dma_wait3A_752 : memref<8192xf32, #tpu.memory_space<hbm>>) dst(%arg21 : memref<8192xf32, #tpu.memory_space<vmem>>)
      %dma_wait3A_753 = tpu.memref_slice %arg11[%multiple_of3A] : memref<100000xf32, #tpu.memory_space<hbm>> -> memref<8192xf32, #tpu.memory_space<hbm>>
      %dma_wait3A_754 = tpu.memref_slice %arg11[%multiple_of3A] : memref<100000xf32, #tpu.memory_space<hbm>> -> memref<8192xf32, #tpu.memory_space<hbm>>
      tpu.wait_dma2 semaphore(%arg28 : memref<!tpu.dma_semaphore, #tpu.memory_space<semaphore_mem>>) src(%dma_wait3A_754 : memref<8192xf32, #tpu.memory_space<hbm>>) dst(%arg22 : memref<8192xf32, #tpu.memory_space<vmem>>)
      %dma_wait3A_755 = tpu.memref_slice %arg12[%multiple_of3A] : memref<100000xf32, #tpu.memory_space<hbm>> -> memref<8192xf32, #tpu.memory_space<hbm>>
      %dma_wait3A_756 = tpu.memref_slice %arg12[%multiple_of3A] : memref<100000xf32, #tpu.memory_space<hbm>> -> memref<8192xf32, #tpu.memory_space<hbm>>
      tpu.wait_dma2 semaphore(%arg28 : memref<!tpu.dma_semaphore, #tpu.memory_space<semaphore_mem>>) src(%dma_wait3A_756 : memref<8192xf32, #tpu.memory_space<hbm>>) dst(%arg23 : memref<8192xf32, #tpu.memory_space<vmem>>)
      %add3A_757 = arith.constant 8192 : i32
      %add3A_758 = arith.addi %while3A_668, %add3A_757 : i32
      %min3A_759 = vector.broadcast %add3A_758 : i32 to vector<16xi32>
      %min3A_760 = arith.minsi %min3A_448, %min3A_759 : vector<16xi32>
      %sub3A_761 = arith.subi %min3A_760, %while3A_669 : vector<16xi32>
      %max3A_762 = arith.constant 0 : i32
      %max3A_763 = vector.broadcast %max3A_762 : i32 to vector<16xi32>
      %max3A_764 = arith.maxsi %sub3A_761, %max3A_763 : vector<16xi32>
      %reduce_max3A_765 = arith.constant true
      %reduce_max3A_766 = vector.broadcast %reduce_max3A_765 : i1 to vector<16xi1>
      %reduce_max3A_767 = arith.constant -2147483648 : i32
      %reduce_max3A_768 = vector.broadcast %reduce_max3A_767 : i32 to vector<16xi32>
      %reduce_max3A_769 = arith.xori %max3A_764, %reduce_max3A_768 : vector<16xi32>
      %reduce_max3A_770 = tpu.scan <max>, %reduce_max3A_769 masked %reduce_max3A_766 : vector<16xi32>, vector<16xi1> -> vector<16xi32>
      %reduce_max3A_771 = arith.xori %reduce_max3A_770, %reduce_max3A_768 : vector<16xi32>
      %reduce_max3A_772 = vector.extract %reduce_max3A_771[15] : i32 from vector<16xi32>
      %while3A_773 = arith.constant 0 : i32
      %while3A_774 = arith.subi %reduce_max3A_772, %while3A_773 : i32
      %while3A_775 = arith.addi %while3A_773, %while3A_774 : i32
      %while3A_776 = arith.constant 1 : i32
      %while3A_777 = arith.divsi %while3A_774, %while3A_776 : i32
      %while3A_778 = arith.muli %while3A_777, %while3A_776 : i32
      %while3A_779 = arith.addi %while3A_773, %while3A_778 : i32
      %while3A_780 = arith.constant 1 : i32
      %while3A_781:50 = scf.for %while3A_786 = %while3A_773 to %while3A_779 step %while3A_780 iter_args(%while3A_787 = %while3A_669, %while3A_788 = %while3A_670, %while3A_789 = %while3A_671, %while3A_790 = %while3A_672, %while3A_791 = %while3A_673, %while3A_792 = %while3A_674, %while3A_793 = %while3A_675, %while3A_794 = %while3A_676, %while3A_795 = %while3A_677, %while3A_796 = %while3A_678, %while3A_797 = %while3A_679, %while3A_798 = %while3A_680, %while3A_799 = %while3A_681, %while3A_800 = %while3A_682, %while3A_801 = %while3A_683, %while3A_802 = %while3A_684, %while3A_803 = %while3A_685, %while3A_804 = %while3A_686, %while3A_805 = %while3A_687, %while3A_806 = %while3A_688, %while3A_807 = %while3A_689, %while3A_808 = %while3A_690, %while3A_809 = %while3A_691, %while3A_810 = %while3A_692, %while3A_811 = %while3A_693, %while3A_812 = %while3A_694, %while3A_813 = %while3A_695, %while3A_814 = %while3A_696, %while3A_815 = %while3A_697, %while3A_816 = %while3A_698, %while3A_817 = %while3A_699, %while3A_818 = %while3A_700, %while3A_819 = %while3A_701, %while3A_820 = %while3A_702, %while3A_821 = %while3A_703, %while3A_822 = %while3A_704, %while3A_823 = %while3A_705, %while3A_824 = %while3A_706, %while3A_825 = %while3A_707, %while3A_826 = %while3A_708, %while3A_827 = %while3A_709, %while3A_828 = %while3A_710, %while3A_829 = %while3A_711, %while3A_830 = %while3A_712, %while3A_831 = %while3A_713, %while3A_832 = %while3A_714, %while3A_833 = %while3A_715, %while3A_834 = %while3A_716, %while3A_835 = %while3A_717, %while3A_836 = %while3A_718) -> (vector<16xi32>, vector<16xf32>, vector<16xf32>, vector<16xf32>, vector<16xf32>, vector<16xf32>, vector<16xf32>, vector<16xf32>, vector<16xf32>, vector<16xf32>, vector<16xf32>, vector<16xf32>, vector<16xf32>, vector<16xf32>, vector<16xf32>, vector<16xf32>, vector<16xf32>, vector<16xf32>, vector<16xf32>, vector<16xf32>, vector<16xf32>, vector<16xf32>, vector<16xf32>, vector<16xf32>, vector<16xf32>, vector<16xf32>, vector<16xf32>, vector<16xf32>, vector<16xf32>, vector<16xf32>, vector<16xf32>, vector<16xf32>, vector<16xf32>, vector<16xf32>, vector<16xf32>, vector<16xf32>, vector<16xf32>, vector<16xf32>, vector<16xf32>, vector<16xf32>, vector<16xf32>, vector<16xf32>, vector<16xf32>, vector<16xf32>, vector<16xf32>, vector<16xf32>, vector<16xf32>, vector<16xf32>, vector<16xf32>, vector<16xf32>)  : i32 {
        %lt3A = arith.cmpi slt, %while3A_787, %min3A_448 : vector<16xi32>
        %lt3A_837 = vector.broadcast %add3A_758 : i32 to vector<16xi32>
        %lt3A_838 = arith.cmpi slt, %while3A_787, %lt3A_837 : vector<16xi32>
        %and3A = arith.andi %lt3A, %lt3A_838 : vector<16xi1>
        %sub3A_839 = vector.broadcast %multiple_of3A : i32 to vector<16xi32>
        %sub3A_840 = arith.subi %while3A_787, %sub3A_839 : vector<16xi32>
        %jit3A_841 = arith.constant 0 : i32
        %jit3A_842 = arith.constant 8191 : i32
        %max3A_843 = vector.broadcast %jit3A_841 : i32 to vector<16xi32>
        %max3A_844 = arith.maxsi %max3A_843, %sub3A_840 : vector<16xi32>
        %min3A_845 = vector.broadcast %jit3A_842 : i32 to vector<16xi32>
        %min3A_846 = arith.minsi %min3A_845, %max3A_844 : vector<16xi32>
        %jit3A_847 = arith.constant 1.000000e+00 : f32
        %jit3A_848 = arith.constant 0.000000e+00 : f32
        %broadcast_in_dim3A_849 = vector.broadcast %jit3A_847 : f32 to vector<16xf32>
        %broadcast_in_dim3A_850 = vector.broadcast %jit3A_848 : f32 to vector<16xf32>
        %select_n3A = arith.select %and3A, %broadcast_in_dim3A_849, %broadcast_in_dim3A_850 : vector<16xi1>, vector<16xf32>
        %gather3A = tpu.vector_load_idx %arg15[%min3A_846] : memref<8192xf32, #tpu.memory_space<vmem>>[vector<16xi32>], vector<16xf32>,
        %mul3A_851 = arith.mulf %gather3A, %select_n3A : vector<16xf32>
        %gather3A_852 = tpu.vector_load_idx %arg16[%min3A_846] : memref<8192xf32, #tpu.memory_space<vmem>>[vector<16xi32>], vector<16xf32>,
        %mul3A_853 = arith.mulf %gather3A_852, %select_n3A : vector<16xf32>
        %gather3A_854 = tpu.vector_load_idx %arg17[%min3A_846] : memref<8192xf32, #tpu.memory_space<vmem>>[vector<16xi32>], vector<16xf32>,
        %mul3A_855 = arith.mulf %gather3A_854, %select_n3A : vector<16xf32>
        %gather3A_856 = tpu.vector_load_idx %arg18[%min3A_846] : memref<8192xf32, #tpu.memory_space<vmem>>[vector<16xi32>], vector<16xf32>,
        %mul3A_857 = arith.mulf %gather3A_856, %select_n3A : vector<16xf32>
        %gather3A_858 = tpu.vector_load_idx %arg19[%min3A_846] : memref<8192xf32, #tpu.memory_space<vmem>>[vector<16xi32>], vector<16xf32>,
        %mul3A_859 = arith.mulf %gather3A_858, %select_n3A : vector<16xf32>
        %gather3A_860 = tpu.vector_load_idx %arg20[%min3A_846] : memref<8192xf32, #tpu.memory_space<vmem>>[vector<16xi32>], vector<16xf32>,
        %mul3A_861 = arith.mulf %gather3A_860, %select_n3A : vector<16xf32>
        %gather3A_862 = tpu.vector_load_idx %arg21[%min3A_846] : memref<8192xf32, #tpu.memory_space<vmem>>[vector<16xi32>], vector<16xf32>,
        %mul3A_863 = arith.mulf %gather3A_862, %select_n3A : vector<16xf32>
        %gather3A_864 = tpu.vector_load_idx %arg22[%min3A_846] : memref<8192xf32, #tpu.memory_space<vmem>>[vector<16xi32>], vector<16xf32>,
        %mul3A_865 = arith.mulf %gather3A_864, %select_n3A : vector<16xf32>
        %gather3A_866 = tpu.vector_load_idx %arg23[%min3A_846] : memref<8192xf32, #tpu.memory_space<vmem>>[vector<16xi32>], vector<16xf32>,
        %mul3A_867 = arith.mulf %gather3A_866, %select_n3A : vector<16xf32>
        %mul3A_868 = arith.mulf %mul3A_857, %mul3A_857 : vector<16xf32>
        %mul3A_869 = arith.mulf %mul3A_857, %mul3A_859 : vector<16xf32>
        %mul3A_870 = arith.mulf %mul3A_857, %mul3A_861 : vector<16xf32>
        %mul3A_871 = arith.mulf %mul3A_859, %mul3A_859 : vector<16xf32>
        %mul3A_872 = arith.mulf %mul3A_859, %mul3A_861 : vector<16xf32>
        %mul3A_873 = arith.mulf %mul3A_861, %mul3A_861 : vector<16xf32>
        %mul3A_874 = arith.mulf %mul3A_851, %mul3A_851 : vector<16xf32>
        %mul3A_875 = arith.mulf %mul3A_851, %mul3A_853 : vector<16xf32>
        %mul3A_876 = arith.mulf %mul3A_851, %mul3A_855 : vector<16xf32>
        %mul3A_877 = arith.mulf %mul3A_853, %mul3A_853 : vector<16xf32>
        %mul3A_878 = arith.mulf %mul3A_853, %mul3A_855 : vector<16xf32>
        %mul3A_879 = arith.mulf %mul3A_855, %mul3A_855 : vector<16xf32>
        %mul3A_880 = arith.mulf %mul3A_851, %mul3A_857 : vector<16xf32>
        %mul3A_881 = arith.mulf %mul3A_851, %mul3A_859 : vector<16xf32>
        %mul3A_882 = arith.mulf %mul3A_851, %mul3A_861 : vector<16xf32>
        %mul3A_883 = arith.mulf %mul3A_853, %mul3A_857 : vector<16xf32>
        %mul3A_884 = arith.mulf %mul3A_853, %mul3A_859 : vector<16xf32>
        %mul3A_885 = arith.mulf %mul3A_853, %mul3A_861 : vector<16xf32>
        %mul3A_886 = arith.mulf %mul3A_855, %mul3A_857 : vector<16xf32>
        %mul3A_887 = arith.mulf %mul3A_855, %mul3A_859 : vector<16xf32>
        %mul3A_888 = arith.mulf %mul3A_855, %mul3A_861 : vector<16xf32>
        %mul3A_889 = arith.mulf %mul3A_857, %mul3A_863 : vector<16xf32>
        %mul3A_890 = arith.mulf %mul3A_857, %mul3A_865 : vector<16xf32>
        %mul3A_891 = arith.mulf %mul3A_857, %mul3A_867 : vector<16xf32>
        %mul3A_892 = arith.mulf %mul3A_859, %mul3A_863 : vector<16xf32>
        %mul3A_893 = arith.mulf %mul3A_859, %mul3A_865 : vector<16xf32>
        %mul3A_894 = arith.mulf %mul3A_859, %mul3A_867 : vector<16xf32>
        %mul3A_895 = arith.mulf %mul3A_861, %mul3A_863 : vector<16xf32>
        %mul3A_896 = arith.mulf %mul3A_861, %mul3A_865 : vector<16xf32>
        %mul3A_897 = arith.mulf %mul3A_861, %mul3A_867 : vector<16xf32>
        %mul3A_898 = arith.mulf %mul3A_851, %mul3A_863 : vector<16xf32>
        %mul3A_899 = arith.mulf %mul3A_851, %mul3A_865 : vector<16xf32>
        %mul3A_900 = arith.mulf %mul3A_851, %mul3A_867 : vector<16xf32>
        %mul3A_901 = arith.mulf %mul3A_853, %mul3A_863 : vector<16xf32>
        %mul3A_902 = arith.mulf %mul3A_853, %mul3A_865 : vector<16xf32>
        %mul3A_903 = arith.mulf %mul3A_853, %mul3A_867 : vector<16xf32>
        %mul3A_904 = arith.mulf %mul3A_855, %mul3A_863 : vector<16xf32>
        %mul3A_905 = arith.mulf %mul3A_855, %mul3A_865 : vector<16xf32>
        %mul3A_906 = arith.mulf %mul3A_855, %mul3A_867 : vector<16xf32>
        %mul3A_907 = arith.mulf %mul3A_863, %mul3A_863 : vector<16xf32>
        %mul3A_908 = arith.mulf %mul3A_865, %mul3A_865 : vector<16xf32>
        %add3A_909 = arith.addf %mul3A_907, %mul3A_908 : vector<16xf32>
        %mul3A_910 = arith.mulf %mul3A_867, %mul3A_867 : vector<16xf32>
        %add3A_911 = arith.addf %add3A_909, %mul3A_910 : vector<16xf32>
        %jit3A_912 = arith.constant 1 : i32
        %jit3A_913 = arith.constant 0 : i32
        %broadcast_in_dim3A_914 = vector.broadcast %jit3A_912 : i32 to vector<16xi32>
        %broadcast_in_dim3A_915 = vector.broadcast %jit3A_913 : i32 to vector<16xi32>
        %select_n3A_916 = arith.select %and3A, %broadcast_in_dim3A_914, %broadcast_in_dim3A_915 : vector<16xi1>, vector<16xi32>
        %add3A_917 = arith.addi %while3A_787, %select_n3A_916 : vector<16xi32>
        %add3A_918 = arith.addf %while3A_788, %mul3A_851 : vector<16xf32>
        %add3A_919 = arith.addf %while3A_789, %mul3A_853 : vector<16xf32>
        %add3A_920 = arith.addf %while3A_790, %mul3A_855 : vector<16xf32>
        %add3A_921 = arith.addf %while3A_791, %mul3A_857 : vector<16xf32>
        %add3A_922 = arith.addf %while3A_792, %mul3A_859 : vector<16xf32>
        %add3A_923 = arith.addf %while3A_793, %mul3A_861 : vector<16xf32>
        %add3A_924 = arith.addf %while3A_794, %mul3A_868 : vector<16xf32>
        %add3A_925 = arith.addf %while3A_795, %mul3A_869 : vector<16xf32>
        %add3A_926 = arith.addf %while3A_796, %mul3A_870 : vector<16xf32>
        %add3A_927 = arith.addf %while3A_797, %mul3A_871 : vector<16xf32>
        %add3A_928 = arith.addf %while3A_798, %mul3A_872 : vector<16xf32>
        %add3A_929 = arith.addf %while3A_799, %mul3A_873 : vector<16xf32>
        %add3A_930 = arith.addf %while3A_800, %mul3A_874 : vector<16xf32>
        %add3A_931 = arith.addf %while3A_801, %mul3A_875 : vector<16xf32>
        %add3A_932 = arith.addf %while3A_802, %mul3A_876 : vector<16xf32>
        %add3A_933 = arith.addf %while3A_803, %mul3A_877 : vector<16xf32>
        %add3A_934 = arith.addf %while3A_804, %mul3A_878 : vector<16xf32>
        %add3A_935 = arith.addf %while3A_805, %mul3A_879 : vector<16xf32>
        %add3A_936 = arith.addf %while3A_806, %mul3A_880 : vector<16xf32>
        %add3A_937 = arith.addf %while3A_807, %mul3A_881 : vector<16xf32>
        %add3A_938 = arith.addf %while3A_808, %mul3A_882 : vector<16xf32>
        %add3A_939 = arith.addf %while3A_809, %mul3A_883 : vector<16xf32>
        %add3A_940 = arith.addf %while3A_810, %mul3A_884 : vector<16xf32>
        %add3A_941 = arith.addf %while3A_811, %mul3A_885 : vector<16xf32>
        %add3A_942 = arith.addf %while3A_812, %mul3A_886 : vector<16xf32>
        %add3A_943 = arith.addf %while3A_813, %mul3A_887 : vector<16xf32>
        %add3A_944 = arith.addf %while3A_814, %mul3A_888 : vector<16xf32>
        %add3A_945 = arith.addf %while3A_815, %mul3A_863 : vector<16xf32>
        %add3A_946 = arith.addf %while3A_816, %mul3A_865 : vector<16xf32>
        %add3A_947 = arith.addf %while3A_817, %mul3A_867 : vector<16xf32>
        %add3A_948 = arith.addf %while3A_818, %mul3A_889 : vector<16xf32>
        %add3A_949 = arith.addf %while3A_819, %mul3A_890 : vector<16xf32>
        %add3A_950 = arith.addf %while3A_820, %mul3A_891 : vector<16xf32>
        %add3A_951 = arith.addf %while3A_821, %mul3A_892 : vector<16xf32>
        %add3A_952 = arith.addf %while3A_822, %mul3A_893 : vector<16xf32>
        %add3A_953 = arith.addf %while3A_823, %mul3A_894 : vector<16xf32>
        %add3A_954 = arith.addf %while3A_824, %mul3A_895 : vector<16xf32>
        %add3A_955 = arith.addf %while3A_825, %mul3A_896 : vector<16xf32>
        %add3A_956 = arith.addf %while3A_826, %mul3A_897 : vector<16xf32>
        %add3A_957 = arith.addf %while3A_827, %mul3A_898 : vector<16xf32>
        %add3A_958 = arith.addf %while3A_828, %mul3A_899 : vector<16xf32>
        %add3A_959 = arith.addf %while3A_829, %mul3A_900 : vector<16xf32>
        %add3A_960 = arith.addf %while3A_830, %mul3A_901 : vector<16xf32>
        %add3A_961 = arith.addf %while3A_831, %mul3A_902 : vector<16xf32>
        %add3A_962 = arith.addf %while3A_832, %mul3A_903 : vector<16xf32>
        %add3A_963 = arith.addf %while3A_833, %mul3A_904 : vector<16xf32>
        %add3A_964 = arith.addf %while3A_834, %mul3A_905 : vector<16xf32>
        %add3A_965 = arith.addf %while3A_835, %mul3A_906 : vector<16xf32>
        %add3A_966 = arith.addf %while3A_836, %add3A_911 : vector<16xf32>
        scf.yield %add3A_917, %add3A_918, %add3A_919, %add3A_920, %add3A_921, %add3A_922, %add3A_923, %add3A_924, %add3A_925, %add3A_926, %add3A_927, %add3A_928, %add3A_929, %add3A_930, %add3A_931, %add3A_932, %add3A_933, %add3A_934, %add3A_935, %add3A_936, %add3A_937, %add3A_938, %add3A_939, %add3A_940, %add3A_941, %add3A_942, %add3A_943, %add3A_944, %add3A_945, %add3A_946, %add3A_947, %add3A_948, %add3A_949, %add3A_950, %add3A_951, %add3A_952, %add3A_953, %add3A_954, %add3A_955, %add3A_956, %add3A_957, %add3A_958, %add3A_959, %add3A_960, %add3A_961, %add3A_962, %add3A_963, %add3A_964, %add3A_965, %add3A_966 : vector<16xi32>, vector<16xf32>, vector<16xf32>, vector<16xf32>, vector<16xf32>, vector<16xf32>, vector<16xf32>, vector<16xf32>, vector<16xf32>, vector<16xf32>, vector<16xf32>, vector<16xf32>, vector<16xf32>, vector<16xf32>, vector<16xf32>, vector<16xf32>, vector<16xf32>, vector<16xf32>, vector<16xf32>, vector<16xf32>, vector<16xf32>, vector<16xf32>, vector<16xf32>, vector<16xf32>, vector<16xf32>, vector<16xf32>, vector<16xf32>, vector<16xf32>, vector<16xf32>, vector<16xf32>, vector<16xf32>, vector<16xf32>, vector<16xf32>, vector<16xf32>, vector<16xf32>, vector<16xf32>, vector<16xf32>, vector<16xf32>, vector<16xf32>, vector<16xf32>, vector<16xf32>, vector<16xf32>, vector<16xf32>, vector<16xf32>, vector<16xf32>, vector<16xf32>, vector<16xf32>, vector<16xf32>, vector<16xf32>, vector<16xf32>
      }
      %while3A_782 = arith.constant 1 : i32
      %while3A_783:50 = scf.for %while3A_786 = %while3A_779 to %while3A_775 step %while3A_782 iter_args(%while3A_787 = %while3A_781#0, %while3A_788 = %while3A_781#1, %while3A_789 = %while3A_781#2, %while3A_790 = %while3A_781#3, %while3A_791 = %while3A_781#4, %while3A_792 = %while3A_781#5, %while3A_793 = %while3A_781#6, %while3A_794 = %while3A_781#7, %while3A_795 = %while3A_781#8, %while3A_796 = %while3A_781#9, %while3A_797 = %while3A_781#10, %while3A_798 = %while3A_781#11, %while3A_799 = %while3A_781#12, %while3A_800 = %while3A_781#13, %while3A_801 = %while3A_781#14, %while3A_802 = %while3A_781#15, %while3A_803 = %while3A_781#16, %while3A_804 = %while3A_781#17, %while3A_805 = %while3A_781#18, %while3A_806 = %while3A_781#19, %while3A_807 = %while3A_781#20, %while3A_808 = %while3A_781#21, %while3A_809 = %while3A_781#22, %while3A_810 = %while3A_781#23, %while3A_811 = %while3A_781#24, %while3A_812 = %while3A_781#25, %while3A_813 = %while3A_781#26, %while3A_814 = %while3A_781#27, %while3A_815 = %while3A_781#28, %while3A_816 = %while3A_781#29, %while3A_817 = %while3A_781#30, %while3A_818 = %while3A_781#31, %while3A_819 = %while3A_781#32, %while3A_820 = %while3A_781#33, %while3A_821 = %while3A_781#34, %while3A_822 = %while3A_781#35, %while3A_823 = %while3A_781#36, %while3A_824 = %while3A_781#37, %while3A_825 = %while3A_781#38, %while3A_826 = %while3A_781#39, %while3A_827 = %while3A_781#40, %while3A_828 = %while3A_781#41, %while3A_829 = %while3A_781#42, %while3A_830 = %while3A_781#43, %while3A_831 = %while3A_781#44, %while3A_832 = %while3A_781#45, %while3A_833 = %while3A_781#46, %while3A_834 = %while3A_781#47, %while3A_835 = %while3A_781#48, %while3A_836 = %while3A_781#49) -> (vector<16xi32>, vector<16xf32>, vector<16xf32>, vector<16xf32>, vector<16xf32>, vector<16xf32>, vector<16xf32>, vector<16xf32>, vector<16xf32>, vector<16xf32>, vector<16xf32>, vector<16xf32>, vector<16xf32>, vector<16xf32>, vector<16xf32>, vector<16xf32>, vector<16xf32>, vector<16xf32>, vector<16xf32>, vector<16xf32>, vector<16xf32>, vector<16xf32>, vector<16xf32>, vector<16xf32>, vector<16xf32>, vector<16xf32>, vector<16xf32>, vector<16xf32>, vector<16xf32>, vector<16xf32>, vector<16xf32>, vector<16xf32>, vector<16xf32>, vector<16xf32>, vector<16xf32>, vector<16xf32>, vector<16xf32>, vector<16xf32>, vector<16xf32>, vector<16xf32>, vector<16xf32>, vector<16xf32>, vector<16xf32>, vector<16xf32>, vector<16xf32>, vector<16xf32>, vector<16xf32>, vector<16xf32>, vector<16xf32>, vector<16xf32>)  : i32 {
        %lt3A = arith.cmpi slt, %while3A_787, %min3A_448 : vector<16xi32>
        %lt3A_837 = vector.broadcast %add3A_758 : i32 to vector<16xi32>
        %lt3A_838 = arith.cmpi slt, %while3A_787, %lt3A_837 : vector<16xi32>
        %and3A = arith.andi %lt3A, %lt3A_838 : vector<16xi1>
        %sub3A_839 = vector.broadcast %multiple_of3A : i32 to vector<16xi32>
        %sub3A_840 = arith.subi %while3A_787, %sub3A_839 : vector<16xi32>
        %jit3A_841 = arith.constant 0 : i32
        %jit3A_842 = arith.constant 8191 : i32
        %max3A_843 = vector.broadcast %jit3A_841 : i32 to vector<16xi32>
        %max3A_844 = arith.maxsi %max3A_843, %sub3A_840 : vector<16xi32>
        %min3A_845 = vector.broadcast %jit3A_842 : i32 to vector<16xi32>
        %min3A_846 = arith.minsi %min3A_845, %max3A_844 : vector<16xi32>
        %jit3A_847 = arith.constant 1.000000e+00 : f32
        %jit3A_848 = arith.constant 0.000000e+00 : f32
        %broadcast_in_dim3A_849 = vector.broadcast %jit3A_847 : f32 to vector<16xf32>
        %broadcast_in_dim3A_850 = vector.broadcast %jit3A_848 : f32 to vector<16xf32>
        %select_n3A = arith.select %and3A, %broadcast_in_dim3A_849, %broadcast_in_dim3A_850 : vector<16xi1>, vector<16xf32>
        %gather3A = tpu.vector_load_idx %arg15[%min3A_846] : memref<8192xf32, #tpu.memory_space<vmem>>[vector<16xi32>], vector<16xf32>,
        %mul3A_851 = arith.mulf %gather3A, %select_n3A : vector<16xf32>
        %gather3A_852 = tpu.vector_load_idx %arg16[%min3A_846] : memref<8192xf32, #tpu.memory_space<vmem>>[vector<16xi32>], vector<16xf32>,
        %mul3A_853 = arith.mulf %gather3A_852, %select_n3A : vector<16xf32>
        %gather3A_854 = tpu.vector_load_idx %arg17[%min3A_846] : memref<8192xf32, #tpu.memory_space<vmem>>[vector<16xi32>], vector<16xf32>,
        %mul3A_855 = arith.mulf %gather3A_854, %select_n3A : vector<16xf32>
        %gather3A_856 = tpu.vector_load_idx %arg18[%min3A_846] : memref<8192xf32, #tpu.memory_space<vmem>>[vector<16xi32>], vector<16xf32>,
        %mul3A_857 = arith.mulf %gather3A_856, %select_n3A : vector<16xf32>
        %gather3A_858 = tpu.vector_load_idx %arg19[%min3A_846] : memref<8192xf32, #tpu.memory_space<vmem>>[vector<16xi32>], vector<16xf32>,
        %mul3A_859 = arith.mulf %gather3A_858, %select_n3A : vector<16xf32>
        %gather3A_860 = tpu.vector_load_idx %arg20[%min3A_846] : memref<8192xf32, #tpu.memory_space<vmem>>[vector<16xi32>], vector<16xf32>,
        %mul3A_861 = arith.mulf %gather3A_860, %select_n3A : vector<16xf32>
        %gather3A_862 = tpu.vector_load_idx %arg21[%min3A_846] : memref<8192xf32, #tpu.memory_space<vmem>>[vector<16xi32>], vector<16xf32>,
        %mul3A_863 = arith.mulf %gather3A_862, %select_n3A : vector<16xf32>
        %gather3A_864 = tpu.vector_load_idx %arg22[%min3A_846] : memref<8192xf32, #tpu.memory_space<vmem>>[vector<16xi32>], vector<16xf32>,
        %mul3A_865 = arith.mulf %gather3A_864, %select_n3A : vector<16xf32>
        %gather3A_866 = tpu.vector_load_idx %arg23[%min3A_846] : memref<8192xf32, #tpu.memory_space<vmem>>[vector<16xi32>], vector<16xf32>,
        %mul3A_867 = arith.mulf %gather3A_866, %select_n3A : vector<16xf32>
        %mul3A_868 = arith.mulf %mul3A_857, %mul3A_857 : vector<16xf32>
        %mul3A_869 = arith.mulf %mul3A_857, %mul3A_859 : vector<16xf32>
        %mul3A_870 = arith.mulf %mul3A_857, %mul3A_861 : vector<16xf32>
        %mul3A_871 = arith.mulf %mul3A_859, %mul3A_859 : vector<16xf32>
        %mul3A_872 = arith.mulf %mul3A_859, %mul3A_861 : vector<16xf32>
        %mul3A_873 = arith.mulf %mul3A_861, %mul3A_861 : vector<16xf32>
        %mul3A_874 = arith.mulf %mul3A_851, %mul3A_851 : vector<16xf32>
        %mul3A_875 = arith.mulf %mul3A_851, %mul3A_853 : vector<16xf32>
        %mul3A_876 = arith.mulf %mul3A_851, %mul3A_855 : vector<16xf32>
        %mul3A_877 = arith.mulf %mul3A_853, %mul3A_853 : vector<16xf32>
        %mul3A_878 = arith.mulf %mul3A_853, %mul3A_855 : vector<16xf32>
        %mul3A_879 = arith.mulf %mul3A_855, %mul3A_855 : vector<16xf32>
        %mul3A_880 = arith.mulf %mul3A_851, %mul3A_857 : vector<16xf32>
        %mul3A_881 = arith.mulf %mul3A_851, %mul3A_859 : vector<16xf32>
        %mul3A_882 = arith.mulf %mul3A_851, %mul3A_861 : vector<16xf32>
        %mul3A_883 = arith.mulf %mul3A_853, %mul3A_857 : vector<16xf32>
        %mul3A_884 = arith.mulf %mul3A_853, %mul3A_859 : vector<16xf32>
        %mul3A_885 = arith.mulf %mul3A_853, %mul3A_861 : vector<16xf32>
        %mul3A_886 = arith.mulf %mul3A_855, %mul3A_857 : vector<16xf32>
        %mul3A_887 = arith.mulf %mul3A_855, %mul3A_859 : vector<16xf32>
        %mul3A_888 = arith.mulf %mul3A_855, %mul3A_861 : vector<16xf32>
        %mul3A_889 = arith.mulf %mul3A_857, %mul3A_863 : vector<16xf32>
        %mul3A_890 = arith.mulf %mul3A_857, %mul3A_865 : vector<16xf32>
        %mul3A_891 = arith.mulf %mul3A_857, %mul3A_867 : vector<16xf32>
        %mul3A_892 = arith.mulf %mul3A_859, %mul3A_863 : vector<16xf32>
        %mul3A_893 = arith.mulf %mul3A_859, %mul3A_865 : vector<16xf32>
        %mul3A_894 = arith.mulf %mul3A_859, %mul3A_867 : vector<16xf32>
        %mul3A_895 = arith.mulf %mul3A_861, %mul3A_863 : vector<16xf32>
        %mul3A_896 = arith.mulf %mul3A_861, %mul3A_865 : vector<16xf32>
        %mul3A_897 = arith.mulf %mul3A_861, %mul3A_867 : vector<16xf32>
        %mul3A_898 = arith.mulf %mul3A_851, %mul3A_863 : vector<16xf32>
        %mul3A_899 = arith.mulf %mul3A_851, %mul3A_865 : vector<16xf32>
        %mul3A_900 = arith.mulf %mul3A_851, %mul3A_867 : vector<16xf32>
        %mul3A_901 = arith.mulf %mul3A_853, %mul3A_863 : vector<16xf32>
        %mul3A_902 = arith.mulf %mul3A_853, %mul3A_865 : vector<16xf32>
        %mul3A_903 = arith.mulf %mul3A_853, %mul3A_867 : vector<16xf32>
        %mul3A_904 = arith.mulf %mul3A_855, %mul3A_863 : vector<16xf32>
        %mul3A_905 = arith.mulf %mul3A_855, %mul3A_865 : vector<16xf32>
        %mul3A_906 = arith.mulf %mul3A_855, %mul3A_867 : vector<16xf32>
        %mul3A_907 = arith.mulf %mul3A_863, %mul3A_863 : vector<16xf32>
        %mul3A_908 = arith.mulf %mul3A_865, %mul3A_865 : vector<16xf32>
        %add3A_909 = arith.addf %mul3A_907, %mul3A_908 : vector<16xf32>
        %mul3A_910 = arith.mulf %mul3A_867, %mul3A_867 : vector<16xf32>
        %add3A_911 = arith.addf %add3A_909, %mul3A_910 : vector<16xf32>
        %jit3A_912 = arith.constant 1 : i32
        %jit3A_913 = arith.constant 0 : i32
        %broadcast_in_dim3A_914 = vector.broadcast %jit3A_912 : i32 to vector<16xi32>
        %broadcast_in_dim3A_915 = vector.broadcast %jit3A_913 : i32 to vector<16xi32>
        %select_n3A_916 = arith.select %and3A, %broadcast_in_dim3A_914, %broadcast_in_dim3A_915 : vector<16xi1>, vector<16xi32>
        %add3A_917 = arith.addi %while3A_787, %select_n3A_916 : vector<16xi32>
        %add3A_918 = arith.addf %while3A_788, %mul3A_851 : vector<16xf32>
        %add3A_919 = arith.addf %while3A_789, %mul3A_853 : vector<16xf32>
        %add3A_920 = arith.addf %while3A_790, %mul3A_855 : vector<16xf32>
        %add3A_921 = arith.addf %while3A_791, %mul3A_857 : vector<16xf32>
        %add3A_922 = arith.addf %while3A_792, %mul3A_859 : vector<16xf32>
        %add3A_923 = arith.addf %while3A_793, %mul3A_861 : vector<16xf32>
        %add3A_924 = arith.addf %while3A_794, %mul3A_868 : vector<16xf32>
        %add3A_925 = arith.addf %while3A_795, %mul3A_869 : vector<16xf32>
        %add3A_926 = arith.addf %while3A_796, %mul3A_870 : vector<16xf32>
        %add3A_927 = arith.addf %while3A_797, %mul3A_871 : vector<16xf32>
        %add3A_928 = arith.addf %while3A_798, %mul3A_872 : vector<16xf32>
        %add3A_929 = arith.addf %while3A_799, %mul3A_873 : vector<16xf32>
        %add3A_930 = arith.addf %while3A_800, %mul3A_874 : vector<16xf32>
        %add3A_931 = arith.addf %while3A_801, %mul3A_875 : vector<16xf32>
        %add3A_932 = arith.addf %while3A_802, %mul3A_876 : vector<16xf32>
        %add3A_933 = arith.addf %while3A_803, %mul3A_877 : vector<16xf32>
        %add3A_934 = arith.addf %while3A_804, %mul3A_878 : vector<16xf32>
        %add3A_935 = arith.addf %while3A_805, %mul3A_879 : vector<16xf32>
        %add3A_936 = arith.addf %while3A_806, %mul3A_880 : vector<16xf32>
        %add3A_937 = arith.addf %while3A_807, %mul3A_881 : vector<16xf32>
        %add3A_938 = arith.addf %while3A_808, %mul3A_882 : vector<16xf32>
        %add3A_939 = arith.addf %while3A_809, %mul3A_883 : vector<16xf32>
        %add3A_940 = arith.addf %while3A_810, %mul3A_884 : vector<16xf32>
        %add3A_941 = arith.addf %while3A_811, %mul3A_885 : vector<16xf32>
        %add3A_942 = arith.addf %while3A_812, %mul3A_886 : vector<16xf32>
        %add3A_943 = arith.addf %while3A_813, %mul3A_887 : vector<16xf32>
        %add3A_944 = arith.addf %while3A_814, %mul3A_888 : vector<16xf32>
        %add3A_945 = arith.addf %while3A_815, %mul3A_863 : vector<16xf32>
        %add3A_946 = arith.addf %while3A_816, %mul3A_865 : vector<16xf32>
        %add3A_947 = arith.addf %while3A_817, %mul3A_867 : vector<16xf32>
        %add3A_948 = arith.addf %while3A_818, %mul3A_889 : vector<16xf32>
        %add3A_949 = arith.addf %while3A_819, %mul3A_890 : vector<16xf32>
        %add3A_950 = arith.addf %while3A_820, %mul3A_891 : vector<16xf32>
        %add3A_951 = arith.addf %while3A_821, %mul3A_892 : vector<16xf32>
        %add3A_952 = arith.addf %while3A_822, %mul3A_893 : vector<16xf32>
        %add3A_953 = arith.addf %while3A_823, %mul3A_894 : vector<16xf32>
        %add3A_954 = arith.addf %while3A_824, %mul3A_895 : vector<16xf32>
        %add3A_955 = arith.addf %while3A_825, %mul3A_896 : vector<16xf32>
        %add3A_956 = arith.addf %while3A_826, %mul3A_897 : vector<16xf32>
        %add3A_957 = arith.addf %while3A_827, %mul3A_898 : vector<16xf32>
        %add3A_958 = arith.addf %while3A_828, %mul3A_899 : vector<16xf32>
        %add3A_959 = arith.addf %while3A_829, %mul3A_900 : vector<16xf32>
        %add3A_960 = arith.addf %while3A_830, %mul3A_901 : vector<16xf32>
        %add3A_961 = arith.addf %while3A_831, %mul3A_902 : vector<16xf32>
        %add3A_962 = arith.addf %while3A_832, %mul3A_903 : vector<16xf32>
        %add3A_963 = arith.addf %while3A_833, %mul3A_904 : vector<16xf32>
        %add3A_964 = arith.addf %while3A_834, %mul3A_905 : vector<16xf32>
        %add3A_965 = arith.addf %while3A_835, %mul3A_906 : vector<16xf32>
        %add3A_966 = arith.addf %while3A_836, %add3A_911 : vector<16xf32>
        scf.yield %add3A_917, %add3A_918, %add3A_919, %add3A_920, %add3A_921, %add3A_922, %add3A_923, %add3A_924, %add3A_925, %add3A_926, %add3A_927, %add3A_928, %add3A_929, %add3A_930, %add3A_931, %add3A_932, %add3A_933, %add3A_934, %add3A_935, %add3A_936, %add3A_937, %add3A_938, %add3A_939, %add3A_940, %add3A_941, %add3A_942, %add3A_943, %add3A_944, %add3A_945, %add3A_946, %add3A_947, %add3A_948, %add3A_949, %add3A_950, %add3A_951, %add3A_952, %add3A_953, %add3A_954, %add3A_955, %add3A_956, %add3A_957, %add3A_958, %add3A_959, %add3A_960, %add3A_961, %add3A_962, %add3A_963, %add3A_964, %add3A_965, %add3A_966 : vector<16xi32>, vector<16xf32>, vector<16xf32>, vector<16xf32>, vector<16xf32>, vector<16xf32>, vector<16xf32>, vector<16xf32>, vector<16xf32>, vector<16xf32>, vector<16xf32>, vector<16xf32>, vector<16xf32>, vector<16xf32>, vector<16xf32>, vector<16xf32>, vector<16xf32>, vector<16xf32>, vector<16xf32>, vector<16xf32>, vector<16xf32>, vector<16xf32>, vector<16xf32>, vector<16xf32>, vector<16xf32>, vector<16xf32>, vector<16xf32>, vector<16xf32>, vector<16xf32>, vector<16xf32>, vector<16xf32>, vector<16xf32>, vector<16xf32>, vector<16xf32>, vector<16xf32>, vector<16xf32>, vector<16xf32>, vector<16xf32>, vector<16xf32>, vector<16xf32>, vector<16xf32>, vector<16xf32>, vector<16xf32>, vector<16xf32>, vector<16xf32>, vector<16xf32>, vector<16xf32>, vector<16xf32>, vector<16xf32>, vector<16xf32>
      }
      %add3A_784 = arith.constant 8192 : i32
      %add3A_785 = arith.addi %while3A_668, %add3A_784 : i32
      scf.yield %add3A_785, %while3A_783#0, %while3A_783#1, %while3A_783#2, %while3A_783#3, %while3A_783#4, %while3A_783#5, %while3A_783#6, %while3A_783#7, %while3A_783#8, %while3A_783#9, %while3A_783#10, %while3A_783#11, %while3A_783#12, %while3A_783#13, %while3A_783#14, %while3A_783#15, %while3A_783#16, %while3A_783#17, %while3A_783#18, %while3A_783#19, %while3A_783#20, %while3A_783#21, %while3A_783#22, %while3A_783#23, %while3A_783#24, %while3A_783#25, %while3A_783#26, %while3A_783#27, %while3A_783#28, %while3A_783#29, %while3A_783#30, %while3A_783#31, %while3A_783#32, %while3A_783#33, %while3A_783#34, %while3A_783#35, %while3A_783#36, %while3A_783#37, %while3A_783#38, %while3A_783#39, %while3A_783#40, %while3A_783#41, %while3A_783#42, %while3A_783#43, %while3A_783#44, %while3A_783#45, %while3A_783#46, %while3A_783#47, %while3A_783#48, %while3A_783#49 : i32, vector<16xi32>, vector<16xf32>, vector<16xf32>, vector<16xf32>, vector<16xf32>, vector<16xf32>, vector<16xf32>, vector<16xf32>, vector<16xf32>, vector<16xf32>, vector<16xf32>, vector<16xf32>, vector<16xf32>, vector<16xf32>, vector<16xf32>, vector<16xf32>, vector<16xf32>, vector<16xf32>, vector<16xf32>, vector<16xf32>, vector<16xf32>, vector<16xf32>, vector<16xf32>, vector<16xf32>, vector<16xf32>, vector<16xf32>, vector<16xf32>, vector<16xf32>, vector<16xf32>, vector<16xf32>, vector<16xf32>, vector<16xf32>, vector<16xf32>, vector<16xf32>, vector<16xf32>, vector<16xf32>, vector<16xf32>, vector<16xf32>, vector<16xf32>, vector<16xf32>, vector<16xf32>, vector<16xf32>, vector<16xf32>, vector<16xf32>, vector<16xf32>, vector<16xf32>, vector<16xf32>, vector<16xf32>, vector<16xf32>, vector<16xf32>
    }
    %sub3A_563 = arith.subi %min3A_448, %min3A_220 : vector<16xi32>
    %convert_element_type3A = arith.sitofp %sub3A_563 : vector<16xi32> to vector<16xf32>
    %swap3A_564 = arith.constant 0 : index
    %swap3A_565 = tpu.vector_load %arg24[%swap3A_564] {strides = array<i32>} : memref<800xf32, #tpu.memory_space<vmem>>, vector<16xf32>,
    tpu.vector_store %arg24[%swap3A_564], %convert_element_type3A {strides = array<i32>} : memref<800xf32, #tpu.memory_space<vmem>>, vector<16xf32>,
    %swap3A_566 = arith.constant 16 : index
    %swap3A_567 = tpu.vector_load %arg24[%swap3A_566] {strides = array<i32>} : memref<800xf32, #tpu.memory_space<vmem>>, vector<16xf32>,
    tpu.vector_store %arg24[%swap3A_566], %while3A#2 {strides = array<i32>} : memref<800xf32, #tpu.memory_space<vmem>>, vector<16xf32>,
    %swap3A_568 = arith.constant 32 : index
    %swap3A_569 = tpu.vector_load %arg24[%swap3A_568] {strides = array<i32>} : memref<800xf32, #tpu.memory_space<vmem>>, vector<16xf32>,
    tpu.vector_store %arg24[%swap3A_568], %while3A#3 {strides = array<i32>} : memref<800xf32, #tpu.memory_space<vmem>>, vector<16xf32>,
    %swap3A_570 = arith.constant 48 : index
    %swap3A_571 = tpu.vector_load %arg24[%swap3A_570] {strides = array<i32>} : memref<800xf32, #tpu.memory_space<vmem>>, vector<16xf32>,
    tpu.vector_store %arg24[%swap3A_570], %while3A#4 {strides = array<i32>} : memref<800xf32, #tpu.memory_space<vmem>>, vector<16xf32>,
    %swap3A_572 = arith.constant 64 : index
    %swap3A_573 = tpu.vector_load %arg24[%swap3A_572] {strides = array<i32>} : memref<800xf32, #tpu.memory_space<vmem>>, vector<16xf32>,
    tpu.vector_store %arg24[%swap3A_572], %while3A#5 {strides = array<i32>} : memref<800xf32, #tpu.memory_space<vmem>>, vector<16xf32>,
    %swap3A_574 = arith.constant 80 : index
    %swap3A_575 = tpu.vector_load %arg24[%swap3A_574] {strides = array<i32>} : memref<800xf32, #tpu.memory_space<vmem>>, vector<16xf32>,
    tpu.vector_store %arg24[%swap3A_574], %while3A#6 {strides = array<i32>} : memref<800xf32, #tpu.memory_space<vmem>>, vector<16xf32>,
    %swap3A_576 = arith.constant 96 : index
    %swap3A_577 = tpu.vector_load %arg24[%swap3A_576] {strides = array<i32>} : memref<800xf32, #tpu.memory_space<vmem>>, vector<16xf32>,
    tpu.vector_store %arg24[%swap3A_576], %while3A#7 {strides = array<i32>} : memref<800xf32, #tpu.memory_space<vmem>>, vector<16xf32>,
    %swap3A_578 = arith.constant 112 : index
    %swap3A_579 = tpu.vector_load %arg24[%swap3A_578] {strides = array<i32>} : memref<800xf32, #tpu.memory_space<vmem>>, vector<16xf32>,
    tpu.vector_store %arg24[%swap3A_578], %while3A#8 {strides = array<i32>} : memref<800xf32, #tpu.memory_space<vmem>>, vector<16xf32>,
    %swap3A_580 = arith.constant 128 : index
    %swap3A_581 = tpu.vector_load %arg24[%swap3A_580] {strides = array<i32>} : memref<800xf32, #tpu.memory_space<vmem>>, vector<16xf32>,
    tpu.vector_store %arg24[%swap3A_580], %while3A#9 {strides = array<i32>} : memref<800xf32, #tpu.memory_space<vmem>>, vector<16xf32>,
    %swap3A_582 = arith.constant 144 : index
    %swap3A_583 = tpu.vector_load %arg24[%swap3A_582] {strides = array<i32>} : memref<800xf32, #tpu.memory_space<vmem>>, vector<16xf32>,
    tpu.vector_store %arg24[%swap3A_582], %while3A#10 {strides = array<i32>} : memref<800xf32, #tpu.memory_space<vmem>>, vector<16xf32>,
    %swap3A_584 = arith.constant 160 : index
    %swap3A_585 = tpu.vector_load %arg24[%swap3A_584] {strides = array<i32>} : memref<800xf32, #tpu.memory_space<vmem>>, vector<16xf32>,
    tpu.vector_store %arg24[%swap3A_584], %while3A#11 {strides = array<i32>} : memref<800xf32, #tpu.memory_space<vmem>>, vector<16xf32>,
    %swap3A_586 = arith.constant 176 : index
    %swap3A_587 = tpu.vector_load %arg24[%swap3A_586] {strides = array<i32>} : memref<800xf32, #tpu.memory_space<vmem>>, vector<16xf32>,
    tpu.vector_store %arg24[%swap3A_586], %while3A#12 {strides = array<i32>} : memref<800xf32, #tpu.memory_space<vmem>>, vector<16xf32>,
    %swap3A_588 = arith.constant 192 : index
    %swap3A_589 = tpu.vector_load %arg24[%swap3A_588] {strides = array<i32>} : memref<800xf32, #tpu.memory_space<vmem>>, vector<16xf32>,
    tpu.vector_store %arg24[%swap3A_588], %while3A#13 {strides = array<i32>} : memref<800xf32, #tpu.memory_space<vmem>>, vector<16xf32>,
    %swap3A_590 = arith.constant 208 : index
    %swap3A_591 = tpu.vector_load %arg24[%swap3A_590] {strides = array<i32>} : memref<800xf32, #tpu.memory_space<vmem>>, vector<16xf32>,
    tpu.vector_store %arg24[%swap3A_590], %while3A#14 {strides = array<i32>} : memref<800xf32, #tpu.memory_space<vmem>>, vector<16xf32>,
    %swap3A_592 = arith.constant 224 : index
    %swap3A_593 = tpu.vector_load %arg24[%swap3A_592] {strides = array<i32>} : memref<800xf32, #tpu.memory_space<vmem>>, vector<16xf32>,
    tpu.vector_store %arg24[%swap3A_592], %while3A#15 {strides = array<i32>} : memref<800xf32, #tpu.memory_space<vmem>>, vector<16xf32>,
    %swap3A_594 = arith.constant 240 : index
    %swap3A_595 = tpu.vector_load %arg24[%swap3A_594] {strides = array<i32>} : memref<800xf32, #tpu.memory_space<vmem>>, vector<16xf32>,
    tpu.vector_store %arg24[%swap3A_594], %while3A#16 {strides = array<i32>} : memref<800xf32, #tpu.memory_space<vmem>>, vector<16xf32>,
    %swap3A_596 = arith.constant 256 : index
    %swap3A_597 = tpu.vector_load %arg24[%swap3A_596] {strides = array<i32>} : memref<800xf32, #tpu.memory_space<vmem>>, vector<16xf32>,
    tpu.vector_store %arg24[%swap3A_596], %while3A#17 {strides = array<i32>} : memref<800xf32, #tpu.memory_space<vmem>>, vector<16xf32>,
    %swap3A_598 = arith.constant 272 : index
    %swap3A_599 = tpu.vector_load %arg24[%swap3A_598] {strides = array<i32>} : memref<800xf32, #tpu.memory_space<vmem>>, vector<16xf32>,
    tpu.vector_store %arg24[%swap3A_598], %while3A#18 {strides = array<i32>} : memref<800xf32, #tpu.memory_space<vmem>>, vector<16xf32>,
    %swap3A_600 = arith.constant 288 : index
    %swap3A_601 = tpu.vector_load %arg24[%swap3A_600] {strides = array<i32>} : memref<800xf32, #tpu.memory_space<vmem>>, vector<16xf32>,
    tpu.vector_store %arg24[%swap3A_600], %while3A#19 {strides = array<i32>} : memref<800xf32, #tpu.memory_space<vmem>>, vector<16xf32>,
    %swap3A_602 = arith.constant 304 : index
    %swap3A_603 = tpu.vector_load %arg24[%swap3A_602] {strides = array<i32>} : memref<800xf32, #tpu.memory_space<vmem>>, vector<16xf32>,
    tpu.vector_store %arg24[%swap3A_602], %while3A#20 {strides = array<i32>} : memref<800xf32, #tpu.memory_space<vmem>>, vector<16xf32>,
    %swap3A_604 = arith.constant 320 : index
    %swap3A_605 = tpu.vector_load %arg24[%swap3A_604] {strides = array<i32>} : memref<800xf32, #tpu.memory_space<vmem>>, vector<16xf32>,
    tpu.vector_store %arg24[%swap3A_604], %while3A#21 {strides = array<i32>} : memref<800xf32, #tpu.memory_space<vmem>>, vector<16xf32>,
    %swap3A_606 = arith.constant 336 : index
    %swap3A_607 = tpu.vector_load %arg24[%swap3A_606] {strides = array<i32>} : memref<800xf32, #tpu.memory_space<vmem>>, vector<16xf32>,
    tpu.vector_store %arg24[%swap3A_606], %while3A#22 {strides = array<i32>} : memref<800xf32, #tpu.memory_space<vmem>>, vector<16xf32>,
    %swap3A_608 = arith.constant 352 : index
    %swap3A_609 = tpu.vector_load %arg24[%swap3A_608] {strides = array<i32>} : memref<800xf32, #tpu.memory_space<vmem>>, vector<16xf32>,
    tpu.vector_store %arg24[%swap3A_608], %while3A#23 {strides = array<i32>} : memref<800xf32, #tpu.memory_space<vmem>>, vector<16xf32>,
    %swap3A_610 = arith.constant 368 : index
    %swap3A_611 = tpu.vector_load %arg24[%swap3A_610] {strides = array<i32>} : memref<800xf32, #tpu.memory_space<vmem>>, vector<16xf32>,
    tpu.vector_store %arg24[%swap3A_610], %while3A#24 {strides = array<i32>} : memref<800xf32, #tpu.memory_space<vmem>>, vector<16xf32>,
    %swap3A_612 = arith.constant 384 : index
    %swap3A_613 = tpu.vector_load %arg24[%swap3A_612] {strides = array<i32>} : memref<800xf32, #tpu.memory_space<vmem>>, vector<16xf32>,
    tpu.vector_store %arg24[%swap3A_612], %while3A#25 {strides = array<i32>} : memref<800xf32, #tpu.memory_space<vmem>>, vector<16xf32>,
    %swap3A_614 = arith.constant 400 : index
    %swap3A_615 = tpu.vector_load %arg24[%swap3A_614] {strides = array<i32>} : memref<800xf32, #tpu.memory_space<vmem>>, vector<16xf32>,
    tpu.vector_store %arg24[%swap3A_614], %while3A#26 {strides = array<i32>} : memref<800xf32, #tpu.memory_space<vmem>>, vector<16xf32>,
    %swap3A_616 = arith.constant 416 : index
    %swap3A_617 = tpu.vector_load %arg24[%swap3A_616] {strides = array<i32>} : memref<800xf32, #tpu.memory_space<vmem>>, vector<16xf32>,
    tpu.vector_store %arg24[%swap3A_616], %while3A#27 {strides = array<i32>} : memref<800xf32, #tpu.memory_space<vmem>>, vector<16xf32>,
    %swap3A_618 = arith.constant 432 : index
    %swap3A_619 = tpu.vector_load %arg24[%swap3A_618] {strides = array<i32>} : memref<800xf32, #tpu.memory_space<vmem>>, vector<16xf32>,
    tpu.vector_store %arg24[%swap3A_618], %while3A#28 {strides = array<i32>} : memref<800xf32, #tpu.memory_space<vmem>>, vector<16xf32>,
    %swap3A_620 = arith.constant 448 : index
    %swap3A_621 = tpu.vector_load %arg24[%swap3A_620] {strides = array<i32>} : memref<800xf32, #tpu.memory_space<vmem>>, vector<16xf32>,
    tpu.vector_store %arg24[%swap3A_620], %while3A#29 {strides = array<i32>} : memref<800xf32, #tpu.memory_space<vmem>>, vector<16xf32>,
    %swap3A_622 = arith.constant 464 : index
    %swap3A_623 = tpu.vector_load %arg24[%swap3A_622] {strides = array<i32>} : memref<800xf32, #tpu.memory_space<vmem>>, vector<16xf32>,
    tpu.vector_store %arg24[%swap3A_622], %while3A#30 {strides = array<i32>} : memref<800xf32, #tpu.memory_space<vmem>>, vector<16xf32>,
    %swap3A_624 = arith.constant 480 : index
    %swap3A_625 = tpu.vector_load %arg24[%swap3A_624] {strides = array<i32>} : memref<800xf32, #tpu.memory_space<vmem>>, vector<16xf32>,
    tpu.vector_store %arg24[%swap3A_624], %while3A#31 {strides = array<i32>} : memref<800xf32, #tpu.memory_space<vmem>>, vector<16xf32>,
    %swap3A_626 = arith.constant 496 : index
    %swap3A_627 = tpu.vector_load %arg24[%swap3A_626] {strides = array<i32>} : memref<800xf32, #tpu.memory_space<vmem>>, vector<16xf32>,
    tpu.vector_store %arg24[%swap3A_626], %while3A#32 {strides = array<i32>} : memref<800xf32, #tpu.memory_space<vmem>>, vector<16xf32>,
    %swap3A_628 = arith.constant 512 : index
    %swap3A_629 = tpu.vector_load %arg24[%swap3A_628] {strides = array<i32>} : memref<800xf32, #tpu.memory_space<vmem>>, vector<16xf32>,
    tpu.vector_store %arg24[%swap3A_628], %while3A#33 {strides = array<i32>} : memref<800xf32, #tpu.memory_space<vmem>>, vector<16xf32>,
    %swap3A_630 = arith.constant 528 : index
    %swap3A_631 = tpu.vector_load %arg24[%swap3A_630] {strides = array<i32>} : memref<800xf32, #tpu.memory_space<vmem>>, vector<16xf32>,
    tpu.vector_store %arg24[%swap3A_630], %while3A#34 {strides = array<i32>} : memref<800xf32, #tpu.memory_space<vmem>>, vector<16xf32>,
    %swap3A_632 = arith.constant 544 : index
    %swap3A_633 = tpu.vector_load %arg24[%swap3A_632] {strides = array<i32>} : memref<800xf32, #tpu.memory_space<vmem>>, vector<16xf32>,
    tpu.vector_store %arg24[%swap3A_632], %while3A#35 {strides = array<i32>} : memref<800xf32, #tpu.memory_space<vmem>>, vector<16xf32>,
    %swap3A_634 = arith.constant 560 : index
    %swap3A_635 = tpu.vector_load %arg24[%swap3A_634] {strides = array<i32>} : memref<800xf32, #tpu.memory_space<vmem>>, vector<16xf32>,
    tpu.vector_store %arg24[%swap3A_634], %while3A#36 {strides = array<i32>} : memref<800xf32, #tpu.memory_space<vmem>>, vector<16xf32>,
    %swap3A_636 = arith.constant 576 : index
    %swap3A_637 = tpu.vector_load %arg24[%swap3A_636] {strides = array<i32>} : memref<800xf32, #tpu.memory_space<vmem>>, vector<16xf32>,
    tpu.vector_store %arg24[%swap3A_636], %while3A#37 {strides = array<i32>} : memref<800xf32, #tpu.memory_space<vmem>>, vector<16xf32>,
    %swap3A_638 = arith.constant 592 : index
    %swap3A_639 = tpu.vector_load %arg24[%swap3A_638] {strides = array<i32>} : memref<800xf32, #tpu.memory_space<vmem>>, vector<16xf32>,
    tpu.vector_store %arg24[%swap3A_638], %while3A#38 {strides = array<i32>} : memref<800xf32, #tpu.memory_space<vmem>>, vector<16xf32>,
    %swap3A_640 = arith.constant 608 : index
    %swap3A_641 = tpu.vector_load %arg24[%swap3A_640] {strides = array<i32>} : memref<800xf32, #tpu.memory_space<vmem>>, vector<16xf32>,
    tpu.vector_store %arg24[%swap3A_640], %while3A#39 {strides = array<i32>} : memref<800xf32, #tpu.memory_space<vmem>>, vector<16xf32>,
    %swap3A_642 = arith.constant 624 : index
    %swap3A_643 = tpu.vector_load %arg24[%swap3A_642] {strides = array<i32>} : memref<800xf32, #tpu.memory_space<vmem>>, vector<16xf32>,
    tpu.vector_store %arg24[%swap3A_642], %while3A#40 {strides = array<i32>} : memref<800xf32, #tpu.memory_space<vmem>>, vector<16xf32>,
    %swap3A_644 = arith.constant 640 : index
    %swap3A_645 = tpu.vector_load %arg24[%swap3A_644] {strides = array<i32>} : memref<800xf32, #tpu.memory_space<vmem>>, vector<16xf32>,
    tpu.vector_store %arg24[%swap3A_644], %while3A#41 {strides = array<i32>} : memref<800xf32, #tpu.memory_space<vmem>>, vector<16xf32>,
    %swap3A_646 = arith.constant 656 : index
    %swap3A_647 = tpu.vector_load %arg24[%swap3A_646] {strides = array<i32>} : memref<800xf32, #tpu.memory_space<vmem>>, vector<16xf32>,
    tpu.vector_store %arg24[%swap3A_646], %while3A#42 {strides = array<i32>} : memref<800xf32, #tpu.memory_space<vmem>>, vector<16xf32>,
    %swap3A_648 = arith.constant 672 : index
    %swap3A_649 = tpu.vector_load %arg24[%swap3A_648] {strides = array<i32>} : memref<800xf32, #tpu.memory_space<vmem>>, vector<16xf32>,
    tpu.vector_store %arg24[%swap3A_648], %while3A#43 {strides = array<i32>} : memref<800xf32, #tpu.memory_space<vmem>>, vector<16xf32>,
    %swap3A_650 = arith.constant 688 : index
    %swap3A_651 = tpu.vector_load %arg24[%swap3A_650] {strides = array<i32>} : memref<800xf32, #tpu.memory_space<vmem>>, vector<16xf32>,
    tpu.vector_store %arg24[%swap3A_650], %while3A#44 {strides = array<i32>} : memref<800xf32, #tpu.memory_space<vmem>>, vector<16xf32>,
    %swap3A_652 = arith.constant 704 : index
    %swap3A_653 = tpu.vector_load %arg24[%swap3A_652] {strides = array<i32>} : memref<800xf32, #tpu.memory_space<vmem>>, vector<16xf32>,
    tpu.vector_store %arg24[%swap3A_652], %while3A#45 {strides = array<i32>} : memref<800xf32, #tpu.memory_space<vmem>>, vector<16xf32>,
    %swap3A_654 = arith.constant 720 : index
    %swap3A_655 = tpu.vector_load %arg24[%swap3A_654] {strides = array<i32>} : memref<800xf32, #tpu.memory_space<vmem>>, vector<16xf32>,
    tpu.vector_store %arg24[%swap3A_654], %while3A#46 {strides = array<i32>} : memref<800xf32, #tpu.memory_space<vmem>>, vector<16xf32>,
    %swap3A_656 = arith.constant 736 : index
    %swap3A_657 = tpu.vector_load %arg24[%swap3A_656] {strides = array<i32>} : memref<800xf32, #tpu.memory_space<vmem>>, vector<16xf32>,
    tpu.vector_store %arg24[%swap3A_656], %while3A#47 {strides = array<i32>} : memref<800xf32, #tpu.memory_space<vmem>>, vector<16xf32>,
    %swap3A_658 = arith.constant 752 : index
    %swap3A_659 = tpu.vector_load %arg24[%swap3A_658] {strides = array<i32>} : memref<800xf32, #tpu.memory_space<vmem>>, vector<16xf32>,
    tpu.vector_store %arg24[%swap3A_658], %while3A#48 {strides = array<i32>} : memref<800xf32, #tpu.memory_space<vmem>>, vector<16xf32>,
    %swap3A_660 = arith.constant 768 : index
    %swap3A_661 = tpu.vector_load %arg24[%swap3A_660] {strides = array<i32>} : memref<800xf32, #tpu.memory_space<vmem>>, vector<16xf32>,
    tpu.vector_store %arg24[%swap3A_660], %while3A#49 {strides = array<i32>} : memref<800xf32, #tpu.memory_space<vmem>>, vector<16xf32>,
    %swap3A_662 = arith.constant 784 : index
    %swap3A_663 = tpu.vector_load %arg24[%swap3A_662] {strides = array<i32>} : memref<800xf32, #tpu.memory_space<vmem>>, vector<16xf32>,
    tpu.vector_store %arg24[%swap3A_662], %while3A#50 {strides = array<i32>} : memref<800xf32, #tpu.memory_space<vmem>>, vector<16xf32>,
    %mul3A_664 = arith.constant 50 : i32
    %mul3A_665 = arith.muli %add3A, %mul3A_664 : i32
    %mul3A_666 = arith.constant 16 : i32
    %mul3A_667 = arith.muli %mul3A_665, %mul3A_666 : i32
    "tpu.region"() ({
      %run_scoped3A = tpu.sem_alloc : memref<!tpu.dma_semaphore, #tpu.memory_space<semaphore_mem>>
      %dma_start3A_668 = tpu.memref_slice %arg13[%mul3A_667] : memref<25600xf32, #tpu.memory_space<hbm>> -> memref<800xf32, #tpu.memory_space<hbm>>
      %dma_start3A_669 = tpu.memref_slice %arg13[%mul3A_667] : memref<25600xf32, #tpu.memory_space<hbm>> -> memref<800xf32, #tpu.memory_space<hbm>>
      tpu.enqueue_dma source(%arg24 : memref<800xf32, #tpu.memory_space<vmem>>) target(%dma_start3A_669 : memref<800xf32, #tpu.memory_space<hbm>>) target_semaphore(%run_scoped3A : memref<!tpu.dma_semaphore, #tpu.memory_space<semaphore_mem>>)
      %dma_wait3A_670 = tpu.memref_slice %arg13[%mul3A_667] : memref<25600xf32, #tpu.memory_space<hbm>> -> memref<800xf32, #tpu.memory_space<hbm>>
      %dma_wait3A_671 = tpu.memref_slice %arg13[%mul3A_667] : memref<25600xf32, #tpu.memory_space<hbm>> -> memref<800xf32, #tpu.memory_space<hbm>>
      tpu.wait_dma2 semaphore(%run_scoped3A : memref<!tpu.dma_semaphore, #tpu.memory_space<semaphore_mem>>) src(%arg24 : memref<800xf32, #tpu.memory_space<vmem>>) dst(%dma_wait3A_671 : memref<800xf32, #tpu.memory_space<hbm>>)
      tpu.yield
    }) : () -> ()
    return
  }
}

module attributes {stable_mosaic.version = 14 : i64} {
  func.func @body(%arg0: memref<50x512xf32, #tpu.memory_space<vmem>>, %arg1: memref<512x128xf32, #tpu.memory_space<vmem>>, %arg2: memref<128x128xf32, #tpu.memory_space<vmem>>, %arg3: memref<1x128xf32, #tpu.memory_space<vmem>>, %arg4: memref<128x128xf32, #tpu.memory_space<vmem>>, %arg5: memref<1x128xf32, #tpu.memory_space<vmem>>, %arg6: memref<1x512xi32, #tpu.memory_space<vmem>>, %arg7: memref<512x1xi32, #tpu.memory_space<vmem>>, %arg8: memref<50x1xf32, #tpu.memory_space<vmem>>, %arg9: memref<1x1xf32, #tpu.memory_space<vmem>>, %arg10: memref<1x1xf32, #tpu.memory_space<vmem>>) attributes {dimension_semantics = [], scalar_prefetch = 0 : i64, scratch_operands = 0 : i64, tpu.core_type = #tpu.core_type<tc>} {
    %get3A = arith.constant 0 : index
    %get3A_0 = arith.constant 0 : index
    %get3A_1 = vector.load %arg0[%get3A, %get3A_0] : memref<50x512xf32, #tpu.memory_space<vmem>>, vector<1x512xf32>
    %get3A_2 = arith.constant 1 : index
    %get3A_3 = arith.constant 0 : index
    %get3A_4 = vector.load %arg0[%get3A_2, %get3A_3] : memref<50x512xf32, #tpu.memory_space<vmem>>, vector<1x512xf32>
    %get3A_5 = arith.constant 2 : index
    %get3A_6 = arith.constant 0 : index
    %get3A_7 = vector.load %arg0[%get3A_5, %get3A_6] : memref<50x512xf32, #tpu.memory_space<vmem>>, vector<1x512xf32>
    %get3A_8 = arith.constant 3 : index
    %get3A_9 = arith.constant 0 : index
    %get3A_10 = vector.load %arg0[%get3A_8, %get3A_9] : memref<50x512xf32, #tpu.memory_space<vmem>>, vector<1x512xf32>
    %get3A_11 = arith.constant 4 : index
    %get3A_12 = arith.constant 0 : index
    %get3A_13 = vector.load %arg0[%get3A_11, %get3A_12] : memref<50x512xf32, #tpu.memory_space<vmem>>, vector<1x512xf32>
    %get3A_14 = arith.constant 5 : index
    %get3A_15 = arith.constant 0 : index
    %get3A_16 = vector.load %arg0[%get3A_14, %get3A_15] : memref<50x512xf32, #tpu.memory_space<vmem>>, vector<1x512xf32>
    %get3A_17 = arith.constant 6 : index
    %get3A_18 = arith.constant 0 : index
    %get3A_19 = vector.load %arg0[%get3A_17, %get3A_18] : memref<50x512xf32, #tpu.memory_space<vmem>>, vector<1x512xf32>
    %get3A_20 = arith.constant 7 : index
    %get3A_21 = arith.constant 0 : index
    %get3A_22 = vector.load %arg0[%get3A_20, %get3A_21] : memref<50x512xf32, #tpu.memory_space<vmem>>, vector<1x512xf32>
    %get3A_23 = arith.constant 8 : index
    %get3A_24 = arith.constant 0 : index
    %get3A_25 = vector.load %arg0[%get3A_23, %get3A_24] : memref<50x512xf32, #tpu.memory_space<vmem>>, vector<1x512xf32>
    %get3A_26 = arith.constant 9 : index
    %get3A_27 = arith.constant 0 : index
    %get3A_28 = vector.load %arg0[%get3A_26, %get3A_27] : memref<50x512xf32, #tpu.memory_space<vmem>>, vector<1x512xf32>
    %get3A_29 = arith.constant 10 : index
    %get3A_30 = arith.constant 0 : index
    %get3A_31 = vector.load %arg0[%get3A_29, %get3A_30] : memref<50x512xf32, #tpu.memory_space<vmem>>, vector<1x512xf32>
    %get3A_32 = arith.constant 11 : index
    %get3A_33 = arith.constant 0 : index
    %get3A_34 = vector.load %arg0[%get3A_32, %get3A_33] : memref<50x512xf32, #tpu.memory_space<vmem>>, vector<1x512xf32>
    %get3A_35 = arith.constant 12 : index
    %get3A_36 = arith.constant 0 : index
    %get3A_37 = vector.load %arg0[%get3A_35, %get3A_36] : memref<50x512xf32, #tpu.memory_space<vmem>>, vector<1x512xf32>
    %get3A_38 = arith.constant 13 : index
    %get3A_39 = arith.constant 0 : index
    %get3A_40 = vector.load %arg0[%get3A_38, %get3A_39] : memref<50x512xf32, #tpu.memory_space<vmem>>, vector<1x512xf32>
    %get3A_41 = arith.constant 14 : index
    %get3A_42 = arith.constant 0 : index
    %get3A_43 = vector.load %arg0[%get3A_41, %get3A_42] : memref<50x512xf32, #tpu.memory_space<vmem>>, vector<1x512xf32>
    %get3A_44 = arith.constant 15 : index
    %get3A_45 = arith.constant 0 : index
    %get3A_46 = vector.load %arg0[%get3A_44, %get3A_45] : memref<50x512xf32, #tpu.memory_space<vmem>>, vector<1x512xf32>
    %get3A_47 = arith.constant 16 : index
    %get3A_48 = arith.constant 0 : index
    %get3A_49 = vector.load %arg0[%get3A_47, %get3A_48] : memref<50x512xf32, #tpu.memory_space<vmem>>, vector<1x512xf32>
    %get3A_50 = arith.constant 17 : index
    %get3A_51 = arith.constant 0 : index
    %get3A_52 = vector.load %arg0[%get3A_50, %get3A_51] : memref<50x512xf32, #tpu.memory_space<vmem>>, vector<1x512xf32>
    %get3A_53 = arith.constant 18 : index
    %get3A_54 = arith.constant 0 : index
    %get3A_55 = vector.load %arg0[%get3A_53, %get3A_54] : memref<50x512xf32, #tpu.memory_space<vmem>>, vector<1x512xf32>
    %get3A_56 = arith.constant 19 : index
    %get3A_57 = arith.constant 0 : index
    %get3A_58 = vector.load %arg0[%get3A_56, %get3A_57] : memref<50x512xf32, #tpu.memory_space<vmem>>, vector<1x512xf32>
    %get3A_59 = arith.constant 20 : index
    %get3A_60 = arith.constant 0 : index
    %get3A_61 = vector.load %arg0[%get3A_59, %get3A_60] : memref<50x512xf32, #tpu.memory_space<vmem>>, vector<1x512xf32>
    %get3A_62 = arith.constant 21 : index
    %get3A_63 = arith.constant 0 : index
    %get3A_64 = vector.load %arg0[%get3A_62, %get3A_63] : memref<50x512xf32, #tpu.memory_space<vmem>>, vector<1x512xf32>
    %get3A_65 = arith.constant 22 : index
    %get3A_66 = arith.constant 0 : index
    %get3A_67 = vector.load %arg0[%get3A_65, %get3A_66] : memref<50x512xf32, #tpu.memory_space<vmem>>, vector<1x512xf32>
    %get3A_68 = arith.constant 23 : index
    %get3A_69 = arith.constant 0 : index
    %get3A_70 = vector.load %arg0[%get3A_68, %get3A_69] : memref<50x512xf32, #tpu.memory_space<vmem>>, vector<1x512xf32>
    %get3A_71 = arith.constant 24 : index
    %get3A_72 = arith.constant 0 : index
    %get3A_73 = vector.load %arg0[%get3A_71, %get3A_72] : memref<50x512xf32, #tpu.memory_space<vmem>>, vector<1x512xf32>
    %get3A_74 = arith.constant 25 : index
    %get3A_75 = arith.constant 0 : index
    %get3A_76 = vector.load %arg0[%get3A_74, %get3A_75] : memref<50x512xf32, #tpu.memory_space<vmem>>, vector<1x512xf32>
    %get3A_77 = arith.constant 26 : index
    %get3A_78 = arith.constant 0 : index
    %get3A_79 = vector.load %arg0[%get3A_77, %get3A_78] : memref<50x512xf32, #tpu.memory_space<vmem>>, vector<1x512xf32>
    %get3A_80 = arith.constant 27 : index
    %get3A_81 = arith.constant 0 : index
    %get3A_82 = vector.load %arg0[%get3A_80, %get3A_81] : memref<50x512xf32, #tpu.memory_space<vmem>>, vector<1x512xf32>
    %get3A_83 = arith.constant 28 : index
    %get3A_84 = arith.constant 0 : index
    %get3A_85 = vector.load %arg0[%get3A_83, %get3A_84] : memref<50x512xf32, #tpu.memory_space<vmem>>, vector<1x512xf32>
    %get3A_86 = arith.constant 29 : index
    %get3A_87 = arith.constant 0 : index
    %get3A_88 = vector.load %arg0[%get3A_86, %get3A_87] : memref<50x512xf32, #tpu.memory_space<vmem>>, vector<1x512xf32>
    %get3A_89 = arith.constant 30 : index
    %get3A_90 = arith.constant 0 : index
    %get3A_91 = vector.load %arg0[%get3A_89, %get3A_90] : memref<50x512xf32, #tpu.memory_space<vmem>>, vector<1x512xf32>
    %get3A_92 = arith.constant 31 : index
    %get3A_93 = arith.constant 0 : index
    %get3A_94 = vector.load %arg0[%get3A_92, %get3A_93] : memref<50x512xf32, #tpu.memory_space<vmem>>, vector<1x512xf32>
    %get3A_95 = arith.constant 32 : index
    %get3A_96 = arith.constant 0 : index
    %get3A_97 = vector.load %arg0[%get3A_95, %get3A_96] : memref<50x512xf32, #tpu.memory_space<vmem>>, vector<1x512xf32>
    %get3A_98 = arith.constant 33 : index
    %get3A_99 = arith.constant 0 : index
    %get3A_100 = vector.load %arg0[%get3A_98, %get3A_99] : memref<50x512xf32, #tpu.memory_space<vmem>>, vector<1x512xf32>
    %get3A_101 = arith.constant 34 : index
    %get3A_102 = arith.constant 0 : index
    %get3A_103 = vector.load %arg0[%get3A_101, %get3A_102] : memref<50x512xf32, #tpu.memory_space<vmem>>, vector<1x512xf32>
    %get3A_104 = arith.constant 35 : index
    %get3A_105 = arith.constant 0 : index
    %get3A_106 = vector.load %arg0[%get3A_104, %get3A_105] : memref<50x512xf32, #tpu.memory_space<vmem>>, vector<1x512xf32>
    %get3A_107 = arith.constant 36 : index
    %get3A_108 = arith.constant 0 : index
    %get3A_109 = vector.load %arg0[%get3A_107, %get3A_108] : memref<50x512xf32, #tpu.memory_space<vmem>>, vector<1x512xf32>
    %get3A_110 = arith.constant 37 : index
    %get3A_111 = arith.constant 0 : index
    %get3A_112 = vector.load %arg0[%get3A_110, %get3A_111] : memref<50x512xf32, #tpu.memory_space<vmem>>, vector<1x512xf32>
    %get3A_113 = arith.constant 38 : index
    %get3A_114 = arith.constant 0 : index
    %get3A_115 = vector.load %arg0[%get3A_113, %get3A_114] : memref<50x512xf32, #tpu.memory_space<vmem>>, vector<1x512xf32>
    %get3A_116 = arith.constant 39 : index
    %get3A_117 = arith.constant 0 : index
    %get3A_118 = vector.load %arg0[%get3A_116, %get3A_117] : memref<50x512xf32, #tpu.memory_space<vmem>>, vector<1x512xf32>
    %get3A_119 = arith.constant 40 : index
    %get3A_120 = arith.constant 0 : index
    %get3A_121 = vector.load %arg0[%get3A_119, %get3A_120] : memref<50x512xf32, #tpu.memory_space<vmem>>, vector<1x512xf32>
    %get3A_122 = arith.constant 41 : index
    %get3A_123 = arith.constant 0 : index
    %get3A_124 = vector.load %arg0[%get3A_122, %get3A_123] : memref<50x512xf32, #tpu.memory_space<vmem>>, vector<1x512xf32>
    %get3A_125 = arith.constant 42 : index
    %get3A_126 = arith.constant 0 : index
    %get3A_127 = vector.load %arg0[%get3A_125, %get3A_126] : memref<50x512xf32, #tpu.memory_space<vmem>>, vector<1x512xf32>
    %get3A_128 = arith.constant 43 : index
    %get3A_129 = arith.constant 0 : index
    %get3A_130 = vector.load %arg0[%get3A_128, %get3A_129] : memref<50x512xf32, #tpu.memory_space<vmem>>, vector<1x512xf32>
    %get3A_131 = arith.constant 44 : index
    %get3A_132 = arith.constant 0 : index
    %get3A_133 = vector.load %arg0[%get3A_131, %get3A_132] : memref<50x512xf32, #tpu.memory_space<vmem>>, vector<1x512xf32>
    %get3A_134 = arith.constant 45 : index
    %get3A_135 = arith.constant 0 : index
    %get3A_136 = vector.load %arg0[%get3A_134, %get3A_135] : memref<50x512xf32, #tpu.memory_space<vmem>>, vector<1x512xf32>
    %get3A_137 = arith.constant 46 : index
    %get3A_138 = arith.constant 0 : index
    %get3A_139 = vector.load %arg0[%get3A_137, %get3A_138] : memref<50x512xf32, #tpu.memory_space<vmem>>, vector<1x512xf32>
    %get3A_140 = arith.constant 47 : index
    %get3A_141 = arith.constant 0 : index
    %get3A_142 = vector.load %arg0[%get3A_140, %get3A_141] : memref<50x512xf32, #tpu.memory_space<vmem>>, vector<1x512xf32>
    %get3A_143 = arith.constant 48 : index
    %get3A_144 = arith.constant 0 : index
    %get3A_145 = vector.load %arg0[%get3A_143, %get3A_144] : memref<50x512xf32, #tpu.memory_space<vmem>>, vector<1x512xf32>
    %get3A_146 = arith.constant 49 : index
    %get3A_147 = arith.constant 0 : index
    %get3A_148 = vector.load %arg0[%get3A_146, %get3A_147] : memref<50x512xf32, #tpu.memory_space<vmem>>, vector<1x512xf32>
    %sub3A = arith.subf %get3A_85, %get3A_13 : vector<1x512xf32>
    %sub3A_149 = arith.subf %get3A_88, %get3A_16 : vector<1x512xf32>
    %sub3A_150 = arith.subf %get3A_91, %get3A_19 : vector<1x512xf32>
    %sub3A_151 = arith.subf %get3A_94, %get3A_22 : vector<1x512xf32>
    %sub3A_152 = arith.subf %get3A_97, %get3A_25 : vector<1x512xf32>
    %sub3A_153 = arith.subf %get3A_100, %get3A_28 : vector<1x512xf32>
    %sub3A_154 = arith.subf %get3A_103, %get3A_25 : vector<1x512xf32>
    %sub3A_155 = arith.subf %get3A_106, %get3A_31 : vector<1x512xf32>
    %sub3A_156 = arith.subf %get3A_109, %get3A_34 : vector<1x512xf32>
    %sub3A_157 = arith.subf %get3A_112, %get3A_28 : vector<1x512xf32>
    %sub3A_158 = arith.subf %get3A_115, %get3A_34 : vector<1x512xf32>
    %sub3A_159 = arith.subf %get3A_118, %get3A_37 : vector<1x512xf32>
    %sub3A_160 = arith.subf %get3A_121, %get3A_58 : vector<1x512xf32>
    %sub3A_161 = arith.subf %get3A_124, %get3A_61 : vector<1x512xf32>
    %sub3A_162 = arith.subf %get3A_127, %get3A_64 : vector<1x512xf32>
    %sub3A_163 = arith.subf %get3A_130, %get3A_67 : vector<1x512xf32>
    %sub3A_164 = arith.subf %get3A_133, %get3A_70 : vector<1x512xf32>
    %sub3A_165 = arith.subf %get3A_136, %get3A_73 : vector<1x512xf32>
    %sub3A_166 = arith.subf %get3A_139, %get3A_76 : vector<1x512xf32>
    %sub3A_167 = arith.subf %get3A_142, %get3A_79 : vector<1x512xf32>
    %sub3A_168 = arith.subf %get3A_145, %get3A_82 : vector<1x512xf32>
    %add3A = arith.addf %get3A_94, %get3A_106 : vector<1x512xf32>
    %add3A_169 = arith.addf %add3A, %get3A_118 : vector<1x512xf32>
    %mul3A = arith.constant 2.000000e+00 : f32
    %mul3A_170 = vector.broadcast %mul3A : f32 to vector<1x512xf32>
    %mul3A_171 = arith.mulf %mul3A_170, %add3A_169 : vector<1x512xf32>
    %sub3A_172 = arith.subf %get3A_148, %mul3A_171 : vector<1x512xf32>
    %add3A_173 = arith.addf %sub3A_172, %get3A_22 : vector<1x512xf32>
    %add3A_174 = arith.addf %add3A_173, %get3A_31 : vector<1x512xf32>
    %add3A_175 = arith.addf %add3A_174, %get3A_37 : vector<1x512xf32>
    %max3A = arith.constant 1.000000e+00 : f32
    %max3A_176 = vector.broadcast %max3A : f32 to vector<1x512xf32>
    %max3A_177 = arith.maximumf %get3A_1, %max3A_176 : vector<1x512xf32>
    %div3A = arith.constant 1.000000e+00 : f32
    %div3A_178 = vector.broadcast %div3A : f32 to vector<1x512xf32>
    %div3A_179 = arith.divf %div3A_178, %max3A_177 : vector<1x512xf32>
    %mul3A_180 = arith.mulf %get3A_13, %get3A_13 : vector<1x512xf32>
    %mul3A_181 = arith.mulf %mul3A_180, %div3A_179 : vector<1x512xf32>
    %sub3A_182 = arith.subf %get3A_22, %mul3A_181 : vector<1x512xf32>
    %mul3A_183 = arith.mulf %get3A_13, %get3A_16 : vector<1x512xf32>
    %mul3A_184 = arith.mulf %mul3A_183, %div3A_179 : vector<1x512xf32>
    %sub3A_185 = arith.subf %get3A_25, %mul3A_184 : vector<1x512xf32>
    %mul3A_186 = arith.mulf %get3A_13, %get3A_19 : vector<1x512xf32>
    %mul3A_187 = arith.mulf %mul3A_186, %div3A_179 : vector<1x512xf32>
    %sub3A_188 = arith.subf %get3A_28, %mul3A_187 : vector<1x512xf32>
    %mul3A_189 = arith.mulf %get3A_16, %get3A_13 : vector<1x512xf32>
    %mul3A_190 = arith.mulf %mul3A_189, %div3A_179 : vector<1x512xf32>
    %sub3A_191 = arith.subf %get3A_25, %mul3A_190 : vector<1x512xf32>
    %mul3A_192 = arith.mulf %get3A_16, %get3A_16 : vector<1x512xf32>
    %mul3A_193 = arith.mulf %mul3A_192, %div3A_179 : vector<1x512xf32>
    %sub3A_194 = arith.subf %get3A_31, %mul3A_193 : vector<1x512xf32>
    %mul3A_195 = arith.mulf %get3A_16, %get3A_19 : vector<1x512xf32>
    %mul3A_196 = arith.mulf %mul3A_195, %div3A_179 : vector<1x512xf32>
    %sub3A_197 = arith.subf %get3A_34, %mul3A_196 : vector<1x512xf32>
    %mul3A_198 = arith.mulf %get3A_19, %get3A_13 : vector<1x512xf32>
    %mul3A_199 = arith.mulf %mul3A_198, %div3A_179 : vector<1x512xf32>
    %sub3A_200 = arith.subf %get3A_28, %mul3A_199 : vector<1x512xf32>
    %mul3A_201 = arith.mulf %get3A_19, %get3A_16 : vector<1x512xf32>
    %mul3A_202 = arith.mulf %mul3A_201, %div3A_179 : vector<1x512xf32>
    %sub3A_203 = arith.subf %get3A_34, %mul3A_202 : vector<1x512xf32>
    %mul3A_204 = arith.mulf %get3A_19, %get3A_19 : vector<1x512xf32>
    %mul3A_205 = arith.mulf %mul3A_204, %div3A_179 : vector<1x512xf32>
    %sub3A_206 = arith.subf %get3A_37, %mul3A_205 : vector<1x512xf32>
    %mul3A_207 = arith.mulf %get3A_4, %get3A_13 : vector<1x512xf32>
    %mul3A_208 = arith.mulf %mul3A_207, %div3A_179 : vector<1x512xf32>
    %sub3A_209 = arith.subf %get3A_58, %mul3A_208 : vector<1x512xf32>
    %mul3A_210 = arith.mulf %get3A_4, %get3A_16 : vector<1x512xf32>
    %mul3A_211 = arith.mulf %mul3A_210, %div3A_179 : vector<1x512xf32>
    %sub3A_212 = arith.subf %get3A_61, %mul3A_211 : vector<1x512xf32>
    %mul3A_213 = arith.mulf %get3A_4, %get3A_19 : vector<1x512xf32>
    %mul3A_214 = arith.mulf %mul3A_213, %div3A_179 : vector<1x512xf32>
    %sub3A_215 = arith.subf %get3A_64, %mul3A_214 : vector<1x512xf32>
    %mul3A_216 = arith.mulf %get3A_7, %get3A_13 : vector<1x512xf32>
    %mul3A_217 = arith.mulf %mul3A_216, %div3A_179 : vector<1x512xf32>
    %sub3A_218 = arith.subf %get3A_67, %mul3A_217 : vector<1x512xf32>
    %mul3A_219 = arith.mulf %get3A_7, %get3A_16 : vector<1x512xf32>
    %mul3A_220 = arith.mulf %mul3A_219, %div3A_179 : vector<1x512xf32>
    %sub3A_221 = arith.subf %get3A_70, %mul3A_220 : vector<1x512xf32>
    %mul3A_222 = arith.mulf %get3A_7, %get3A_19 : vector<1x512xf32>
    %mul3A_223 = arith.mulf %mul3A_222, %div3A_179 : vector<1x512xf32>
    %sub3A_224 = arith.subf %get3A_73, %mul3A_223 : vector<1x512xf32>
    %mul3A_225 = arith.mulf %get3A_10, %get3A_13 : vector<1x512xf32>
    %mul3A_226 = arith.mulf %mul3A_225, %div3A_179 : vector<1x512xf32>
    %sub3A_227 = arith.subf %get3A_76, %mul3A_226 : vector<1x512xf32>
    %mul3A_228 = arith.mulf %get3A_10, %get3A_16 : vector<1x512xf32>
    %mul3A_229 = arith.mulf %mul3A_228, %div3A_179 : vector<1x512xf32>
    %sub3A_230 = arith.subf %get3A_79, %mul3A_229 : vector<1x512xf32>
    %mul3A_231 = arith.mulf %get3A_10, %get3A_19 : vector<1x512xf32>
    %mul3A_232 = arith.mulf %mul3A_231, %div3A_179 : vector<1x512xf32>
    %sub3A_233 = arith.subf %get3A_82, %mul3A_232 : vector<1x512xf32>
    %mul3A_234 = arith.mulf %get3A_4, %get3A_4 : vector<1x512xf32>
    %mul3A_235 = arith.mulf %mul3A_234, %div3A_179 : vector<1x512xf32>
    %sub3A_236 = arith.subf %get3A_40, %mul3A_235 : vector<1x512xf32>
    %mul3A_237 = arith.mulf %get3A_4, %get3A_7 : vector<1x512xf32>
    %mul3A_238 = arith.mulf %mul3A_237, %div3A_179 : vector<1x512xf32>
    %sub3A_239 = arith.subf %get3A_43, %mul3A_238 : vector<1x512xf32>
    %mul3A_240 = arith.mulf %get3A_4, %get3A_10 : vector<1x512xf32>
    %mul3A_241 = arith.mulf %mul3A_240, %div3A_179 : vector<1x512xf32>
    %sub3A_242 = arith.subf %get3A_46, %mul3A_241 : vector<1x512xf32>
    %mul3A_243 = arith.mulf %get3A_7, %get3A_4 : vector<1x512xf32>
    %mul3A_244 = arith.mulf %mul3A_243, %div3A_179 : vector<1x512xf32>
    %sub3A_245 = arith.subf %get3A_43, %mul3A_244 : vector<1x512xf32>
    %mul3A_246 = arith.mulf %get3A_7, %get3A_7 : vector<1x512xf32>
    %mul3A_247 = arith.mulf %mul3A_246, %div3A_179 : vector<1x512xf32>
    %sub3A_248 = arith.subf %get3A_49, %mul3A_247 : vector<1x512xf32>
    %mul3A_249 = arith.mulf %get3A_7, %get3A_10 : vector<1x512xf32>
    %mul3A_250 = arith.mulf %mul3A_249, %div3A_179 : vector<1x512xf32>
    %sub3A_251 = arith.subf %get3A_52, %mul3A_250 : vector<1x512xf32>
    %mul3A_252 = arith.mulf %get3A_10, %get3A_4 : vector<1x512xf32>
    %mul3A_253 = arith.mulf %mul3A_252, %div3A_179 : vector<1x512xf32>
    %sub3A_254 = arith.subf %get3A_46, %mul3A_253 : vector<1x512xf32>
    %mul3A_255 = arith.mulf %get3A_10, %get3A_7 : vector<1x512xf32>
    %mul3A_256 = arith.mulf %mul3A_255, %div3A_179 : vector<1x512xf32>
    %sub3A_257 = arith.subf %get3A_52, %mul3A_256 : vector<1x512xf32>
    %mul3A_258 = arith.mulf %get3A_10, %get3A_10 : vector<1x512xf32>
    %mul3A_259 = arith.mulf %mul3A_258, %div3A_179 : vector<1x512xf32>
    %sub3A_260 = arith.subf %get3A_55, %mul3A_259 : vector<1x512xf32>
    %mul3A_261 = arith.mulf %get3A_13, %sub3A : vector<1x512xf32>
    %mul3A_262 = arith.mulf %mul3A_261, %div3A_179 : vector<1x512xf32>
    %sub3A_263 = arith.subf %sub3A_151, %mul3A_262 : vector<1x512xf32>
    %mul3A_264 = arith.mulf %get3A_13, %sub3A_149 : vector<1x512xf32>
    %mul3A_265 = arith.mulf %mul3A_264, %div3A_179 : vector<1x512xf32>
    %sub3A_266 = arith.subf %sub3A_152, %mul3A_265 : vector<1x512xf32>
    %mul3A_267 = arith.mulf %get3A_13, %sub3A_150 : vector<1x512xf32>
    %mul3A_268 = arith.mulf %mul3A_267, %div3A_179 : vector<1x512xf32>
    %sub3A_269 = arith.subf %sub3A_153, %mul3A_268 : vector<1x512xf32>
    %mul3A_270 = arith.mulf %get3A_16, %sub3A : vector<1x512xf32>
    %mul3A_271 = arith.mulf %mul3A_270, %div3A_179 : vector<1x512xf32>
    %sub3A_272 = arith.subf %sub3A_154, %mul3A_271 : vector<1x512xf32>
    %mul3A_273 = arith.mulf %get3A_16, %sub3A_149 : vector<1x512xf32>
    %mul3A_274 = arith.mulf %mul3A_273, %div3A_179 : vector<1x512xf32>
    %sub3A_275 = arith.subf %sub3A_155, %mul3A_274 : vector<1x512xf32>
    %mul3A_276 = arith.mulf %get3A_16, %sub3A_150 : vector<1x512xf32>
    %mul3A_277 = arith.mulf %mul3A_276, %div3A_179 : vector<1x512xf32>
    %sub3A_278 = arith.subf %sub3A_156, %mul3A_277 : vector<1x512xf32>
    %mul3A_279 = arith.mulf %get3A_19, %sub3A : vector<1x512xf32>
    %mul3A_280 = arith.mulf %mul3A_279, %div3A_179 : vector<1x512xf32>
    %sub3A_281 = arith.subf %sub3A_157, %mul3A_280 : vector<1x512xf32>
    %mul3A_282 = arith.mulf %get3A_19, %sub3A_149 : vector<1x512xf32>
    %mul3A_283 = arith.mulf %mul3A_282, %div3A_179 : vector<1x512xf32>
    %sub3A_284 = arith.subf %sub3A_158, %mul3A_283 : vector<1x512xf32>
    %mul3A_285 = arith.mulf %get3A_19, %sub3A_150 : vector<1x512xf32>
    %mul3A_286 = arith.mulf %mul3A_285, %div3A_179 : vector<1x512xf32>
    %sub3A_287 = arith.subf %sub3A_159, %mul3A_286 : vector<1x512xf32>
    %mul3A_288 = arith.mulf %get3A_4, %sub3A : vector<1x512xf32>
    %mul3A_289 = arith.mulf %mul3A_288, %div3A_179 : vector<1x512xf32>
    %sub3A_290 = arith.subf %sub3A_160, %mul3A_289 : vector<1x512xf32>
    %mul3A_291 = arith.mulf %get3A_4, %sub3A_149 : vector<1x512xf32>
    %mul3A_292 = arith.mulf %mul3A_291, %div3A_179 : vector<1x512xf32>
    %sub3A_293 = arith.subf %sub3A_161, %mul3A_292 : vector<1x512xf32>
    %mul3A_294 = arith.mulf %get3A_4, %sub3A_150 : vector<1x512xf32>
    %mul3A_295 = arith.mulf %mul3A_294, %div3A_179 : vector<1x512xf32>
    %sub3A_296 = arith.subf %sub3A_162, %mul3A_295 : vector<1x512xf32>
    %mul3A_297 = arith.mulf %get3A_7, %sub3A : vector<1x512xf32>
    %mul3A_298 = arith.mulf %mul3A_297, %div3A_179 : vector<1x512xf32>
    %sub3A_299 = arith.subf %sub3A_163, %mul3A_298 : vector<1x512xf32>
    %mul3A_300 = arith.mulf %get3A_7, %sub3A_149 : vector<1x512xf32>
    %mul3A_301 = arith.mulf %mul3A_300, %div3A_179 : vector<1x512xf32>
    %sub3A_302 = arith.subf %sub3A_164, %mul3A_301 : vector<1x512xf32>
    %mul3A_303 = arith.mulf %get3A_7, %sub3A_150 : vector<1x512xf32>
    %mul3A_304 = arith.mulf %mul3A_303, %div3A_179 : vector<1x512xf32>
    %sub3A_305 = arith.subf %sub3A_165, %mul3A_304 : vector<1x512xf32>
    %mul3A_306 = arith.mulf %get3A_10, %sub3A : vector<1x512xf32>
    %mul3A_307 = arith.mulf %mul3A_306, %div3A_179 : vector<1x512xf32>
    %sub3A_308 = arith.subf %sub3A_166, %mul3A_307 : vector<1x512xf32>
    %mul3A_309 = arith.mulf %get3A_10, %sub3A_149 : vector<1x512xf32>
    %mul3A_310 = arith.mulf %mul3A_309, %div3A_179 : vector<1x512xf32>
    %sub3A_311 = arith.subf %sub3A_167, %mul3A_310 : vector<1x512xf32>
    %mul3A_312 = arith.mulf %get3A_10, %sub3A_150 : vector<1x512xf32>
    %mul3A_313 = arith.mulf %mul3A_312, %div3A_179 : vector<1x512xf32>
    %sub3A_314 = arith.subf %sub3A_168, %mul3A_313 : vector<1x512xf32>
    %mul3A_315 = arith.constant 0.000000e+00 : f32
    %mul3A_316 = vector.broadcast %mul3A_315 : f32 to vector<1x512xf32>
    %mul3A_317 = arith.mulf %sub3A_182, %mul3A_316 : vector<1x512xf32>
    %mul3A_318 = arith.mulf %sub3A_182, %sub3A_182 : vector<1x512xf32>
    %add3A_319 = arith.addf %mul3A_317, %mul3A_318 : vector<1x512xf32>
    %mul3A_320 = arith.mulf %sub3A_185, %sub3A_185 : vector<1x512xf32>
    %add3A_321 = arith.addf %add3A_319, %mul3A_320 : vector<1x512xf32>
    %mul3A_322 = arith.mulf %sub3A_188, %sub3A_188 : vector<1x512xf32>
    %add3A_323 = arith.addf %add3A_321, %mul3A_322 : vector<1x512xf32>
    %mul3A_324 = arith.mulf %sub3A_191, %sub3A_191 : vector<1x512xf32>
    %add3A_325 = arith.addf %add3A_323, %mul3A_324 : vector<1x512xf32>
    %mul3A_326 = arith.mulf %sub3A_194, %sub3A_194 : vector<1x512xf32>
    %add3A_327 = arith.addf %add3A_325, %mul3A_326 : vector<1x512xf32>
    %mul3A_328 = arith.mulf %sub3A_197, %sub3A_197 : vector<1x512xf32>
    %add3A_329 = arith.addf %add3A_327, %mul3A_328 : vector<1x512xf32>
    %mul3A_330 = arith.mulf %sub3A_200, %sub3A_200 : vector<1x512xf32>
    %add3A_331 = arith.addf %add3A_329, %mul3A_330 : vector<1x512xf32>
    %mul3A_332 = arith.mulf %sub3A_203, %sub3A_203 : vector<1x512xf32>
    %add3A_333 = arith.addf %add3A_331, %mul3A_332 : vector<1x512xf32>
    %mul3A_334 = arith.mulf %sub3A_206, %sub3A_206 : vector<1x512xf32>
    %add3A_335 = arith.addf %add3A_333, %mul3A_334 : vector<1x512xf32>
    %sqrt3A = math.sqrt %add3A_335 : vector<1x512xf32>
    %mul3A_336 = arith.constant 0.000000e+00 : f32
    %mul3A_337 = vector.broadcast %mul3A_336 : f32 to vector<1x512xf32>
    %mul3A_338 = arith.mulf %sub3A_209, %mul3A_337 : vector<1x512xf32>
    %mul3A_339 = arith.mulf %sub3A_209, %sub3A_209 : vector<1x512xf32>
    %add3A_340 = arith.addf %mul3A_338, %mul3A_339 : vector<1x512xf32>
    %mul3A_341 = arith.mulf %sub3A_212, %sub3A_212 : vector<1x512xf32>
    %add3A_342 = arith.addf %add3A_340, %mul3A_341 : vector<1x512xf32>
    %mul3A_343 = arith.mulf %sub3A_215, %sub3A_215 : vector<1x512xf32>
    %add3A_344 = arith.addf %add3A_342, %mul3A_343 : vector<1x512xf32>
    %mul3A_345 = arith.mulf %sub3A_218, %sub3A_218 : vector<1x512xf32>
    %add3A_346 = arith.addf %add3A_344, %mul3A_345 : vector<1x512xf32>
    %mul3A_347 = arith.mulf %sub3A_221, %sub3A_221 : vector<1x512xf32>
    %add3A_348 = arith.addf %add3A_346, %mul3A_347 : vector<1x512xf32>
    %mul3A_349 = arith.mulf %sub3A_224, %sub3A_224 : vector<1x512xf32>
    %add3A_350 = arith.addf %add3A_348, %mul3A_349 : vector<1x512xf32>
    %mul3A_351 = arith.mulf %sub3A_227, %sub3A_227 : vector<1x512xf32>
    %add3A_352 = arith.addf %add3A_350, %mul3A_351 : vector<1x512xf32>
    %mul3A_353 = arith.mulf %sub3A_230, %sub3A_230 : vector<1x512xf32>
    %add3A_354 = arith.addf %add3A_352, %mul3A_353 : vector<1x512xf32>
    %mul3A_355 = arith.mulf %sub3A_233, %sub3A_233 : vector<1x512xf32>
    %add3A_356 = arith.addf %add3A_354, %mul3A_355 : vector<1x512xf32>
    %sqrt3A_357 = math.sqrt %add3A_356 : vector<1x512xf32>
    %add3A_358 = arith.addf %sqrt3A, %sqrt3A_357 : vector<1x512xf32>
    %mul3A_359 = arith.constant 0.000000e+00 : f32
    %mul3A_360 = vector.broadcast %mul3A_359 : f32 to vector<1x512xf32>
    %mul3A_361 = arith.mulf %sub3A_182, %mul3A_360 : vector<1x512xf32>
    %mul3A_362 = arith.mulf %sub3A_182, %sub3A_263 : vector<1x512xf32>
    %add3A_363 = arith.addf %mul3A_361, %mul3A_362 : vector<1x512xf32>
    %mul3A_364 = arith.mulf %sub3A_209, %sub3A_290 : vector<1x512xf32>
    %sub3A_365 = arith.subf %add3A_363, %mul3A_364 : vector<1x512xf32>
    %mul3A_366 = arith.mulf %sub3A_185, %sub3A_266 : vector<1x512xf32>
    %add3A_367 = arith.addf %sub3A_365, %mul3A_366 : vector<1x512xf32>
    %mul3A_368 = arith.mulf %sub3A_212, %sub3A_293 : vector<1x512xf32>
    %sub3A_369 = arith.subf %add3A_367, %mul3A_368 : vector<1x512xf32>
    %mul3A_370 = arith.mulf %sub3A_188, %sub3A_269 : vector<1x512xf32>
    %add3A_371 = arith.addf %sub3A_369, %mul3A_370 : vector<1x512xf32>
    %mul3A_372 = arith.mulf %sub3A_215, %sub3A_296 : vector<1x512xf32>
    %sub3A_373 = arith.subf %add3A_371, %mul3A_372 : vector<1x512xf32>
    %mul3A_374 = arith.mulf %sub3A_191, %sub3A_272 : vector<1x512xf32>
    %add3A_375 = arith.addf %sub3A_373, %mul3A_374 : vector<1x512xf32>
    %mul3A_376 = arith.mulf %sub3A_218, %sub3A_299 : vector<1x512xf32>
    %sub3A_377 = arith.subf %add3A_375, %mul3A_376 : vector<1x512xf32>
    %mul3A_378 = arith.mulf %sub3A_194, %sub3A_275 : vector<1x512xf32>
    %add3A_379 = arith.addf %sub3A_377, %mul3A_378 : vector<1x512xf32>
    %mul3A_380 = arith.mulf %sub3A_221, %sub3A_302 : vector<1x512xf32>
    %sub3A_381 = arith.subf %add3A_379, %mul3A_380 : vector<1x512xf32>
    %mul3A_382 = arith.mulf %sub3A_197, %sub3A_278 : vector<1x512xf32>
    %add3A_383 = arith.addf %sub3A_381, %mul3A_382 : vector<1x512xf32>
    %mul3A_384 = arith.mulf %sub3A_224, %sub3A_305 : vector<1x512xf32>
    %sub3A_385 = arith.subf %add3A_383, %mul3A_384 : vector<1x512xf32>
    %mul3A_386 = arith.mulf %sub3A_200, %sub3A_281 : vector<1x512xf32>
    %add3A_387 = arith.addf %sub3A_385, %mul3A_386 : vector<1x512xf32>
    %mul3A_388 = arith.mulf %sub3A_227, %sub3A_308 : vector<1x512xf32>
    %sub3A_389 = arith.subf %add3A_387, %mul3A_388 : vector<1x512xf32>
    %mul3A_390 = arith.mulf %sub3A_203, %sub3A_284 : vector<1x512xf32>
    %add3A_391 = arith.addf %sub3A_389, %mul3A_390 : vector<1x512xf32>
    %mul3A_392 = arith.mulf %sub3A_230, %sub3A_311 : vector<1x512xf32>
    %sub3A_393 = arith.subf %add3A_391, %mul3A_392 : vector<1x512xf32>
    %mul3A_394 = arith.mulf %sub3A_206, %sub3A_287 : vector<1x512xf32>
    %add3A_395 = arith.addf %sub3A_393, %mul3A_394 : vector<1x512xf32>
    %mul3A_396 = arith.mulf %sub3A_233, %sub3A_314 : vector<1x512xf32>
    %sub3A_397 = arith.subf %add3A_395, %mul3A_396 : vector<1x512xf32>
    %mul3A_398 = arith.constant 0.000000e+00 : f32
    %mul3A_399 = vector.broadcast %mul3A_398 : f32 to vector<1x512xf32>
    %mul3A_400 = arith.mulf %sub3A_182, %mul3A_399 : vector<1x512xf32>
    %mul3A_401 = arith.mulf %sub3A_182, %sub3A_182 : vector<1x512xf32>
    %mul3A_402 = arith.mulf %mul3A_401, %sub3A_182 : vector<1x512xf32>
    %mul3A_403 = arith.constant 2.000000e+00 : f32
    %mul3A_404 = vector.broadcast %mul3A_403 : f32 to vector<1x512xf32>
    %mul3A_405 = arith.mulf %mul3A_404, %sub3A_182 : vector<1x512xf32>
    %mul3A_406 = arith.mulf %mul3A_405, %sub3A_209 : vector<1x512xf32>
    %mul3A_407 = arith.mulf %mul3A_406, %sub3A_209 : vector<1x512xf32>
    %sub3A_408 = arith.subf %mul3A_402, %mul3A_407 : vector<1x512xf32>
    %mul3A_409 = arith.mulf %sub3A_209, %sub3A_209 : vector<1x512xf32>
    %mul3A_410 = arith.mulf %mul3A_409, %sub3A_236 : vector<1x512xf32>
    %add3A_411 = arith.addf %sub3A_408, %mul3A_410 : vector<1x512xf32>
    %add3A_412 = arith.addf %mul3A_400, %add3A_411 : vector<1x512xf32>
    %mul3A_413 = arith.mulf %sub3A_182, %sub3A_185 : vector<1x512xf32>
    %mul3A_414 = arith.mulf %mul3A_413, %sub3A_191 : vector<1x512xf32>
    %mul3A_415 = arith.constant 2.000000e+00 : f32
    %mul3A_416 = vector.broadcast %mul3A_415 : f32 to vector<1x512xf32>
    %mul3A_417 = arith.mulf %mul3A_416, %sub3A_182 : vector<1x512xf32>
    %mul3A_418 = arith.mulf %mul3A_417, %sub3A_218 : vector<1x512xf32>
    %mul3A_419 = arith.mulf %mul3A_418, %sub3A_218 : vector<1x512xf32>
    %sub3A_420 = arith.subf %mul3A_414, %mul3A_419 : vector<1x512xf32>
    %mul3A_421 = arith.mulf %sub3A_209, %sub3A_218 : vector<1x512xf32>
    %mul3A_422 = arith.mulf %mul3A_421, %sub3A_239 : vector<1x512xf32>
    %add3A_423 = arith.addf %sub3A_420, %mul3A_422 : vector<1x512xf32>
    %add3A_424 = arith.addf %add3A_412, %add3A_423 : vector<1x512xf32>
    %mul3A_425 = arith.mulf %sub3A_182, %sub3A_188 : vector<1x512xf32>
    %mul3A_426 = arith.mulf %mul3A_425, %sub3A_200 : vector<1x512xf32>
    %mul3A_427 = arith.constant 2.000000e+00 : f32
    %mul3A_428 = vector.broadcast %mul3A_427 : f32 to vector<1x512xf32>
    %mul3A_429 = arith.mulf %mul3A_428, %sub3A_182 : vector<1x512xf32>
    %mul3A_430 = arith.mulf %mul3A_429, %sub3A_227 : vector<1x512xf32>
    %mul3A_431 = arith.mulf %mul3A_430, %sub3A_227 : vector<1x512xf32>
    %sub3A_432 = arith.subf %mul3A_426, %mul3A_431 : vector<1x512xf32>
    %mul3A_433 = arith.mulf %sub3A_209, %sub3A_227 : vector<1x512xf32>
    %mul3A_434 = arith.mulf %mul3A_433, %sub3A_242 : vector<1x512xf32>
    %add3A_435 = arith.addf %sub3A_432, %mul3A_434 : vector<1x512xf32>
    %add3A_436 = arith.addf %add3A_424, %add3A_435 : vector<1x512xf32>
    %mul3A_437 = arith.mulf %sub3A_185, %sub3A_191 : vector<1x512xf32>
    %mul3A_438 = arith.mulf %mul3A_437, %sub3A_182 : vector<1x512xf32>
    %mul3A_439 = arith.constant 2.000000e+00 : f32
    %mul3A_440 = vector.broadcast %mul3A_439 : f32 to vector<1x512xf32>
    %mul3A_441 = arith.mulf %mul3A_440, %sub3A_185 : vector<1x512xf32>
    %mul3A_442 = arith.mulf %mul3A_441, %sub3A_212 : vector<1x512xf32>
    %mul3A_443 = arith.mulf %mul3A_442, %sub3A_209 : vector<1x512xf32>
    %sub3A_444 = arith.subf %mul3A_438, %mul3A_443 : vector<1x512xf32>
    %mul3A_445 = arith.mulf %sub3A_212, %sub3A_212 : vector<1x512xf32>
    %mul3A_446 = arith.mulf %mul3A_445, %sub3A_236 : vector<1x512xf32>
    %add3A_447 = arith.addf %sub3A_444, %mul3A_446 : vector<1x512xf32>
    %add3A_448 = arith.addf %add3A_436, %add3A_447 : vector<1x512xf32>
    %mul3A_449 = arith.mulf %sub3A_185, %sub3A_194 : vector<1x512xf32>
    %mul3A_450 = arith.mulf %mul3A_449, %sub3A_191 : vector<1x512xf32>
    %mul3A_451 = arith.constant 2.000000e+00 : f32
    %mul3A_452 = vector.broadcast %mul3A_451 : f32 to vector<1x512xf32>
    %mul3A_453 = arith.mulf %mul3A_452, %sub3A_185 : vector<1x512xf32>
    %mul3A_454 = arith.mulf %mul3A_453, %sub3A_221 : vector<1x512xf32>
    %mul3A_455 = arith.mulf %mul3A_454, %sub3A_218 : vector<1x512xf32>
    %sub3A_456 = arith.subf %mul3A_450, %mul3A_455 : vector<1x512xf32>
    %mul3A_457 = arith.mulf %sub3A_212, %sub3A_221 : vector<1x512xf32>
    %mul3A_458 = arith.mulf %mul3A_457, %sub3A_239 : vector<1x512xf32>
    %add3A_459 = arith.addf %sub3A_456, %mul3A_458 : vector<1x512xf32>
    %add3A_460 = arith.addf %add3A_448, %add3A_459 : vector<1x512xf32>
    %mul3A_461 = arith.mulf %sub3A_185, %sub3A_197 : vector<1x512xf32>
    %mul3A_462 = arith.mulf %mul3A_461, %sub3A_200 : vector<1x512xf32>
    %mul3A_463 = arith.constant 2.000000e+00 : f32
    %mul3A_464 = vector.broadcast %mul3A_463 : f32 to vector<1x512xf32>
    %mul3A_465 = arith.mulf %mul3A_464, %sub3A_185 : vector<1x512xf32>
    %mul3A_466 = arith.mulf %mul3A_465, %sub3A_230 : vector<1x512xf32>
    %mul3A_467 = arith.mulf %mul3A_466, %sub3A_227 : vector<1x512xf32>
    %sub3A_468 = arith.subf %mul3A_462, %mul3A_467 : vector<1x512xf32>
    %mul3A_469 = arith.mulf %sub3A_212, %sub3A_230 : vector<1x512xf32>
    %mul3A_470 = arith.mulf %mul3A_469, %sub3A_242 : vector<1x512xf32>
    %add3A_471 = arith.addf %sub3A_468, %mul3A_470 : vector<1x512xf32>
    %add3A_472 = arith.addf %add3A_460, %add3A_471 : vector<1x512xf32>
    %mul3A_473 = arith.mulf %sub3A_188, %sub3A_200 : vector<1x512xf32>
    %mul3A_474 = arith.mulf %mul3A_473, %sub3A_182 : vector<1x512xf32>
    %mul3A_475 = arith.constant 2.000000e+00 : f32
    %mul3A_476 = vector.broadcast %mul3A_475 : f32 to vector<1x512xf32>
    %mul3A_477 = arith.mulf %mul3A_476, %sub3A_188 : vector<1x512xf32>
    %mul3A_478 = arith.mulf %mul3A_477, %sub3A_215 : vector<1x512xf32>
    %mul3A_479 = arith.mulf %mul3A_478, %sub3A_209 : vector<1x512xf32>
    %sub3A_480 = arith.subf %mul3A_474, %mul3A_479 : vector<1x512xf32>
    %mul3A_481 = arith.mulf %sub3A_215, %sub3A_215 : vector<1x512xf32>
    %mul3A_482 = arith.mulf %mul3A_481, %sub3A_236 : vector<1x512xf32>
    %add3A_483 = arith.addf %sub3A_480, %mul3A_482 : vector<1x512xf32>
    %add3A_484 = arith.addf %add3A_472, %add3A_483 : vector<1x512xf32>
    %mul3A_485 = arith.mulf %sub3A_188, %sub3A_203 : vector<1x512xf32>
    %mul3A_486 = arith.mulf %mul3A_485, %sub3A_191 : vector<1x512xf32>
    %mul3A_487 = arith.constant 2.000000e+00 : f32
    %mul3A_488 = vector.broadcast %mul3A_487 : f32 to vector<1x512xf32>
    %mul3A_489 = arith.mulf %mul3A_488, %sub3A_188 : vector<1x512xf32>
    %mul3A_490 = arith.mulf %mul3A_489, %sub3A_224 : vector<1x512xf32>
    %mul3A_491 = arith.mulf %mul3A_490, %sub3A_218 : vector<1x512xf32>
    %sub3A_492 = arith.subf %mul3A_486, %mul3A_491 : vector<1x512xf32>
    %mul3A_493 = arith.mulf %sub3A_215, %sub3A_224 : vector<1x512xf32>
    %mul3A_494 = arith.mulf %mul3A_493, %sub3A_239 : vector<1x512xf32>
    %add3A_495 = arith.addf %sub3A_492, %mul3A_494 : vector<1x512xf32>
    %add3A_496 = arith.addf %add3A_484, %add3A_495 : vector<1x512xf32>
    %mul3A_497 = arith.mulf %sub3A_188, %sub3A_206 : vector<1x512xf32>
    %mul3A_498 = arith.mulf %mul3A_497, %sub3A_200 : vector<1x512xf32>
    %mul3A_499 = arith.constant 2.000000e+00 : f32
    %mul3A_500 = vector.broadcast %mul3A_499 : f32 to vector<1x512xf32>
    %mul3A_501 = arith.mulf %mul3A_500, %sub3A_188 : vector<1x512xf32>
    %mul3A_502 = arith.mulf %mul3A_501, %sub3A_233 : vector<1x512xf32>
    %mul3A_503 = arith.mulf %mul3A_502, %sub3A_227 : vector<1x512xf32>
    %sub3A_504 = arith.subf %mul3A_498, %mul3A_503 : vector<1x512xf32>
    %mul3A_505 = arith.mulf %sub3A_215, %sub3A_233 : vector<1x512xf32>
    %mul3A_506 = arith.mulf %mul3A_505, %sub3A_242 : vector<1x512xf32>
    %add3A_507 = arith.addf %sub3A_504, %mul3A_506 : vector<1x512xf32>
    %add3A_508 = arith.addf %add3A_496, %add3A_507 : vector<1x512xf32>
    %mul3A_509 = arith.mulf %sub3A_191, %sub3A_182 : vector<1x512xf32>
    %mul3A_510 = arith.mulf %mul3A_509, %sub3A_185 : vector<1x512xf32>
    %mul3A_511 = arith.constant 2.000000e+00 : f32
    %mul3A_512 = vector.broadcast %mul3A_511 : f32 to vector<1x512xf32>
    %mul3A_513 = arith.mulf %mul3A_512, %sub3A_191 : vector<1x512xf32>
    %mul3A_514 = arith.mulf %mul3A_513, %sub3A_209 : vector<1x512xf32>
    %mul3A_515 = arith.mulf %mul3A_514, %sub3A_212 : vector<1x512xf32>
    %sub3A_516 = arith.subf %mul3A_510, %mul3A_515 : vector<1x512xf32>
    %mul3A_517 = arith.mulf %sub3A_218, %sub3A_209 : vector<1x512xf32>
    %mul3A_518 = arith.mulf %mul3A_517, %sub3A_245 : vector<1x512xf32>
    %add3A_519 = arith.addf %sub3A_516, %mul3A_518 : vector<1x512xf32>
    %add3A_520 = arith.addf %add3A_508, %add3A_519 : vector<1x512xf32>
    %mul3A_521 = arith.mulf %sub3A_191, %sub3A_185 : vector<1x512xf32>
    %mul3A_522 = arith.mulf %mul3A_521, %sub3A_194 : vector<1x512xf32>
    %mul3A_523 = arith.constant 2.000000e+00 : f32
    %mul3A_524 = vector.broadcast %mul3A_523 : f32 to vector<1x512xf32>
    %mul3A_525 = arith.mulf %mul3A_524, %sub3A_191 : vector<1x512xf32>
    %mul3A_526 = arith.mulf %mul3A_525, %sub3A_218 : vector<1x512xf32>
    %mul3A_527 = arith.mulf %mul3A_526, %sub3A_221 : vector<1x512xf32>
    %sub3A_528 = arith.subf %mul3A_522, %mul3A_527 : vector<1x512xf32>
    %mul3A_529 = arith.mulf %sub3A_218, %sub3A_218 : vector<1x512xf32>
    %mul3A_530 = arith.mulf %mul3A_529, %sub3A_248 : vector<1x512xf32>
    %add3A_531 = arith.addf %sub3A_528, %mul3A_530 : vector<1x512xf32>
    %add3A_532 = arith.addf %add3A_520, %add3A_531 : vector<1x512xf32>
    %mul3A_533 = arith.mulf %sub3A_191, %sub3A_188 : vector<1x512xf32>
    %mul3A_534 = arith.mulf %mul3A_533, %sub3A_203 : vector<1x512xf32>
    %mul3A_535 = arith.constant 2.000000e+00 : f32
    %mul3A_536 = vector.broadcast %mul3A_535 : f32 to vector<1x512xf32>
    %mul3A_537 = arith.mulf %mul3A_536, %sub3A_191 : vector<1x512xf32>
    %mul3A_538 = arith.mulf %mul3A_537, %sub3A_227 : vector<1x512xf32>
    %mul3A_539 = arith.mulf %mul3A_538, %sub3A_230 : vector<1x512xf32>
    %sub3A_540 = arith.subf %mul3A_534, %mul3A_539 : vector<1x512xf32>
    %mul3A_541 = arith.mulf %sub3A_218, %sub3A_227 : vector<1x512xf32>
    %mul3A_542 = arith.mulf %mul3A_541, %sub3A_251 : vector<1x512xf32>
    %add3A_543 = arith.addf %sub3A_540, %mul3A_542 : vector<1x512xf32>
    %add3A_544 = arith.addf %add3A_532, %add3A_543 : vector<1x512xf32>
    %mul3A_545 = arith.mulf %sub3A_194, %sub3A_191 : vector<1x512xf32>
    %mul3A_546 = arith.mulf %mul3A_545, %sub3A_185 : vector<1x512xf32>
    %mul3A_547 = arith.constant 2.000000e+00 : f32
    %mul3A_548 = vector.broadcast %mul3A_547 : f32 to vector<1x512xf32>
    %mul3A_549 = arith.mulf %mul3A_548, %sub3A_194 : vector<1x512xf32>
    %mul3A_550 = arith.mulf %mul3A_549, %sub3A_212 : vector<1x512xf32>
    %mul3A_551 = arith.mulf %mul3A_550, %sub3A_212 : vector<1x512xf32>
    %sub3A_552 = arith.subf %mul3A_546, %mul3A_551 : vector<1x512xf32>
    %mul3A_553 = arith.mulf %sub3A_221, %sub3A_212 : vector<1x512xf32>
    %mul3A_554 = arith.mulf %mul3A_553, %sub3A_245 : vector<1x512xf32>
    %add3A_555 = arith.addf %sub3A_552, %mul3A_554 : vector<1x512xf32>
    %add3A_556 = arith.addf %add3A_544, %add3A_555 : vector<1x512xf32>
    %mul3A_557 = arith.mulf %sub3A_194, %sub3A_194 : vector<1x512xf32>
    %mul3A_558 = arith.mulf %mul3A_557, %sub3A_194 : vector<1x512xf32>
    %mul3A_559 = arith.constant 2.000000e+00 : f32
    %mul3A_560 = vector.broadcast %mul3A_559 : f32 to vector<1x512xf32>
    %mul3A_561 = arith.mulf %mul3A_560, %sub3A_194 : vector<1x512xf32>
    %mul3A_562 = arith.mulf %mul3A_561, %sub3A_221 : vector<1x512xf32>
    %mul3A_563 = arith.mulf %mul3A_562, %sub3A_221 : vector<1x512xf32>
    %sub3A_564 = arith.subf %mul3A_558, %mul3A_563 : vector<1x512xf32>
    %mul3A_565 = arith.mulf %sub3A_221, %sub3A_221 : vector<1x512xf32>
    %mul3A_566 = arith.mulf %mul3A_565, %sub3A_248 : vector<1x512xf32>
    %add3A_567 = arith.addf %sub3A_564, %mul3A_566 : vector<1x512xf32>
    %add3A_568 = arith.addf %add3A_556, %add3A_567 : vector<1x512xf32>
    %mul3A_569 = arith.mulf %sub3A_194, %sub3A_197 : vector<1x512xf32>
    %mul3A_570 = arith.mulf %mul3A_569, %sub3A_203 : vector<1x512xf32>
    %mul3A_571 = arith.constant 2.000000e+00 : f32
    %mul3A_572 = vector.broadcast %mul3A_571 : f32 to vector<1x512xf32>
    %mul3A_573 = arith.mulf %mul3A_572, %sub3A_194 : vector<1x512xf32>
    %mul3A_574 = arith.mulf %mul3A_573, %sub3A_230 : vector<1x512xf32>
    %mul3A_575 = arith.mulf %mul3A_574, %sub3A_230 : vector<1x512xf32>
    %sub3A_576 = arith.subf %mul3A_570, %mul3A_575 : vector<1x512xf32>
    %mul3A_577 = arith.mulf %sub3A_221, %sub3A_230 : vector<1x512xf32>
    %mul3A_578 = arith.mulf %mul3A_577, %sub3A_251 : vector<1x512xf32>
    %add3A_579 = arith.addf %sub3A_576, %mul3A_578 : vector<1x512xf32>
    %add3A_580 = arith.addf %add3A_568, %add3A_579 : vector<1x512xf32>
    %mul3A_581 = arith.mulf %sub3A_197, %sub3A_200 : vector<1x512xf32>
    %mul3A_582 = arith.mulf %mul3A_581, %sub3A_185 : vector<1x512xf32>
    %mul3A_583 = arith.constant 2.000000e+00 : f32
    %mul3A_584 = vector.broadcast %mul3A_583 : f32 to vector<1x512xf32>
    %mul3A_585 = arith.mulf %mul3A_584, %sub3A_197 : vector<1x512xf32>
    %mul3A_586 = arith.mulf %mul3A_585, %sub3A_215 : vector<1x512xf32>
    %mul3A_587 = arith.mulf %mul3A_586, %sub3A_212 : vector<1x512xf32>
    %sub3A_588 = arith.subf %mul3A_582, %mul3A_587 : vector<1x512xf32>
    %mul3A_589 = arith.mulf %sub3A_224, %sub3A_215 : vector<1x512xf32>
    %mul3A_590 = arith.mulf %mul3A_589, %sub3A_245 : vector<1x512xf32>
    %add3A_591 = arith.addf %sub3A_588, %mul3A_590 : vector<1x512xf32>
    %add3A_592 = arith.addf %add3A_580, %add3A_591 : vector<1x512xf32>
    %mul3A_593 = arith.mulf %sub3A_197, %sub3A_203 : vector<1x512xf32>
    %mul3A_594 = arith.mulf %mul3A_593, %sub3A_194 : vector<1x512xf32>
    %mul3A_595 = arith.constant 2.000000e+00 : f32
    %mul3A_596 = vector.broadcast %mul3A_595 : f32 to vector<1x512xf32>
    %mul3A_597 = arith.mulf %mul3A_596, %sub3A_197 : vector<1x512xf32>
    %mul3A_598 = arith.mulf %mul3A_597, %sub3A_224 : vector<1x512xf32>
    %mul3A_599 = arith.mulf %mul3A_598, %sub3A_221 : vector<1x512xf32>
    %sub3A_600 = arith.subf %mul3A_594, %mul3A_599 : vector<1x512xf32>
    %mul3A_601 = arith.mulf %sub3A_224, %sub3A_224 : vector<1x512xf32>
    %mul3A_602 = arith.mulf %mul3A_601, %sub3A_248 : vector<1x512xf32>
    %add3A_603 = arith.addf %sub3A_600, %mul3A_602 : vector<1x512xf32>
    %add3A_604 = arith.addf %add3A_592, %add3A_603 : vector<1x512xf32>
    %mul3A_605 = arith.mulf %sub3A_197, %sub3A_206 : vector<1x512xf32>
    %mul3A_606 = arith.mulf %mul3A_605, %sub3A_203 : vector<1x512xf32>
    %mul3A_607 = arith.constant 2.000000e+00 : f32
    %mul3A_608 = vector.broadcast %mul3A_607 : f32 to vector<1x512xf32>
    %mul3A_609 = arith.mulf %mul3A_608, %sub3A_197 : vector<1x512xf32>
    %mul3A_610 = arith.mulf %mul3A_609, %sub3A_233 : vector<1x512xf32>
    %mul3A_611 = arith.mulf %mul3A_610, %sub3A_230 : vector<1x512xf32>
    %sub3A_612 = arith.subf %mul3A_606, %mul3A_611 : vector<1x512xf32>
    %mul3A_613 = arith.mulf %sub3A_224, %sub3A_233 : vector<1x512xf32>
    %mul3A_614 = arith.mulf %mul3A_613, %sub3A_251 : vector<1x512xf32>
    %add3A_615 = arith.addf %sub3A_612, %mul3A_614 : vector<1x512xf32>
    %add3A_616 = arith.addf %add3A_604, %add3A_615 : vector<1x512xf32>
    %mul3A_617 = arith.mulf %sub3A_200, %sub3A_182 : vector<1x512xf32>
    %mul3A_618 = arith.mulf %mul3A_617, %sub3A_188 : vector<1x512xf32>
    %mul3A_619 = arith.constant 2.000000e+00 : f32
    %mul3A_620 = vector.broadcast %mul3A_619 : f32 to vector<1x512xf32>
    %mul3A_621 = arith.mulf %mul3A_620, %sub3A_200 : vector<1x512xf32>
    %mul3A_622 = arith.mulf %mul3A_621, %sub3A_209 : vector<1x512xf32>
    %mul3A_623 = arith.mulf %mul3A_622, %sub3A_215 : vector<1x512xf32>
    %sub3A_624 = arith.subf %mul3A_618, %mul3A_623 : vector<1x512xf32>
    %mul3A_625 = arith.mulf %sub3A_227, %sub3A_209 : vector<1x512xf32>
    %mul3A_626 = arith.mulf %mul3A_625, %sub3A_254 : vector<1x512xf32>
    %add3A_627 = arith.addf %sub3A_624, %mul3A_626 : vector<1x512xf32>
    %add3A_628 = arith.addf %add3A_616, %add3A_627 : vector<1x512xf32>
    %mul3A_629 = arith.mulf %sub3A_200, %sub3A_185 : vector<1x512xf32>
    %mul3A_630 = arith.mulf %mul3A_629, %sub3A_197 : vector<1x512xf32>
    %mul3A_631 = arith.constant 2.000000e+00 : f32
    %mul3A_632 = vector.broadcast %mul3A_631 : f32 to vector<1x512xf32>
    %mul3A_633 = arith.mulf %mul3A_632, %sub3A_200 : vector<1x512xf32>
    %mul3A_634 = arith.mulf %mul3A_633, %sub3A_218 : vector<1x512xf32>
    %mul3A_635 = arith.mulf %mul3A_634, %sub3A_224 : vector<1x512xf32>
    %sub3A_636 = arith.subf %mul3A_630, %mul3A_635 : vector<1x512xf32>
    %mul3A_637 = arith.mulf %sub3A_227, %sub3A_218 : vector<1x512xf32>
    %mul3A_638 = arith.mulf %mul3A_637, %sub3A_257 : vector<1x512xf32>
    %add3A_639 = arith.addf %sub3A_636, %mul3A_638 : vector<1x512xf32>
    %add3A_640 = arith.addf %add3A_628, %add3A_639 : vector<1x512xf32>
    %mul3A_641 = arith.mulf %sub3A_200, %sub3A_188 : vector<1x512xf32>
    %mul3A_642 = arith.mulf %mul3A_641, %sub3A_206 : vector<1x512xf32>
    %mul3A_643 = arith.constant 2.000000e+00 : f32
    %mul3A_644 = vector.broadcast %mul3A_643 : f32 to vector<1x512xf32>
    %mul3A_645 = arith.mulf %mul3A_644, %sub3A_200 : vector<1x512xf32>
    %mul3A_646 = arith.mulf %mul3A_645, %sub3A_227 : vector<1x512xf32>
    %mul3A_647 = arith.mulf %mul3A_646, %sub3A_233 : vector<1x512xf32>
    %sub3A_648 = arith.subf %mul3A_642, %mul3A_647 : vector<1x512xf32>
    %mul3A_649 = arith.mulf %sub3A_227, %sub3A_227 : vector<1x512xf32>
    %mul3A_650 = arith.mulf %mul3A_649, %sub3A_260 : vector<1x512xf32>
    %add3A_651 = arith.addf %sub3A_648, %mul3A_650 : vector<1x512xf32>
    %add3A_652 = arith.addf %add3A_640, %add3A_651 : vector<1x512xf32>
    %mul3A_653 = arith.mulf %sub3A_203, %sub3A_191 : vector<1x512xf32>
    %mul3A_654 = arith.mulf %mul3A_653, %sub3A_188 : vector<1x512xf32>
    %mul3A_655 = arith.constant 2.000000e+00 : f32
    %mul3A_656 = vector.broadcast %mul3A_655 : f32 to vector<1x512xf32>
    %mul3A_657 = arith.mulf %mul3A_656, %sub3A_203 : vector<1x512xf32>
    %mul3A_658 = arith.mulf %mul3A_657, %sub3A_212 : vector<1x512xf32>
    %mul3A_659 = arith.mulf %mul3A_658, %sub3A_215 : vector<1x512xf32>
    %sub3A_660 = arith.subf %mul3A_654, %mul3A_659 : vector<1x512xf32>
    %mul3A_661 = arith.mulf %sub3A_230, %sub3A_212 : vector<1x512xf32>
    %mul3A_662 = arith.mulf %mul3A_661, %sub3A_254 : vector<1x512xf32>
    %add3A_663 = arith.addf %sub3A_660, %mul3A_662 : vector<1x512xf32>
    %add3A_664 = arith.addf %add3A_652, %add3A_663 : vector<1x512xf32>
    %mul3A_665 = arith.mulf %sub3A_203, %sub3A_194 : vector<1x512xf32>
    %mul3A_666 = arith.mulf %mul3A_665, %sub3A_197 : vector<1x512xf32>
    %mul3A_667 = arith.constant 2.000000e+00 : f32
    %mul3A_668 = vector.broadcast %mul3A_667 : f32 to vector<1x512xf32>
    %mul3A_669 = arith.mulf %mul3A_668, %sub3A_203 : vector<1x512xf32>
    %mul3A_670 = arith.mulf %mul3A_669, %sub3A_221 : vector<1x512xf32>
    %mul3A_671 = arith.mulf %mul3A_670, %sub3A_224 : vector<1x512xf32>
    %sub3A_672 = arith.subf %mul3A_666, %mul3A_671 : vector<1x512xf32>
    %mul3A_673 = arith.mulf %sub3A_230, %sub3A_221 : vector<1x512xf32>
    %mul3A_674 = arith.mulf %mul3A_673, %sub3A_257 : vector<1x512xf32>
    %add3A_675 = arith.addf %sub3A_672, %mul3A_674 : vector<1x512xf32>
    %add3A_676 = arith.addf %add3A_664, %add3A_675 : vector<1x512xf32>
    %mul3A_677 = arith.mulf %sub3A_203, %sub3A_197 : vector<1x512xf32>
    %mul3A_678 = arith.mulf %mul3A_677, %sub3A_206 : vector<1x512xf32>
    %mul3A_679 = arith.constant 2.000000e+00 : f32
    %mul3A_680 = vector.broadcast %mul3A_679 : f32 to vector<1x512xf32>
    %mul3A_681 = arith.mulf %mul3A_680, %sub3A_203 : vector<1x512xf32>
    %mul3A_682 = arith.mulf %mul3A_681, %sub3A_230 : vector<1x512xf32>
    %mul3A_683 = arith.mulf %mul3A_682, %sub3A_233 : vector<1x512xf32>
    %sub3A_684 = arith.subf %mul3A_678, %mul3A_683 : vector<1x512xf32>
    %mul3A_685 = arith.mulf %sub3A_230, %sub3A_230 : vector<1x512xf32>
    %mul3A_686 = arith.mulf %mul3A_685, %sub3A_260 : vector<1x512xf32>
    %add3A_687 = arith.addf %sub3A_684, %mul3A_686 : vector<1x512xf32>
    %add3A_688 = arith.addf %add3A_676, %add3A_687 : vector<1x512xf32>
    %mul3A_689 = arith.mulf %sub3A_206, %sub3A_200 : vector<1x512xf32>
    %mul3A_690 = arith.mulf %mul3A_689, %sub3A_188 : vector<1x512xf32>
    %mul3A_691 = arith.constant 2.000000e+00 : f32
    %mul3A_692 = vector.broadcast %mul3A_691 : f32 to vector<1x512xf32>
    %mul3A_693 = arith.mulf %mul3A_692, %sub3A_206 : vector<1x512xf32>
    %mul3A_694 = arith.mulf %mul3A_693, %sub3A_215 : vector<1x512xf32>
    %mul3A_695 = arith.mulf %mul3A_694, %sub3A_215 : vector<1x512xf32>
    %sub3A_696 = arith.subf %mul3A_690, %mul3A_695 : vector<1x512xf32>
    %mul3A_697 = arith.mulf %sub3A_233, %sub3A_215 : vector<1x512xf32>
    %mul3A_698 = arith.mulf %mul3A_697, %sub3A_254 : vector<1x512xf32>
    %add3A_699 = arith.addf %sub3A_696, %mul3A_698 : vector<1x512xf32>
    %add3A_700 = arith.addf %add3A_688, %add3A_699 : vector<1x512xf32>
    %mul3A_701 = arith.mulf %sub3A_206, %sub3A_203 : vector<1x512xf32>
    %mul3A_702 = arith.mulf %mul3A_701, %sub3A_197 : vector<1x512xf32>
    %mul3A_703 = arith.constant 2.000000e+00 : f32
    %mul3A_704 = vector.broadcast %mul3A_703 : f32 to vector<1x512xf32>
    %mul3A_705 = arith.mulf %mul3A_704, %sub3A_206 : vector<1x512xf32>
    %mul3A_706 = arith.mulf %mul3A_705, %sub3A_224 : vector<1x512xf32>
    %mul3A_707 = arith.mulf %mul3A_706, %sub3A_224 : vector<1x512xf32>
    %sub3A_708 = arith.subf %mul3A_702, %mul3A_707 : vector<1x512xf32>
    %mul3A_709 = arith.mulf %sub3A_233, %sub3A_224 : vector<1x512xf32>
    %mul3A_710 = arith.mulf %mul3A_709, %sub3A_257 : vector<1x512xf32>
    %add3A_711 = arith.addf %sub3A_708, %mul3A_710 : vector<1x512xf32>
    %add3A_712 = arith.addf %add3A_700, %add3A_711 : vector<1x512xf32>
    %mul3A_713 = arith.mulf %sub3A_206, %sub3A_206 : vector<1x512xf32>
    %mul3A_714 = arith.mulf %mul3A_713, %sub3A_206 : vector<1x512xf32>
    %mul3A_715 = arith.constant 2.000000e+00 : f32
    %mul3A_716 = vector.broadcast %mul3A_715 : f32 to vector<1x512xf32>
    %mul3A_717 = arith.mulf %mul3A_716, %sub3A_206 : vector<1x512xf32>
    %mul3A_718 = arith.mulf %mul3A_717, %sub3A_233 : vector<1x512xf32>
    %mul3A_719 = arith.mulf %mul3A_718, %sub3A_233 : vector<1x512xf32>
    %sub3A_720 = arith.subf %mul3A_714, %mul3A_719 : vector<1x512xf32>
    %mul3A_721 = arith.mulf %sub3A_233, %sub3A_233 : vector<1x512xf32>
    %mul3A_722 = arith.mulf %mul3A_721, %sub3A_260 : vector<1x512xf32>
    %add3A_723 = arith.addf %sub3A_720, %mul3A_722 : vector<1x512xf32>
    %add3A_724 = arith.addf %add3A_712, %add3A_723 : vector<1x512xf32>
    %get3A_725 = arith.constant 0 : index
    %get3A_726 = arith.constant 0 : index
    %get3A_727 = vector.load %arg6[%get3A_725, %get3A_726] : memref<1x512xi32, #tpu.memory_space<vmem>>, vector<1x512xi32>
    %iota3A = tpu.iota {dimensions = array<i32: 0>} : vector<50x512xi32>
    %eq3A = vector.broadcast %get3A_727 : vector<1x512xi32> to vector<50x512xi32>
    %eq3A_728 = arith.cmpi eq, %iota3A, %eq3A : vector<50x512xi32>
    %jit3A = arith.constant 1.000000e+00 : f32
    %jit3A_729 = arith.constant 0.000000e+00 : f32
    %broadcast_in_dim3A = vector.broadcast %jit3A : f32 to vector<50x512xf32>
    %broadcast_in_dim3A_730 = vector.broadcast %jit3A_729 : f32 to vector<50x512xf32>
    %select_n3A = arith.select %eq3A_728, %broadcast_in_dim3A, %broadcast_in_dim3A_730 : vector<50x512xi1>, vector<50x512xf32>
    %get3A_731 = arith.constant 0 : index
    %get3A_732 = arith.constant 0 : index
    %get3A_733 = vector.load %arg8[%get3A_731, %get3A_732] : memref<50x1xf32, #tpu.memory_space<vmem>>, vector<50x1xf32>
    %mul3A_734 = vector.broadcast %get3A_733 : vector<50x1xf32> to vector<50x512xf32>
    %mul3A_735 = arith.mulf %mul3A_734, %select_n3A : vector<50x512xf32>
    %reduce_sum3A = arith.constant dense<0.000000e+00> : vector<512xf32>
    %reduce_sum3A_736 = vector.multi_reduction <add>, %mul3A_735, %reduce_sum3A [0] : vector<50x512xf32> to vector<512xf32>
    %broadcast_in_dim3A_737 = vector.shape_cast %reduce_sum3A_736 : vector<512xf32> to vector<1x512xf32>
    %mul3A_738 = arith.mulf %broadcast_in_dim3A_737, %broadcast_in_dim3A_737 : vector<1x512xf32>
    %div3A_739 = arith.constant 1.000000e+00 : f32
    %div3A_740 = vector.broadcast %div3A_739 : f32 to vector<1x512xf32>
    %div3A_741 = arith.divf %div3A_740, %mul3A_738 : vector<1x512xf32>
    %div3A_742 = arith.constant 4.000000e+00 : f32
    %div3A_743 = vector.broadcast %div3A_742 : f32 to vector<1x512xf32>
    %div3A_744 = arith.divf %div3A_743, %add3A_358 : vector<1x512xf32>
    %mul3A_745 = arith.mulf %div3A_744, %sub3A_397 : vector<1x512xf32>
    %add3A_746 = arith.addf %add3A_175, %mul3A_745 : vector<1x512xf32>
    %mul3A_747 = arith.mulf %add3A_358, %add3A_358 : vector<1x512xf32>
    %div3A_748 = arith.constant 4.000000e+00 : f32
    %div3A_749 = vector.broadcast %div3A_748 : f32 to vector<1x512xf32>
    %div3A_750 = arith.divf %div3A_749, %mul3A_747 : vector<1x512xf32>
    %mul3A_751 = arith.mulf %div3A_750, %add3A_724 : vector<1x512xf32>
    %add3A_752 = arith.addf %add3A_746, %mul3A_751 : vector<1x512xf32>
    %mul3A_753 = arith.mulf %add3A_752, %div3A_741 : vector<1x512xf32>
    %gt3A = arith.constant 0.000000e+00 : f32
    %gt3A_754 = vector.broadcast %gt3A : f32 to vector<1x512xf32>
    %gt3A_755 = arith.cmpf ogt, %get3A_1, %gt3A_754 : vector<1x512xf32>
    %jit3A_756 = arith.constant 0.000000e+00 : f32
    %broadcast_in_dim3A_757 = vector.broadcast %jit3A_756 : f32 to vector<1x512xf32>
    %select_n3A_758 = arith.select %gt3A_755, %mul3A_753, %broadcast_in_dim3A_757 : vector<1x512xi1>, vector<1x512xf32>
    %reduce_sum3A_759 = arith.constant dense<0.000000e+00> : vector<1xf32>
    %reduce_sum3A_760 = vector.multi_reduction <add>, %select_n3A_758, %reduce_sum3A_759 [1] : vector<1x512xf32> to vector<1xf32>
    %broadcast_in_dim3A_761 = vector.shape_cast %reduce_sum3A_760 : vector<1xf32> to vector<1x1xf32>
    %div3A_762 = arith.constant 5.120000e+02 : f32
    %div3A_763 = vector.broadcast %div3A_762 : f32 to vector<1x1xf32>
    %div3A_764 = arith.divf %broadcast_in_dim3A_761, %div3A_763 : vector<1x1xf32>
    %swap3A = arith.constant 0 : index
    %swap3A_765 = arith.constant 0 : index
    %swap3A_766 = vector.load %arg9[%swap3A, %swap3A_765] : memref<1x1xf32, #tpu.memory_space<vmem>>, vector<1x1xf32>
    tpu.vector_store %arg9[%swap3A, %swap3A_765], %div3A_764 {strides = array<i32>} : memref<1x1xf32, #tpu.memory_space<vmem>>, vector<1x1xf32>,
    %get3A_767 = arith.constant 0 : index
    %get3A_768 = arith.constant 0 : index
    %get3A_769 = vector.load %arg1[%get3A_767, %get3A_768] : memref<512x128xf32, #tpu.memory_space<vmem>>, vector<512x128xf32>
    %get3A_770 = arith.constant 0 : index
    %get3A_771 = arith.constant 0 : index
    %get3A_772 = vector.load %arg2[%get3A_770, %get3A_771] : memref<128x128xf32, #tpu.memory_space<vmem>>, vector<128x128xf32>
    %dot_general3A = arith.constant dense<0.000000e+00> : vector<512x128xf32>
    %dot_general3A_773 = tpu.matmul %get3A_769, %get3A_772, %dot_general3A {dimension_numbers = #tpu.dot_dimension_numbers<[1], [0], [0], [1], [0, 0, 1, 1], [], []>, transpose_lhs_hint = false} : vector<512x128xf32>, vector<128x128xf32>, vector<512x128xf32> -> vector<512x128xf32>
    %get3A_774 = arith.constant 0 : index
    %get3A_775 = arith.constant 0 : index
    %get3A_776 = vector.load %arg3[%get3A_774, %get3A_775] : memref<1x128xf32, #tpu.memory_space<vmem>>, vector<1x128xf32>
    %add3A_777 = vector.broadcast %get3A_776 : vector<1x128xf32> to vector<512x128xf32>
    %add3A_778 = arith.addf %dot_general3A_773, %add3A_777 : vector<512x128xf32>
    %neg3A = arith.constant 0.000000e+00 : f32
    %neg3A_779 = vector.broadcast %neg3A : f32 to vector<512x128xf32>
    %neg3A_780 = arith.subf %neg3A_779, %add3A_778 : vector<512x128xf32>
    %exp3A = math.exp %neg3A_780 : vector<512x128xf32>
    %add3A_781 = arith.constant 1.000000e+00 : f32
    %add3A_782 = vector.broadcast %add3A_781 : f32 to vector<512x128xf32>
    %add3A_783 = arith.addf %add3A_782, %exp3A : vector<512x128xf32>
    %div3A_784 = arith.divf %add3A_778, %add3A_783 : vector<512x128xf32>
    %get3A_785 = arith.constant 0 : index
    %get3A_786 = arith.constant 0 : index
    %get3A_787 = vector.load %arg4[%get3A_785, %get3A_786] : memref<128x128xf32, #tpu.memory_space<vmem>>, vector<128x128xf32>
    %dot_general3A_788 = arith.constant dense<0.000000e+00> : vector<512x128xf32>
    %dot_general3A_789 = tpu.matmul %div3A_784, %get3A_787, %dot_general3A_788 {dimension_numbers = #tpu.dot_dimension_numbers<[1], [0], [0], [1], [0, 0, 1, 1], [], []>, transpose_lhs_hint = false} : vector<512x128xf32>, vector<128x128xf32>, vector<512x128xf32> -> vector<512x128xf32>
    %get3A_790 = arith.constant 0 : index
    %get3A_791 = arith.constant 0 : index
    %get3A_792 = vector.load %arg5[%get3A_790, %get3A_791] : memref<1x128xf32, #tpu.memory_space<vmem>>, vector<1x128xf32>
    %add3A_793 = vector.broadcast %get3A_792 : vector<1x128xf32> to vector<512x128xf32>
    %add3A_794 = arith.addf %dot_general3A_789, %add3A_793 : vector<512x128xf32>
    %reduce_max3A = arith.constant dense<0xFF800000> : vector<512xf32>
    %reduce_max3A_795 = vector.multi_reduction <maximumf>, %add3A_794, %reduce_max3A [1] : vector<512x128xf32> to vector<512xf32>
    %broadcast_in_dim3A_796 = vector.shape_cast %reduce_max3A_795 : vector<512xf32> to vector<512x1xf32>
    %sub3A_797 = vector.broadcast %broadcast_in_dim3A_796 : vector<512x1xf32> to vector<512x128xf32>
    %sub3A_798 = arith.subf %add3A_794, %sub3A_797 : vector<512x128xf32>
    %exp3A_799 = math.exp %sub3A_798 : vector<512x128xf32>
    %reduce_sum3A_800 = arith.constant dense<0.000000e+00> : vector<512xf32>
    %reduce_sum3A_801 = vector.multi_reduction <add>, %exp3A_799, %reduce_sum3A_800 [1] : vector<512x128xf32> to vector<512xf32>
    %broadcast_in_dim3A_802 = vector.shape_cast %reduce_sum3A_801 : vector<512xf32> to vector<512x1xf32>
    %log3A = math.log %broadcast_in_dim3A_802 : vector<512x1xf32>
    %add3A_803 = arith.addf %log3A, %broadcast_in_dim3A_796 : vector<512x1xf32>
    %iota3A_804 = tpu.iota {dimensions = array<i32: 1>} : vector<512x128xi32>
    %get3A_805 = arith.constant 0 : index
    %get3A_806 = arith.constant 0 : index
    %get3A_807 = vector.load %arg7[%get3A_805, %get3A_806] : memref<512x1xi32, #tpu.memory_space<vmem>>, vector<512x1xi32>
    %eq3A_808 = vector.broadcast %get3A_807 : vector<512x1xi32> to vector<512x128xi32>
    %eq3A_809 = arith.cmpi eq, %iota3A_804, %eq3A_808 : vector<512x128xi32>
    %jit3A_810 = arith.constant 0.000000e+00 : f32
    %broadcast_in_dim3A_811 = vector.broadcast %jit3A_810 : f32 to vector<512x128xf32>
    %select_n3A_812 = arith.select %eq3A_809, %add3A_794, %broadcast_in_dim3A_811 : vector<512x128xi1>, vector<512x128xf32>
    %reduce_sum3A_813 = arith.constant dense<0.000000e+00> : vector<512xf32>
    %reduce_sum3A_814 = vector.multi_reduction <add>, %select_n3A_812, %reduce_sum3A_813 [1] : vector<512x128xf32> to vector<512xf32>
    %broadcast_in_dim3A_815 = vector.shape_cast %reduce_sum3A_814 : vector<512xf32> to vector<512x1xf32>
    %sub3A_816 = arith.subf %add3A_803, %broadcast_in_dim3A_815 : vector<512x1xf32>
    %reduce_sum3A_817 = arith.constant dense<0.000000e+00> : vector<1xf32>
    %reduce_sum3A_818 = vector.multi_reduction <add>, %sub3A_816, %reduce_sum3A_817 [0] : vector<512x1xf32> to vector<1xf32>
    %broadcast_in_dim3A_819 = vector.shape_cast %reduce_sum3A_818 : vector<1xf32> to vector<1x1xf32>
    %div3A_820 = arith.constant 5.120000e+02 : f32
    %div3A_821 = vector.broadcast %div3A_820 : f32 to vector<1x1xf32>
    %div3A_822 = arith.divf %broadcast_in_dim3A_819, %div3A_821 : vector<1x1xf32>
    %swap3A_823 = arith.constant 0 : index
    %swap3A_824 = arith.constant 0 : index
    %swap3A_825 = vector.load %arg10[%swap3A_823, %swap3A_824] : memref<1x1xf32, #tpu.memory_space<vmem>>, vector<1x1xf32>
    tpu.vector_store %arg10[%swap3A_823, %swap3A_824], %div3A_822 {strides = array<i32>} : memref<1x1xf32, #tpu.memory_space<vmem>>, vector<1x1xf32>,
    return
  }
}

</mosaic_0001>

<sc_bundles>
// kernel: kernel.4.cloned.1.call-start
scs
__scs_entry_jumppad:
0x0: {  	(pc) =	sbr.rel $0x88, $3  }
0x1: {  	(tag) =	ssettag $0x0;
	lr =	simm.s32 $0x1  }
0x2: {  	[smem:$0x3F96] =	sst lr;
	_ =	strace $0xD0000000  }
0x3: {  	_ = 	snop  }
0x4: {  	_ = 	snop  }
0x5: {  	_ = 	snop  }
0x6: {  	_ = 	snop  }
0x7: {  	_ = 	snop  }
__scs_overlays_trampoline_lowered:
0x8: {  	[smem:$0x3FA5] =	sst s0  }
0x9: {  	[smem:$0x3FA6] =	sst s1  }
0xa: {  	[smem:$0x3FA7] =	sst s2  }
0xb: {  	[smem:$0x3FA8] =	sst s3  }
0xc: {  	[smem:$0x3FA9] =	sst s4  }
0xd: {  	[smem:$0x3FAA] =	sst s5  }
0xe: {  	[smem:$0x3FAB] =	sst s6  }
0xf: {  	[smem:$0x3FAC] =	sst s7  }
0x10: {  	[smem:$0x3FAD] =	sst s8  }
0x11: {  	[smem:$0x3FAE] =	sst s9;
	s0 =	simm.s32 @!p0 $0x0  }
0x12: {  	s1 =	sld [smem:$0x3F94];
	s0 =	simm.s32 @p0 $0x1  }
0x13: {  	[smem:$0x3FAF] =	sst s0;
	s0 =	simm.s32 @!p1 $0x0  }
0x14: {  	s2 =	sld [smem:$0x3F93];
	s0 =	simm.s32 @p1 $0x1  }
0x15: {  	[smem:$0x3FB0] =	sst s0;
	s0 =	simm.s32 @!p2 $0x0  }
0x16: {  	s3 =	sld [smem:$0x3FDB];
	s0 =	simm.s32 @p2 $0x1  }
0x17: {  	s4 =	simm.s32 $0x1BF5;
	[smem:$0x3FB2] =	sst s0  }
0x18: {  	s0 =	sld [smem:$0x3F95];
	_ =	swait.ge [sflag:s4], $0x0  }
0x19: {  	s7 =	sld [smem:$0x3F96]  }
0x1a: {  	s8 =	sadd.s32 $0xFFFFE003, lr  }
0x1b: {  	s9 =	sadd.s32 $0xFFFFFEF7, lr;
	s5 =	simm.s32 $0xFFFFFFFF;
	p2 =	slt.u32 s8, $0xFFFFF086  }
0x1c: {  	p1 =	slt.u32 s9, $0xF7A;
	s5 =	simm.s32 @!p2 $0x0  }
0x1d: {  	s5 =	simm.s32 @p1 $0x1;
	p0 =	seq.s32 s7, s2  }
0x1e: {  	s7 =	smul.u32 @!p0 $0xF7A, s2;
	p2 =	seq.s32 @!p0 s5, $0x0  }
0x1f: {  	s9 =	smul.u32 $0xF7A, s1;
	s8 =	simm.s32 @!p0 $0x1BF5;
	p2 =	por !p2, p0  }
0x20: {  	[sflag:s8] =	ssyncset.s32 @!p0 $0xFFFFF086;
	s6 =	sadd.s32 @!p0 s3, s7;
	s7 =	simm.s32 @!p0 $0x108  }
0x21: {  	s3 =	sadd.s32 s3, s9;
	s6 =	sadd.s32 @!p0 $0x88, s6;
	s7 =	simm.s32 @p2 $0x1082  }
0x22: {  	[simem:s7], [sflag:s8] =	dma.local @!p0 [hbm:s6], $0xF7A  }
0x23: {  	s9 =	sor.u32 $0xD0000000, s2;
	s6 =	simm.s32 $0x108;
	_ =	swait.ge @!p0 [sflag:s8], $0x0  }
0x24: {  	s3 =	sadd.s32 $0x88, s3;
	s6 =	simm.s32 @!p1 $0x1082;
	[sflag:s4] =	ssyncset.s32 $0xFFFFF086  }
0x25: {  	[simem:s6], [sflag:s4] =	dma.local [hbm:s3], $0xF7A  }
0x26: {  	[smem:$0x3F96] =	sst s1;
	(tag) =	ssettag s2;
	_ =	strace s9  }
0x27: {  	s1 =	sld [smem:$0x3FA6]  }
0x28: {  	s2 =	sld [smem:$0x3FA7]  }
0x29: {  	s4 =	sld [smem:$0x3FA9]  }
0x2a: {  	p0 =	seq.s32 s5, $0x0;
	s5 =	sld [smem:$0x3FAA]  }
0x2b: {  	s6 =	sld [smem:$0x3FAB]  }
0x2c: {  	s7 =	sld [smem:$0x3FAC]  }
0x2d: {  	s3 =	simm.s32 $0x108;
	s8 =	sld [smem:$0x3FAD]  }
0x2e: {  	s3 =	simm.s32 @!p0 $0x1082;
	s9 =	sld [smem:$0x3FAE]  }
0x2f: {  	lr =	sadd.s32 s0, s3;
	s0 =	sld [smem:$0x3FA5]  }
0x30: {  	s3 =	sld [smem:$0x3FA8]  }
0x31: {  	[smem:$0x3FB1] =	sst s10  }
0x32: {  	s10 =	sld [smem:$0x3FAF];
	_ =	sdelay $0x3  }
0x33: {  	p0 =	seq.s32 s10, $0x1;
	s10 =	sld [smem:$0x3FB1];
	_ =	sdelay $0x3  }
0x34: {  	[smem:$0x3FB1] =	sst s10  }
0x35: {  	s10 =	sld [smem:$0x3FB0];
	_ =	sdelay $0x3  }
0x36: {  	p1 =	seq.s32 s10, $0x1;
	s10 =	sld [smem:$0x3FB1];
	_ =	sdelay $0x3  }
0x37: {  	[smem:$0x3FB1] =	sst s10  }
0x38: {  	s10 =	sld [smem:$0x3FB2]  }
0x39: {  	_ = 	snop;
	(pc) =	sbr.ind lr, $3  }
0x3a: {  	_ = 	snop  }
0x3b: {  	_ = 	snop  }
0x3c: {  	p2 =	seq.s32 s10, $0x1;
	s10 =	sld [smem:$0x3FB1]  }
0x3d: {  	_ =	shalt  }
0x3e: {  	_ =	shalt  }
0x3f: {  	_ =	shalt  }
0x40: {  	_ =	shalt  }
0x41: {  	_ =	shalt  }
0x42: {  	_ =	shalt  }
0x43: {  	_ =	shalt  }
0x44: {  	_ =	shalt  }
0x45: {  	_ =	shalt  }
0x46: {  	_ =	shalt  }
0x47: {  	_ =	shalt  }
0x48: {  	_ =	shalt  }
0x49: {  	_ =	shalt  }
0x4a: {  	_ =	shalt  }
0x4b: {  	_ =	shalt  }
0x4c: {  	_ =	shalt  }
0x4d: {  	_ =	shalt  }
0x4e: {  	_ =	shalt  }
0x4f: {  	_ =	shalt  }
0x50: {  	_ =	shalt  }
0x51: {  	_ =	shalt  }
0x52: {  	_ =	shalt  }
0x53: {  	_ =	shalt  }
0x54: {  	_ =	shalt  }
0x55: {  	_ =	shalt  }
0x56: {  	_ =	shalt  }
0x57: {  	_ =	shalt  }
0x58: {  	_ =	shalt  }
0x59: {  	_ =	shalt  }
0x5a: {  	_ =	shalt  }
0x5b: {  	_ =	shalt  }
0x5c: {  	_ =	shalt  }
0x5d: {  	_ =	shalt  }
0x5e: {  	_ =	shalt  }
0x5f: {  	_ =	shalt  }
0x60: {  	_ =	shalt  }
0x61: {  	_ =	shalt  }
0x62: {  	_ =	shalt  }
0x63: {  	_ =	shalt  }
0x64: {  	_ =	shalt  }
0x65: {  	_ =	shalt  }
0x66: {  	_ =	shalt  }
0x67: {  	_ =	shalt  }
0x68: {  	_ =	shalt  }
0x69: {  	_ =	shalt  }
0x6a: {  	_ =	shalt  }
0x6b: {  	_ =	shalt  }
0x6c: {  	_ =	shalt  }
0x6d: {  	_ =	shalt  }
0x6e: {  	_ =	shalt  }
0x6f: {  	_ =	shalt  }
0x70: {  	_ =	shalt  }
0x71: {  	_ =	shalt  }
0x72: {  	_ =	shalt  }
0x73: {  	_ =	shalt  }
0x74: {  	_ =	shalt  }
0x75: {  	_ =	shalt  }
0x76: {  	_ =	shalt  }
0x77: {  	_ =	shalt  }
0x78: {  	_ =	shalt  }
0x79: {  	_ =	shalt  }
0x7a: {  	_ =	shalt  }
0x7b: {  	_ =	shalt  }
0x7c: {  	_ =	shalt  }
0x7d: {  	_ =	shalt  }
0x7e: {  	_ =	shalt  }
0x7f: {  	_ =	shalt  }
0x80: {  	_ =	shalt  }
0x81: {  	_ =	shalt  }
0x82: {  	_ =	shalt  }
0x83: {  	_ =	shalt  }
0x84: {  	_ =	shalt  }
0x85: {  	_ =	shalt  }
0x86: {  	_ =	shalt  }
0x87: {  	_ =	shalt  }
.Lfunc_end0:
.L_simem_size_0:
called_computation_lowered:
.L_overlay_start_0:
0x88: {  	s2 =	sld [smem:$0x3FD9]  }
0x89: {  	s3 =	sld [smem:$0x3FFE];
	_ =	sdelay $0x1  }
0x8a: {  	s1 =	srdreg.scid  }
0x8b: {  	s0 =	sand.u32 $0x1, s1  }
0x8c: {  	s17 =	sshll.u32 s0, $0xA;
	s2 =	sadd.s32 s3, s2  }
0x8d: {  	s2 =	sadd.s32 s2, s17  }
0x8e: {  	[smem:$0x3FBD] =	sst s2  }
0x8f: {  	_ = 	snop  }
0x90: {  	s2 =	sld [smem:$0x3FC9];
	(tm) =	ssettm $0x1  }
0x91: {  	s18 =	sld [smem:$0x3FFB];
	_ =	sdelay $0x3  }
0x92: {  	_ =	strace s18  }
0x93: {  	s3 =	sld [smem:$0x3FFC];
	_ =	sdelay $0x3  }
0x94: {  	_ =	strace s3  }
0x95: {  	s3 =	sld [smem:$0x3FFD];
	_ =	sdelay $0x3  }
0x96: {  	_ =	strace s3  }
0x97: {  	_ =	strace $0x8FFFFFFF  }
0x98: {  	s19 =	sld [smem:$0x3FDB];
	_ =	sdelay $0x1  }
0x99: {  	s4 =	simm.s32 $_scs_section_size  }
0x9a: {  	s5 =	simm.s32 $_size__tile_overlayer_lowered;
	s6 =	simm.s32 $_tile_overlayer_lowered  }
0x9b: {  	s22 =	simm.s32 $0x1BFF;
	s21 =	sshll.u32 s6, $0x1;
	s3 =	sadd.s32 s4, s19  }
0x9c: {  	s7 =	simm.s32 $0x0;
	s20 =	sshll.u32 s5, $0x1;
	s5 =	sadd.s32 s21, s3  }
0x9d: {  	[timem:s7], [sflag:s22] =	dma.local [hbm:s5], s20  }
0x9e: {  	_ =	swait.ge [sflag:s22], s20  }
0x9f: {  	s4 =	ssub.s32 $0x0, s20;
	[sflag:s22] =	ssyncset.done $0x0  }
0xa0: {  	[sflag:s22] =	ssyncadd.s32 s4;
	_ =	sdelay $0x1  }
0xa1: {  	s23 =	simm.s32 $0x1B8B  }
0xa2: {  	_ =	swait.ge [sflag:s23], $0x1  }
0xa3: {  	[sflag:s23] =	ssyncset.done $0x0  }
0xa4: {  	s25 =	simm.s32 $0x1B8E;
	s24 =	sld [smem:$0x3FFE];
	[sflag:s23] =	ssyncadd.s32 $0xFFFFFFFF  }
0xa5: {  	s26 =	simm.s32 $execute0_lowered;
	[smem:$0x3FD2] =	sst s25  }
0xa6: {  	s5 =	sshll.u32 s26, $0x1;
	_ =	strace $0x80000046;
	[dreg:$0x1] =	wrdreg $0xFFFFFFFF  }
0xa7: {  	s28 =	simm.s32 $_size_execute0_lowered;
	s3 =	sadd.s32 s3, s5;
	[dreg:$0x0] =	wrdreg $0x0  }
0xa8: {  	s5 =	sshll.u32 s28, $0x1;
	[dreg:$0x2] =	wrdreg s3  }
0xa9: {  	[dreg:$0x3] =	wrdreg s5  }
0xaa: {  	[dreg:$0x4] =	wrdreg $0xC0  }
0xab: {  	_ =	task [dreg:s7], $0x5FFFF  }
0xac: {  	[dreg:$0x1] =	wrdreg $0xFFFFFFFF  }
0xad: {  	[dreg:$0x0] =	wrdreg $0x60  }
0xae: {  	[dreg:$0x2] =	wrdreg s2  }
0xaf: {  	[dreg:$0x3] =	wrdreg s24  }
0xb0: {  	[dreg:$0x4] =	wrdreg $0x9  }
0xb1: {  	_ =	task.clear_ibuf [dreg:s7], $0x5FFFF;
	_ =	strace $0x90000046  }
0xb2: {  	s29 =	simm.s32 $0x9;
	_ =	strace $0x80000048  }
0xb3: {  	_ =	swait.ge [sflag:s29], $0x1  }
0xb4: {  	[sflag:s29] =	ssyncadd.s32 $0xFFFFFFFF  }
0xb5: {  	_ =	strace $0x90000048  }
0xb6: {  	_ =	sfence  }
0xb7: {  	s30 =	sld [smem:$0x0];
	_ =	sdelay $0x2  }
0xb8: {  	s31 =	sshll.u32 s1, $0xD;
	s1 =	sshrl.u32 s1, $0x2  }
0xb9: {  	s3 =	sand.u32 $0x4000, s31;
	s1 =	sadd.s32 s1, s30  }
0xba: {  	s0 =	sor.u32 s3, s0;
	s1 =	sshll.u32 s1, $0x11  }
0xbb: {  	s0 =	sor.u32 s1, s0  }
0xbc: {  	s0 =	sadd.s32 $0x8F2B, s0  }
0xbd: {  	[sflag:s0] =	ssyncadd.remote.s32 $0x1  }
0xbe: {  	_ =	sfence.sel $0xFFFF  }
0xbf: {  	[dreg:$0x0] =	wrdreg $0xFFFFFFFF;
	(pc) =	sbr.abs _section_cstart, $3  }
0xc0: {  	[dreg:$0x1] =	wrdreg $0xFFFFFFFF  }
0xc1: {  	_ =	task.clear_ibuf [dreg:s7], $0x2FFFF;
	_ =	strace $0x9FFFFFFF  }
0xc2: {  	(tm) =	ssettm $0x7FFFFFFF  }
0xc3: {  	_ =	shalt  }
tec
execute0_lowered:
.L_overlay_start_1:
0x0: {  	(tag) =	ssettag $0x1  }
0x1: {  	s1 =	rddreg [dreg:$0x0]  }
0x2: {  	s2 =	rddreg [dreg:$0x1]  }
0x3: {  	s3 =	simm.s32 $0x0;
	s26 =	srdreg.scid;
	s4 =	stileid.u32  }
0x4: {  	s16 =	simm.s32 $0x2;
	s17 =	simm.s32 $0x80;
	s19 =	simm.s32 $0x13D00  }
0x5: {  	s22 =	simm.s32 $0x1;
	s23 =	simm.s32 $0x1880;
	s24 =	simm.s32 $0x3880  }
0x6: {  	s25 =	simm.s32 $0x5880;
	s28 =	simm.s32 $0x9880;
	s29 =	simm.s32 $0xB880  }
0x7: {  	s30 =	simm.s32 $0xD880;
	s31 =	simm.s32 $0xF880;
	[smem:$0x7FF] =	sst s3  }
0x8: {  	s0 =	sadd.s32 $0x1C200, s2;
	s6 =	sadd.s32 $0x6400, s2;
	s4 =	sshll.u32 s4, $0x1  }
0x9: {  	_ =	strace $0x80000047;
	[dreg:$0x3] =	wrdreg s0;
	s0 =	sand.u32 $0x1, s26  }
0xa: {  	s7 =	sadd.s32 $0x3200, s2;
	s8 =	sadd.s32 $0x12C00, s2;
	s4 =	sor.u32 s0, s4  }
0xb: {  	s9 =	sadd.s32 $0x15E00, s2;
	s10 =	sadd.s32 $0x19000, s2;
	s5 =	smul.u32 $0x64, s4  }
.Ltmp0:
0xc: {  	v1 =	vlaneseq.u32;
	s11 =	sadd.s32 $0xFA00, s2;
	s12 =	sadd.s32 $0xC800, s2;
	(pc) =	sbr.rel .LBB2_1-.Ltmp0, $4  }
0xd: {  	s13 =	sadd.s32 $0x9600, s2;
	v63 =	vor.u32 $0x80, v1;
	s0 =	ssub.s32 $0x2, s0;
	s4 =	sshll.u32 s4, $0x4  }
0xe: {  	v0 =	vadd.s32 $0x1, v1;
	s26 =	simm.s32 $0x7880;
	[tilespmem:$0x1FFF0] =	vst v63;
	s14 =	sshrl.u32 s0, $0x1;
	v2 =	vor.u32 s4, v1;
	s5 =	sadd.s32 s5, s2  }
0xf: {  	s0 =	ssub.s32 s0, s14;
	v0 =	vadd.s32 s4, v0;
	s4 =	simm.s32 $0x0;
	[tilespmem:$0x1FFD0] =	vst v2;
	s5 =	sadd.s32 $0x1C600, s5  }
0x10: {  	v12 =	vimm.s32 $0x0;
	v11 =	vimm.f32 $0.0e+00;
	s15 =	smax.u32 s0, $0x1;
	[tilespmem:$0x1FFE0] =	vst v0;
	s0 =	simm.s32 $0x11880;
	[dreg:$0x4] =	wrdreg s5  }
.LBB2_2:
0x11: {  	[tilespmem:$0x13890] =	vst v8  }
0x12: {  	[tilespmem:$0x138A0] =	vst v13  }
0x13: {  	[tilespmem:$0x138B0] =	vst v10  }
0x14: {  	[tilespmem:$0x138C0] =	vst v1  }
0x15: {  	[tilespmem:$0x138D0] =	vst v7  }
0x16: {  	[tilespmem:$0x138E0] =	vst v39  }
0x17: {  	[tilespmem:$0x138F0] =	vst v59  }
0x18: {  	[tilespmem:$0x13900] =	vst v60  }
0x19: {  	[tilespmem:$0x13910] =	vst v58  }
0x1a: {  	[tilespmem:$0x13920] =	vst v53  }
0x1b: {  	[tilespmem:$0x13930] =	vst v57  }
0x1c: {  	[tilespmem:$0x13940] =	vst v56  }
0x1d: {  	[tilespmem:$0x13950] =	vst v55  }
0x1e: {  	[tilespmem:$0x13960] =	vst v54  }
0x1f: {  	[tilespmem:$0x13970] =	vst v51  }
0x20: {  	[tilespmem:$0x13980] =	vst v49  }
0x21: {  	[tilespmem:$0x13990] =	vst v46  }
0x22: {  	[tilespmem:$0x139A0] =	vst v52  }
0x23: {  	[tilespmem:$0x139B0] =	vst v48  }
0x24: {  	[tilespmem:$0x139C0] =	vst v50  }
0x25: {  	[tilespmem:$0x139D0] =	vst v47  }
0x26: {  	[tilespmem:$0x139E0] =	vst v42  }
0x27: {  	[tilespmem:$0x139F0] =	vst v44  }
0x28: {  	[tilespmem:$0x13A00] =	vst v40  }
0x29: {  	[tilespmem:$0x13A10] =	vst v45  }
0x2a: {  	[tilespmem:$0x13A20] =	vst v43  }
0x2b: {  	[tilespmem:$0x13A30] =	vst v41  }
0x2c: {  	[tilespmem:$0x13A40] =	vst v38  }
0x2d: {  	[tilespmem:$0x13A50] =	vst v37  }
0x2e: {  	[tilespmem:$0x13A60] =	vst v14  }
0x2f: {  	[tilespmem:$0x13A70] =	vst v33  }
0x30: {  	[tilespmem:$0x13A80] =	vst v34  }
0x31: {  	[tilespmem:$0x13A90] =	vst v31  }
0x32: {  	[tilespmem:$0x13AA0] =	vst v36  }
0x33: {  	[tilespmem:$0x13AB0] =	vst v35  }
0x34: {  	[tilespmem:$0x13AC0] =	vst v25  }
0x35: {  	[tilespmem:$0x13AD0] =	vst v29  }
0x36: {  	[tilespmem:$0x13AE0] =	vst v28  }
0x37: {  	[tilespmem:$0x13AF0] =	vst v27  }
0x38: {  	[tilespmem:$0x13B00] =	vst v26  }
0x39: {  	[tilespmem:$0x13B10] =	vst v23  }
0x3a: {  	v0 =	vld [tilespmem:$0x1FFC0];
	[tilespmem:$0x13B20] =	vst v22  }
0x3b: {  	[tilespmem:$0x13B30] =	vst v20  }
0x3c: {  	[tilespmem:$0x13B40] =	vst v24  }
0x3d: {  	[tilespmem:$0x13B50] =	vst v15  }
0x3e: {  	[tilespmem:$0x13B60] =	vst v19  }
0x3f: {  	[tilespmem:$0x13B70] =	vst v21;
	v0 =	vsub.s32 v16, v0  }
0x40: {  	[tilespmem:$0x13B80] =	vst v18;
	s4 =	sadd.s32 $0x1, s4;
	v0 =	vcvt.s32.f32 v0  }
0x41: {  	[tilespmem:$0x13B90] =	vst v17;
	p0 =	sne.s32 s4, s15  }
.Ltmp1:
0x42: {  	s5 =	rddreg [dreg:$0x4];
	s14 =	simm.s32 $0x13880;
	[tilespmem:$0x13880] =	vst v0;
	(pc) =	sbr.rel @!p0 .LBB2_3-.Ltmp1, $4  }
0x43: {  	[hbm4b:s5+s3] =	stream.linear.scatter [tilespmem:s14], [sflag:$0x2], $0x320, $0x38;
	[tilespmem:$0x13E00] =	vst v63  }
0x44: {  	_ =	swait.ge [sflag:s16], $0x320  }
0x45: {  	[sflag:s16] =	ssyncset.done $0x0  }
0x46: {  	[sflag:s16] =	ssyncadd.s32 $0xFFFFFCE0  }
.LBB2_1:
0x47: {  	s5 =	rddreg [dreg:$0x3];
	v4 =	vimm.s32 $0xC38  }
0x48: {  	[tilespmem:s3], [sflag:$0x2] =	stream.linear.gather [hbm4b:s5+s3], $0x1880, $0x38;
	[tilespmem:$0x13E00] =	vst v63  }
0x49: {  	_ =	swait.ge [sflag:s16], $0x1880  }
0x4a: {  	[sflag:s16] =	ssyncset.done $0x0  }
0x4b: {  	v9 =	vld [tilespmem:$0x1FFD0];
	[sflag:s16] =	ssyncadd.s32 $0xFFFFE780  }
0x4c: {  	v0 =	vld.idx.msk [tilespmem:v4+s3+$0x0], $0xffff;
	_ =	sdelay $0x4  }
0x4d: {  	v5 =	vimm.s32 $0x61C;
	vm0 =	vlt.s32 v0, v9  }
0x4e: {  	v0 =	vsel vm0, $0x1254, v5;
	_ =	sdelay $0x4  }
0x4f: {  	v1 =	vld.idx.msk [tilespmem:v0+s3+$0x0], $0xffff;
	_ =	sdelay $0x4  }
0x50: {  	v2 =	vsel vm0, $0x1870, v4;
	vm1 =	vlt.s32 v1, v9  }
0x51: {  	v3 =	vor.u32 $0x1, v0;
	v1 =	vsel vm0, $0xC39, v12;
	v0 =	vsel vm1, v2, v0  }
0x52: {  	v1 =	vsel vm1, v3, v1;
	v2 =	vadd.s32 $0xFFFFFFFF, v0  }
0x53: {  	v2 =	vadd.s32 v2, v1  }
0x54: {  	v2 =	vadd.s32 $0x1, v2  }
0x55: {  	v2 =	vshrl.u32 v2, $0x1;
	_ =	sdelay $0x4  }
0x56: {  	v3 =	vld.idx.msk [tilespmem:v2+s3+$0x0], $0xffff;
	_ =	sdelay $0x4  }
0x57: {  	vm6 =	vlt.s32 v3, v9;
	v3 =	vor.u32 $0x1, v2  }
0x58: {  	v1 =	vsel vm6, v3, v1;
	v0 =	vsel vm6, v0, v2  }
0x59: {  	v2 =	vadd.s32 v1, v0  }
0x5a: {  	v2 =	vshrl.u32 v2, $0x1;
	_ =	sdelay $0x4  }
0x5b: {  	v3 =	vld.idx.msk [tilespmem:v2+s3+$0x0], $0xffff;
	_ =	sdelay $0x4  }
0x5c: {  	vm7 =	vlt.s32 v3, v9;
	v3 =	vadd.s32 $0x1, v2  }
0x5d: {  	v1 =	vsel vm7, v3, v1;
	v0 =	vsel vm7, v0, v2  }
0x5e: {  	v2 =	vadd.s32 v1, v0  }
0x5f: {  	v2 =	vshrl.u32 v2, $0x1;
	_ =	sdelay $0x4  }
0x60: {  	v3 =	vld.idx.msk [tilespmem:v2+s3+$0x0], $0xffff;
	_ =	sdelay $0x4  }
0x61: {  	vm8 =	vlt.s32 v3, v9;
	v3 =	vadd.s32 $0x1, v2  }
0x62: {  	v1 =	vsel vm8, v3, v1;
	v0 =	vsel vm8, v0, v2  }
0x63: {  	v2 =	vadd.s32 v1, v0  }
0x64: {  	v2 =	vshrl.u32 v2, $0x1;
	_ =	sdelay $0x4  }
0x65: {  	v3 =	vld.idx.msk [tilespmem:v2+s3+$0x0], $0xffff;
	_ =	sdelay $0x4  }
0x66: {  	vm9 =	vlt.s32 v3, v9;
	v3 =	vadd.s32 $0x1, v2  }
0x67: {  	v1 =	vsel vm9, v3, v1;
	v0 =	vsel vm9, v0, v2  }
0x68: {  	v2 =	vadd.s32 v1, v0  }
0x69: {  	v2 =	vshrl.u32 v2, $0x1;
	_ =	sdelay $0x4  }
0x6a: {  	v3 =	vld.idx.msk [tilespmem:v2+s3+$0x0], $0xffff;
	_ =	sdelay $0x4  }
0x6b: {  	vm10 =	vlt.s32 v3, v9;
	v3 =	vadd.s32 $0x1, v2  }
0x6c: {  	v1 =	vsel vm10, v3, v1;
	v0 =	vsel vm10, v0, v2  }
0x6d: {  	v2 =	vadd.s32 v1, v0  }
0x6e: {  	v2 =	vshrl.u32 v2, $0x1;
	_ =	sdelay $0x4  }
0x6f: {  	v3 =	vld.idx.msk [tilespmem:v2+s3+$0x0], $0xffff;
	_ =	sdelay $0x4  }
0x70: {  	vm11 =	vlt.s32 v3, v9;
	v3 =	vadd.s32 $0x1, v2  }
0x71: {  	v1 =	vsel vm11, v3, v1;
	v0 =	vsel vm11, v0, v2  }
0x72: {  	v2 =	vadd.s32 v1, v0  }
0x73: {  	v2 =	vshrl.u32 v2, $0x1;
	_ =	sdelay $0x4  }
0x74: {  	v3 =	vld.idx.msk [tilespmem:v2+s3+$0x0], $0xffff;
	_ =	sdelay $0x4  }
0x75: {  	vm12 =	vlt.s32 v3, v9;
	v3 =	vadd.s32 $0x1, v2  }
0x76: {  	v1 =	vsel vm12, v3, v1;
	v0 =	vsel vm12, v0, v2  }
0x77: {  	v2 =	vadd.s32 v1, v0  }
0x78: {  	v2 =	vshrl.u32 v2, $0x1;
	_ =	sdelay $0x4  }
0x79: {  	v3 =	vld.idx.msk [tilespmem:v2+s3+$0x0], $0xffff;
	_ =	sdelay $0x4  }
0x7a: {  	vm13 =	vlt.s32 v3, v9;
	v3 =	vadd.s32 $0x1, v2  }
0x7b: {  	v1 =	vsel vm13, v3, v1;
	v0 =	vsel vm13, v0, v2  }
0x7c: {  	v2 =	vadd.s32 v1, v0  }
0x7d: {  	v2 =	vshrl.u32 v2, $0x1;
	_ =	sdelay $0x4  }
0x7e: {  	v3 =	vld.idx.msk [tilespmem:v2+s3+$0x0], $0xffff;
	_ =	sdelay $0x4  }
0x7f: {  	vm14 =	vlt.s32 v3, v9;
	v3 =	vadd.s32 $0x1, v2  }
0x80: {  	v1 =	vsel vm14, v3, v1;
	v0 =	vsel vm14, v0, v2  }
0x81: {  	v2 =	vadd.s32 v1, v0  }
0x82: {  	v2 =	vshrl.u32 v2, $0x1;
	_ =	sdelay $0x4  }
0x83: {  	v3 =	vld.idx.msk [tilespmem:v2+s3+$0x0], $0xffff;
	_ =	sdelay $0x4  }
0x84: {  	vm15 =	vlt.s32 v3, v9;
	v3 =	vadd.s32 $0x1, v2  }
0x85: {  	v1 =	vsel vm15, v3, v1;
	v0 =	vsel vm15, v0, v2  }
0x86: {  	v0 =	vadd.s32 v1, v0  }
0x87: {  	v0 =	vshrl.u32 v0, $0x1  }
0x88: {  	v0 =	vmin.u32 v0, $0x186F;
	_ =	sdelay $0x4  }
0x89: {  	v2 =	vld.idx.msk [tilespmem:v0+s3+$0x0], $0xffff;
	_ =	sdelay $0x4  }
0x8a: {  	v0 =	vadd.s32 $0x1, v0;
	vm4 =	vlt.s32 v2, v9  }
0x8b: {  	v0 =	vsel vm4, v0, v1  }
0x8c: {  	v0 =	vshll.u32 v0, $0x4  }
0x8d: {  	v0 =	vmax.u32 v0, $0xF  }
0x8e: {  	v10 =	vadd.s32 $0xFFFFFFF1, v0  }
0x8f: {  	v1 =	vmin.u32 v10, $0x1869F;
	v2 =	vmin.u32 v10, $0x1869E  }
0x90: {  	[tilespmem:$0x13C00] =	vst v1;
	v1 =	vadd.s32 $0x1, v2;
	v2 =	vadd.s32 $0xFFFFFFF3, v0  }
0x91: {  	[tilespmem:$0x13C10] =	vst v1;
	v1 =	vmin.u32 v2, $0x1869F;
	v2 =	vmin.u32 v10, $0x1869C  }
0x92: {  	[tilespmem:$0x13C20] =	vst v1;
	v1 =	vadd.s32 $0x3, v2;
	v2 =	vadd.s32 $0xFFFFFFF5, v0  }
0x93: {  	[tilespmem:$0x13C30] =	vst v1;
	v1 =	vmin.u32 v2, $0x1869F;
	v2 =	vmin.u32 v10, $0x1869A  }
0x94: {  	[tilespmem:$0x13C40] =	vst v1;
	v1 =	vadd.s32 $0x5, v2;
	v2 =	vadd.s32 $0xFFFFFFF7, v0  }
0x95: {  	[tilespmem:$0x13C50] =	vst v1;
	v1 =	vmin.u32 v2, $0x1869F;
	v2 =	vmin.u32 v10, $0x18698  }
0x96: {  	[tilespmem:$0x13C60] =	vst v1;
	v1 =	vadd.s32 $0x7, v2;
	v2 =	vadd.s32 $0xFFFFFFF9, v0  }
0x97: {  	[tilespmem:$0x13C70] =	vst v1;
	v1 =	vmin.u32 v2, $0x1869F;
	v2 =	vmin.u32 v10, $0x18696  }
0x98: {  	[tilespmem:$0x13C80] =	vst v1;
	v1 =	vadd.s32 $0x9, v2;
	v2 =	vadd.s32 $0xFFFFFFFB, v0  }
0x99: {  	[tilespmem:$0x13C90] =	vst v1;
	v1 =	vmin.u32 v2, $0x1869F;
	v2 =	vmin.u32 v10, $0x18694  }
0x9a: {  	[tilespmem:$0x13CA0] =	vst v1;
	v1 =	vadd.s32 $0xB, v2;
	v2 =	vadd.s32 $0xFFFFFFFD, v0  }
0x9b: {  	[tilespmem:$0x13CB0] =	vst v1;
	v1 =	vmin.u32 v2, $0x1869F;
	v2 =	vmin.u32 v10, $0x18692  }
0x9c: {  	[tilespmem:$0x13CC0] =	vst v1;
	v1 =	vadd.s32 $0xD, v2  }
0x9d: {  	v2 =	vadd.s32 $0xFFFFFFFF, v0;
	v0 =	vmin.u32 v0, $0x1869F;
	[tilespmem:$0x13CD0] =	vst v1  }
0x9e: {  	v1 =	vmin.u32 v2, $0x1869F;
	[tilespmem:$0x13CF0] =	vst v0  }
0x9f: {  	s21 =	simm.s32 $0x13C00;
	[tilespmem:$0x13CE0] =	vst v1  }
0xa0: {  	[tilespmem:s19], [sflag:$0x1] =	stream.indirect.gather [hbm4b:s1+s17], $0x1, s21, s17, $0xb8;
	[tilespmem:$0x13E00] =	vst v63  }
0xa1: {  	s14 =	simm.s32 $0x13C80;
	s18 =	simm.s32 $0x13D80  }
0xa2: {  	[tilespmem:s18], [sflag:$0x1] =	stream.indirect.gather [hbm4b:s1+s17], $0x1, s14, s17, $0xb8;
	[tilespmem:$0x13E00] =	vst v63  }
0xa3: {  	_ =	swait.ge [sflag:s22], $0x80  }
0xa4: {  	[sflag:s22] =	ssyncset.done $0x0  }
0xa5: {  	[sflag:s22] =	ssyncadd.s32 $0xFFFFFF80  }
0xa6: {  	_ =	swait.ge [sflag:s22], $0x80  }
0xa7: {  	[sflag:s22] =	ssyncset.done $0x0  }
0xa8: {  	v16 =	vld [tilespmem:$0x1FFE0];
	[sflag:s22] =	ssyncadd.s32 $0xFFFFFF80  }
0xa9: {  	v0 =	vld.idx.msk [tilespmem:v4+s3+$0x0], $0xffff;
	_ =	sdelay $0x4  }
0xaa: {  	vm5 =	vlt.s32 v0, v16  }
0xab: {  	v0 =	vsel vm5, $0x1254, v5;
	_ =	sdelay $0x4  }
0xac: {  	v1 =	vld.idx.msk [tilespmem:v0+s3+$0x0], $0xffff;
	_ =	sdelay $0x4  }
0xad: {  	v2 =	vsel vm5, $0x1870, v4;
	vm6 =	vlt.s32 v1, v16  }
0xae: {  	v3 =	vor.u32 $0x1, v0;
	v1 =	vsel vm5, $0xC39, v12;
	v0 =	vsel vm6, v2, v0  }
0xaf: {  	v1 =	vsel vm6, v3, v1;
	v2 =	vadd.s32 $0xFFFFFFFF, v0  }
0xb0: {  	v2 =	vadd.s32 v2, v1  }
0xb1: {  	v2 =	vadd.s32 $0x1, v2  }
0xb2: {  	v2 =	vshrl.u32 v2, $0x1;
	_ =	sdelay $0x4  }
0xb3: {  	v3 =	vld.idx.msk [tilespmem:v2+s3+$0x0], $0xffff;
	_ =	sdelay $0x4  }
0xb4: {  	vm7 =	vlt.s32 v3, v16;
	v3 =	vor.u32 $0x1, v2  }
0xb5: {  	v1 =	vsel vm7, v3, v1;
	v0 =	vsel vm7, v0, v2  }
0xb6: {  	v2 =	vadd.s32 v1, v0  }
0xb7: {  	v2 =	vshrl.u32 v2, $0x1;
	_ =	sdelay $0x4  }
0xb8: {  	v3 =	vld.idx.msk [tilespmem:v2+s3+$0x0], $0xffff;
	_ =	sdelay $0x4  }
0xb9: {  	vm8 =	vlt.s32 v3, v16;
	v3 =	vadd.s32 $0x1, v2  }
0xba: {  	v1 =	vsel vm8, v3, v1;
	v0 =	vsel vm8, v0, v2  }
0xbb: {  	v2 =	vadd.s32 v1, v0  }
0xbc: {  	v2 =	vshrl.u32 v2, $0x1;
	_ =	sdelay $0x4  }
0xbd: {  	v3 =	vld.idx.msk [tilespmem:v2+s3+$0x0], $0xffff;
	_ =	sdelay $0x4  }
0xbe: {  	vm9 =	vlt.s32 v3, v16;
	v3 =	vadd.s32 $0x1, v2  }
0xbf: {  	v1 =	vsel vm9, v3, v1;
	v0 =	vsel vm9, v0, v2  }
0xc0: {  	v2 =	vadd.s32 v1, v0  }
0xc1: {  	v2 =	vshrl.u32 v2, $0x1;
	_ =	sdelay $0x4  }
0xc2: {  	v3 =	vld.idx.msk [tilespmem:v2+s3+$0x0], $0xffff;
	_ =	sdelay $0x4  }
0xc3: {  	vm10 =	vlt.s32 v3, v16;
	v3 =	vadd.s32 $0x1, v2  }
0xc4: {  	v1 =	vsel vm10, v3, v1;
	v0 =	vsel vm10, v0, v2  }
0xc5: {  	v2 =	vadd.s32 v1, v0  }
0xc6: {  	v2 =	vshrl.u32 v2, $0x1;
	_ =	sdelay $0x4  }
0xc7: {  	v3 =	vld.idx.msk [tilespmem:v2+s3+$0x0], $0xffff;
	_ =	sdelay $0x4  }
0xc8: {  	vm11 =	vlt.s32 v3, v16;
	v3 =	vadd.s32 $0x1, v2  }
0xc9: {  	v1 =	vsel vm11, v3, v1;
	v0 =	vsel vm11, v0, v2  }
0xca: {  	v2 =	vadd.s32 v1, v0  }
0xcb: {  	v2 =	vshrl.u32 v2, $0x1;
	_ =	sdelay $0x4  }
0xcc: {  	v3 =	vld.idx.msk [tilespmem:v2+s3+$0x0], $0xffff;
	_ =	sdelay $0x4  }
0xcd: {  	vm12 =	vlt.s32 v3, v16;
	v3 =	vadd.s32 $0x1, v2  }
0xce: {  	v15 =	vld [tilespmem:$0x1FFF0];
	v1 =	vsel vm12, v3, v1;
	v0 =	vsel vm12, v0, v2  }
0xcf: {  	v2 =	vadd.s32 v1, v0  }
0xd0: {  	v2 =	vshrl.u32 v2, $0x1;
	_ =	sdelay $0x4  }
0xd1: {  	v3 =	vld.idx.msk [tilespmem:v2+s3+$0x0], $0xffff  }
0xd2: {  	v4 =	vld.idx.msk [tilespmem:v15+s19+$0x0], $0xffff;
	_ =	sdelay $0x3  }
0xd3: {  	v13 =	vimm.s32 $0x4;
	vm13 =	vlt.s32 v3, v16;
	v3 =	vadd.s32 $0x1, v2  }
0xd4: {  	vm14 =	vlt.s32 v4, v9;
	v1 =	vsel vm13, v3, v1;
	v0 =	vsel vm13, v0, v2  }
0xd5: {  	v2 =	vsel vm14, $0xC, v13;
	v3 =	vadd.s32 v1, v0  }
0xd6: {  	v8 =	vlaneseq.u32;
	v4 =	vshll.u32 v2, $0x4;
	v3 =	vshrl.u32 v3, $0x1  }
0xd7: {  	v4 =	vor.u32 v8, v4;
	_ =	sdelay $0x3  }
0xd8: {  	v5 =	vld.idx.msk [tilespmem:v3+s3+$0x0], $0xffff  }
0xd9: {  	v4 =	vld.idx.msk [tilespmem:v4+s19+$0x0], $0xffff;
	_ =	sdelay $0x2  }
0xda: {  	v14 =	vimm.s32 $0x8;
	v6 =	vsel vm14, $0x9, v12  }
0xdb: {  	v7 =	vsel vm14, $0x10, v14;
	vm15 =	vlt.s32 v5, v16;
	v5 =	vadd.s32 $0x1, v3  }
0xdc: {  	vm4 =	vlt.s32 v4, v9;
	v1 =	vsel vm15, v5, v1;
	v0 =	vsel vm15, v0, v3  }
0xdd: {  	v3 =	vor.u32 $0x1, v2;
	v2 =	vsel vm4, v7, v2;
	v4 =	vadd.s32 v1, v0  }
0xde: {  	v3 =	vsel vm4, v3, v6;
	v5 =	vadd.s32 $0xFFFFFFFF, v2;
	v4 =	vshrl.u32 v4, $0x1  }
0xdf: {  	v6 =	vxor.u32 v5, v3  }
0xe0: {  	v5 =	vor.u32 v5, v3;
	v6 =	vshrl.u32 v6, $0x1  }
0xe1: {  	v5 =	vsub.s32 v5, v6  }
0xe2: {  	v6 =	vshll.u32 v5, $0x4  }
0xe3: {  	v6 =	vor.u32 v8, v6;
	v7 =	vld.idx.msk [tilespmem:v4+s3+$0x0], $0xffff;
	_ =	sdelay $0x4  }
0xe4: {  	v6 =	vld.idx.msk [tilespmem:v6+s19+$0x0], $0xffff;
	vm5 =	vlt.s32 v7, v16;
	v7 =	vadd.s32 $0x1, v4  }
0xe5: {  	v1 =	vsel vm5, v7, v1;
	v0 =	vsel vm5, v0, v4  }
0xe6: {  	v4 =	vadd.s32 v1, v0  }
0xe7: {  	v4 =	vshrl.u32 v4, $0x1;
	_ =	sdelay $0x1  }
0xe8: {  	vm6 =	vlt.s32 v6, v9;
	v6 =	vor.u32 $0x1, v5  }
0xe9: {  	v3 =	vsel vm6, v6, v3;
	v2 =	vsel vm6, v2, v5  }
0xea: {  	v5 =	vxor.u32 v3, v2  }
0xeb: {  	v6 =	vand.u32 v3, v2;
	v5 =	vshrl.u32 v5, $0x1;
	v7 =	vld.idx.msk [tilespmem:v4+s3+$0x0], $0xffff  }
0xec: {  	v5 =	vadd.s32 v5, v6  }
0xed: {  	v6 =	vshll.u32 v5, $0x4  }
0xee: {  	v6 =	vor.u32 v8, v6;
	_ =	sdelay $0x1  }
0xef: {  	vm7 =	vlt.s32 v7, v16;
	v7 =	vadd.s32 $0x1, v4  }
0xf0: {  	v1 =	vsel vm7, v7, v1;
	v0 =	vsel vm7, v0, v4  }
0xf1: {  	v0 =	vadd.s32 v1, v0  }
0xf2: {  	v4 =	vld.idx.msk [tilespmem:v6+s19+$0x0], $0xffff;
	v0 =	vshrl.u32 v0, $0x1  }
0xf3: {  	v0 =	vmin.u32 v0, $0x186F;
	_ =	sdelay $0x3  }
0xf4: {  	vm8 =	vlt.s32 v4, v9;
	v4 =	vadd.s32 $0x1, v5  }
0xf5: {  	v3 =	vsel vm8, v4, v3;
	v2 =	vsel vm8, v2, v5;
	v4 =	vld.idx.msk [tilespmem:v0+s3+$0x0], $0xffff  }
0xf6: {  	v2 =	vadd.s32 v3, v2  }
0xf7: {  	v2 =	vshrl.u32 v2, $0x1  }
0xf8: {  	v2 =	vmin.u32 v2, $0xF  }
0xf9: {  	v5 =	vshll.u32 v2, $0x4  }
0xfa: {  	v0 =	vadd.s32 $0x1, v0;
	v5 =	vor.u32 v8, v5;
	vm9 =	vlt.s32 v4, v16  }
0xfb: {  	v0 =	vsel vm9, v0, v1  }
0xfc: {  	v0 =	vshll.u32 v0, $0x4  }
0xfd: {  	v0 =	vmax.u32 v0, $0xF  }
0xfe: {  	v1 =	vadd.s32 $0xFFFFFFF1, v0  }
0xff: {  	v4 =	vld.idx.msk [tilespmem:v5+s19+$0x0], $0xffff;
	v5 =	vmin.u32 v1, $0x1869F;
	v6 =	vmin.u32 v1, $0x1869E  }
0x100: {  	[tilespmem:$0x13C00] =	vst v5;
	v5 =	vadd.s32 $0x1, v6;
	v6 =	vadd.s32 $0xFFFFFFF3, v0  }
0x101: {  	[tilespmem:$0x13C10] =	vst v5;
	v5 =	vmin.u32 v6, $0x1869F;
	v6 =	vmin.u32 v1, $0x1869C  }
0x102: {  	[tilespmem:$0x13C20] =	vst v5;
	v5 =	vadd.s32 $0x3, v6;
	v6 =	vadd.s32 $0xFFFFFFF5, v0  }
0x103: {  	[tilespmem:$0x13C30] =	vst v5;
	v5 =	vmin.u32 v6, $0x1869F;
	v6 =	vmin.u32 v1, $0x1869A  }
0x104: {  	[tilespmem:$0x13C40] =	vst v5;
	v5 =	vadd.s32 $0x5, v6;
	v6 =	vadd.s32 $0xFFFFFFF7, v0  }
0x105: {  	[tilespmem:$0x13C50] =	vst v5;
	v5 =	vmin.u32 v6, $0x1869F;
	v6 =	vmin.u32 v1, $0x18698  }
0x106: {  	[tilespmem:$0x13C60] =	vst v5;
	v5 =	vadd.s32 $0x7, v6;
	v6 =	vadd.s32 $0xFFFFFFF9, v0  }
0x107: {  	[tilespmem:$0x13C70] =	vst v5;
	v5 =	vmin.u32 v6, $0x1869F;
	v6 =	vmin.u32 v1, $0x18696  }
0x108: {  	[tilespmem:$0x13C80] =	vst v5;
	v5 =	vadd.s32 $0x9, v6;
	v6 =	vadd.s32 $0xFFFFFFFB, v0  }
0x109: {  	[tilespmem:$0x13C90] =	vst v5;
	v5 =	vmin.u32 v6, $0x1869F;
	v6 =	vmin.u32 v1, $0x18694  }
0x10a: {  	[tilespmem:$0x13CA0] =	vst v5;
	v5 =	vadd.s32 $0xB, v6;
	v6 =	vadd.s32 $0xFFFFFFFD, v0  }
0x10b: {  	[tilespmem:$0x13CB0] =	vst v5;
	v5 =	vmin.u32 v6, $0x1869F;
	v6 =	vmin.u32 v1, $0x18692  }
0x10c: {  	[tilespmem:$0x13CC0] =	vst v5;
	v5 =	vadd.s32 $0xD, v6  }
0x10d: {  	v6 =	vadd.s32 $0xFFFFFFFF, v0;
	v0 =	vmin.u32 v0, $0x1869F;
	[tilespmem:$0x13CD0] =	vst v5  }
0x10e: {  	v5 =	vmin.u32 v6, $0x1869F;
	[tilespmem:$0x13CF0] =	vst v0  }
0x10f: {  	[tilespmem:$0x13CE0] =	vst v5  }
0x110: {  	[tilespmem:s19], [sflag:$0x1] =	stream.indirect.gather [hbm4b:s1+s17], $0x1, s21, s17, $0xb8;
	[tilespmem:$0x13E00] =	vst v63  }
0x111: {  	_ = 	snop  }
0x112: {  	[tilespmem:s18], [sflag:$0x1] =	stream.indirect.gather [hbm4b:s1+s17], $0x1, s14, s17, $0xb8;
	[tilespmem:$0x13E00] =	vst v63  }
0x113: {  	_ =	swait.ge [sflag:s22], $0x80  }
0x114: {  	[sflag:s22] =	ssyncset.done $0x0  }
0x115: {  	[sflag:s22] =	ssyncadd.s32 $0xFFFFFF80  }
0x116: {  	_ =	swait.ge [sflag:s22], $0x80  }
0x117: {  	[sflag:s22] =	ssyncset.done $0x0  }
0x118: {  	[sflag:s22] =	ssyncadd.s32 $0xFFFFFF80  }
0x119: {  	v0 =	vld.idx.msk [tilespmem:v15+s19+$0x0], $0xffff;
	_ =	sdelay $0x4  }
0x11a: {  	vm10 =	vlt.s32 v0, v16  }
0x11b: {  	v0 =	vsel vm10, $0xC, v13  }
0x11c: {  	v5 =	vshll.u32 v0, $0x4  }
0x11d: {  	v5 =	vor.u32 v8, v5;
	_ =	sdelay $0x4  }
0x11e: {  	v5 =	vld.idx.msk [tilespmem:v5+s19+$0x0], $0xffff;
	_ =	sdelay $0x4  }
0x11f: {  	v6 =	vsel vm10, $0x10, v14;
	vm11 =	vlt.s32 v5, v16  }
0x120: {  	v7 =	vor.u32 $0x1, v0;
	v5 =	vsel vm10, $0x9, v12;
	v0 =	vsel vm11, v6, v0  }
0x121: {  	v5 =	vsel vm11, v7, v5;
	v6 =	vadd.s32 $0xFFFFFFFF, v0  }
0x122: {  	v7 =	vxor.u32 v6, v5  }
0x123: {  	v6 =	vor.u32 v6, v5;
	v7 =	vshrl.u32 v7, $0x1  }
0x124: {  	v6 =	vsub.s32 v6, v7  }
0x125: {  	v7 =	vshll.u32 v6, $0x4  }
0x126: {  	v7 =	vor.u32 v8, v7;
	_ =	sdelay $0x4  }
0x127: {  	v7 =	vld.idx.msk [tilespmem:v7+s19+$0x0], $0xffff;
	_ =	sdelay $0x4  }
0x128: {  	vm12 =	vlt.s32 v7, v16;
	v7 =	vor.u32 $0x1, v6  }
0x129: {  	v5 =	vsel vm12, v7, v5;
	v0 =	vsel vm12, v0, v6  }
0x12a: {  	v6 =	vxor.u32 v5, v0  }
0x12b: {  	v7 =	vand.u32 v5, v0;
	v6 =	vshrl.u32 v6, $0x1  }
0x12c: {  	v6 =	vadd.s32 v6, v7  }
0x12d: {  	v7 =	vshll.u32 v6, $0x4  }
0x12e: {  	v7 =	vor.u32 v8, v7;
	_ =	sdelay $0x4  }
0x12f: {  	v7 =	vld.idx.msk [tilespmem:v7+s19+$0x0], $0xffff;
	_ =	sdelay $0x4  }
0x130: {  	vm13 =	vlt.s32 v7, v16;
	v7 =	vadd.s32 $0x1, v6  }
0x131: {  	v5 =	vsel vm13, v7, v5;
	v0 =	vsel vm13, v0, v6  }
0x132: {  	v0 =	vadd.s32 v5, v0  }
0x133: {  	v0 =	vshrl.u32 v0, $0x1  }
0x134: {  	v0 =	vmin.u32 v0, $0xF  }
0x135: {  	v6 =	vshll.u32 v0, $0x4  }
0x136: {  	v6 =	vor.u32 v8, v6;
	_ =	sdelay $0x4  }
0x137: {  	v6 =	vld.idx.msk [tilespmem:v6+s19+$0x0], $0xffff;
	_ =	sdelay $0x3  }
0x138: {  	v2 =	vadd.s32 $0x1, v2;
	vm14 =	vlt.s32 v4, v9  }
0x139: {  	v2 =	vsel vm14, v2, v3;
	v0 =	vadd.s32 $0x1, v0;
	vm15 =	vlt.s32 v6, v16  }
0x13a: {  	v2 =	vadd.s32 v10, v2;
	v0 =	vsel vm15, v0, v5  }
0x13b: {  	v61 =	vmin.u32 v2, $0x186A0;
	v0 =	vadd.s32 v1, v0  }
0x13c: {  	v16 =	vmin.u32 v0, $0x186A0;
	v0 =	vor.u32 $0x80000000, v61  }
0x13d: {  	(xrf0) =	vmin.scan.msk.u32 $0xffff, v0;
	v0 =	vor.u32 $0x80000000, v16  }
0x13e: {  	(xrf0) =	vmax.scan.msk.u32 $0xffff, v0;
	_ =	sdelay $0x4  }
0x13f: {  	v0, _, _ =	vpop (xrf0)  }
0x140: {  	(v2sf) =	vpush v0, $0xF;
	v0, _, _ =	vpop (xrf0)  }
0x141: {  	(v2sf) =	vpush v0, $0xF;
	_ =	sdelay $0x5  }
0x142: {  	v17 =	vimm.f32 $0.0e+00  }
0x143: {  	v18 =	vimm.f32 $0.0e+00;
	v21 =	vimm.f32 $0.0e+00;
	v19 =	vimm.f32 $0.0e+00  }
0x144: {  	v24 =	vimm.f32 $0.0e+00;
	v20 =	vimm.f32 $0.0e+00;
	v22 =	vimm.f32 $0.0e+00  }
0x145: {  	v23 =	vimm.f32 $0.0e+00;
	v26 =	vimm.f32 $0.0e+00;
	v27 =	vimm.f32 $0.0e+00  }
0x146: {  	v28 =	vimm.f32 $0.0e+00;
	v29 =	vimm.f32 $0.0e+00;
	v25 =	vimm.f32 $0.0e+00  }
0x147: {  	v35 =	vimm.f32 $0.0e+00;
	v36 =	vimm.f32 $0.0e+00;
	v31 =	vimm.f32 $0.0e+00  }
0x148: {  	v34 =	vimm.f32 $0.0e+00;
	v33 =	vimm.f32 $0.0e+00;
	v37 =	vimm.f32 $0.0e+00  }
0x149: {  	v38 =	vimm.f32 $0.0e+00;
	v41 =	vimm.f32 $0.0e+00;
	v43 =	vimm.f32 $0.0e+00  }
0x14a: {  	v45 =	vimm.f32 $0.0e+00;
	v40 =	vimm.f32 $0.0e+00;
	v44 =	vimm.f32 $0.0e+00;
	s20 =	spop (v2sf)  }
0x14b: {  	v42 =	vimm.f32 $0.0e+00;
	v47 =	vimm.f32 $0.0e+00;
	v50 =	vimm.f32 $0.0e+00;
	s5 =	sand.u32 $0xFFFFFFF8, s20;
	s21 =	spop (v2sf)  }
0x14c: {  	v48 =	vimm.f32 $0.0e+00;
	v52 =	vimm.f32 $0.0e+00;
	v46 =	vimm.f32 $0.0e+00;
	s5 =	sxor.u32 $0x80000000, s5;
	s18 =	sxor.u32 $0x80000000, s21  }
0x14d: {  	v49 =	vimm.f32 $0.0e+00;
	v51 =	vimm.f32 $0.0e+00;
	v54 =	vimm.f32 $0.0e+00;
	p0 =	slt.s32 s5, s18  }
.Ltmp2:
0x14e: {  	v55 =	vimm.f32 $0.0e+00;
	v56 =	vimm.f32 $0.0e+00;
	v57 =	vimm.f32 $0.0e+00;
	(pc) =	sbr.rel @p0 .LBB2_5-.Ltmp2, $4  }
.Ltmp3:
0x14f: {  	v53 =	vimm.f32 $0.0e+00;
	v58 =	vimm.f32 $0.0e+00;
	v60 =	vimm.f32 $0.0e+00;
	(pc) =	sbr.rel @!p0 .LBB2_2-.Ltmp3, $4  }
0x150: {  	v59 =	vimm.f32 $0.0e+00;
	v39 =	vimm.f32 $0.0e+00;
	v10 =	vimm.f32 $0.0e+00  }
0x151: {  	v15 =	vimm.f32 $0.0e+00;
	v14 =	vimm.f32 $0.0e+00;
	v13 =	vimm.f32 $0.0e+00  }
0x152: {  	[tilespmem:$0x1FFC0] =	vst v61;
	v7 =	vimm.f32 $0.0e+00;
	v8 =	vimm.f32 $0.0e+00;
	v1 =	vimm.f32 $0.0e+00  }
0x153: {  	_ = 	snop  }
.LBB2_8:
0x154: {  	v7 =	vmul.f32 v0, v0  }
0x155: {  	v10 =	vmul.f32 v30, v62;
	v13 =	vmul.f32 v5, v5;
	v60 =	vadd.f32 v6, v60  }
0x156: {  	v6 =	vmul.f32 v3, v8;
	v43 =	vadd.f32 v9, v43;
	v9 =	vmul.f32 v3, v63  }
0x157: {  	v46 =	vadd.f32 v4, v46;
	v4 =	vmul.f32 v63, v63;
	v37 =	vadd.f32 v0, v37  }
0x158: {  	v14 =	vadd.f32 v3, v14;
	[tilespmem:$0x1FEF0] =	vst v7;
	v7 =	vmul.f32 v5, v62;
	v44 =	vadd.f32 v10, v44  }
0x159: {  	v10 =	vmul.f32 v0, v63;
	v18 =	vadd.f32 v6, v18;
	v6 =	vmul.f32 v32, v1  }
0x15a: {  	v1 =	vmul.f32 v2, v1;
	v2 =	vmul.f32 v3, v30;
	v31 =	vadd.f32 v9, v31  }
0x15b: {  	v9 =	vmul.f32 v5, v30;
	v59 =	vadd.f32 v4, v59;
	v4 =	vmul.f32 v63, v8  }
0x15c: {  	v20 =	vadd.f32 v7, v20;
	v7 =	vld [tilespmem:$0x1FEF0];
	v25 =	vadd.f32 v2, v25;
	v2 =	vmul.f32 v0, v8  }
0x15d: {  	v36 =	vadd.f32 v9, v36;
	v9 =	vmul.f32 v8, v8;
	v45 =	vadd.f32 v4, v45  }
0x15e: {  	v4 =	vmul.f32 v5, v1;
	v21 =	vadd.f32 v2, v21;
	v2 =	vmul.f32 v0, v30  }
0x15f: {  	v34 =	vadd.f32 v10, v34;
	v10 =	vmul.f32 v5, v8;
	v52 =	vadd.f32 v9, v52  }
0x160: {  	v26 =	vadd.f32 v4, v26;
	v35 =	vadd.f32 v2, v35;
	v2 =	vmul.f32 v1, v1  }
0x161: {  	v4 =	vmul.f32 v63, v62;
	v7 =	vadd.f32 v7, v13;
	v13 =	vmul.f32 v3, v3  }
0x162: {  	v9 =	vmul.f32 v6, v30;
	v55 =	vadd.f32 v2, v55;
	v2 =	vmul.f32 v63, v1  }
0x163: {  	v42 =	vadd.f32 v4, v42;
	v4 =	vmul.f32 v6, v6;
	v7 =	vadd.f32 v13, v7  }
0x164: {  	v57 =	vadd.f32 v9, v57;
	v48 =	vadd.f32 v2, v48;
	v2 =	vmul.f32 v0, v1  }
0x165: {  	v56 =	vadd.f32 v4, v56;
	v17 =	vadd.f32 v7, v17;
	v7 =	vmul.f32 v0, v62  }
0x166: {  	v0 =	vmul.f32 v0, v6;
	v23 =	vadd.f32 v2, v23;
	v2 =	vmul.f32 v62, v1  }
0x167: {  	v4 =	vmul.f32 v3, v6;
	v24 =	vadd.f32 v7, v24;
	v7 =	vmul.f32 v30, v1  }
0x168: {  	v28 =	vadd.f32 v0, v28;
	v0 =	vmul.f32 v6, v63;
	v54 =	vadd.f32 v2, v54  }
0x169: {  	v9 =	vld [tilespmem:$0x1FF60];
	v2 =	vmul.f32 v3, v1;
	v50 =	vadd.f32 v7, v50;
	v7 =	vmul.f32 v3, v62  }
0x16a: {  	v58 =	vadd.f32 v0, v58;
	v0 =	vmul.f32 v8, v1;
	v3 =	vmul.f32 v6, v8;
	v8 =	vld [tilespmem:$0x1FF80];
	_ =	sdelay $0x2  }
0x16b: {  	v38 =	vadd.f32 v5, v38;
	v39 =	vadd.f32 v6, v39  }
0x16c: {  	v19 =	vadd.f32 v10, v19;
	v27 =	vadd.f32 v4, v27;
	v4 =	vmul.f32 v6, v62  }
0x16d: {  	v9 =	vadd.f32 v63, v9;
	v8 =	vadd.f32 v1, v8;
	v1 =	vmul.f32 v6, v1  }
0x16e: {  	v13 =	vld [tilespmem:$0x1FF90];
	v40 =	vadd.f32 v4, v40;
	v15 =	vadd.f32 v7, v15;
	v7 =	vmul.f32 v5, v6  }
0x16f: {  	v10 =	vld [tilespmem:$0x1FFB0];
	v22 =	vadd.f32 v2, v22;
	v5 =	vmul.f32 v5, v63;
	v41 =	vadd.f32 v3, v41  }
0x170: {  	v51 =	vadd.f32 v0, v51;
	v29 =	vadd.f32 v7, v29  }
0x171: {  	v33 =	vadd.f32 v5, v33;
	v7 =	vld [tilespmem:$0x1FFA0];
	v47 =	vadd.f32 v1, v47;
	v1 =	vmov v9  }
.LBB2_4:
0x172: {  	p0 =	sge.s32 s5, s18  }
.Ltmp4:
0x173: {  	_ = 	snop;
	(pc) =	sbr.rel @p0 .LBB2_2-.Ltmp4, $1  }
0x174: {  	_ =	sdelay $0x3  }
.LBB2_5:
0x175: {  	p0 =	slt.s32 s5, $0x166A0;
	s20 =	smov.u32 s5  }
0x176: {  	s20 =	simm.s32 @!p0 $0x166A0  }
0x177: {  	s21 =	sshrl.u32 s20, $0x3  }
0x178: {  	s14 =	sadd.s32 s6, s21  }
0x179: {  	[tilespmem:s23], [sflag:$0x1] =	stream.linear.gather [hbm4b:s14+s3], $0x2000, $0x38;
	[tilespmem:$0x13E00] =	vst v63  }
0x17a: {  	s14 =	sadd.s32 s7, s21  }
0x17b: {  	[tilespmem:s24], [sflag:$0x1] =	stream.linear.gather [hbm4b:s14+s3], $0x2000, $0x38;
	[tilespmem:$0x13E00] =	vst v63  }
0x17c: {  	s14 =	sadd.s32 s2, s21  }
0x17d: {  	[tilespmem:s25], [sflag:$0x1] =	stream.linear.gather [hbm4b:s14+s3], $0x2000, $0x38;
	[tilespmem:$0x13E00] =	vst v63  }
0x17e: {  	s14 =	sadd.s32 s8, s21  }
0x17f: {  	[tilespmem:s26], [sflag:$0x1] =	stream.linear.gather [hbm4b:s14+s3], $0x2000, $0x38;
	[tilespmem:$0x13E00] =	vst v63  }
0x180: {  	s14 =	sadd.s32 s9, s21  }
0x181: {  	[tilespmem:s28], [sflag:$0x1] =	stream.linear.gather [hbm4b:s14+s3], $0x2000, $0x38;
	[tilespmem:$0x13E00] =	vst v63  }
0x182: {  	s14 =	sadd.s32 s10, s21  }
0x183: {  	[tilespmem:s29], [sflag:$0x1] =	stream.linear.gather [hbm4b:s14+s3], $0x2000, $0x38;
	[tilespmem:$0x13E00] =	vst v63  }
0x184: {  	s14 =	sadd.s32 s11, s21  }
0x185: {  	[tilespmem:s30], [sflag:$0x1] =	stream.linear.gather [hbm4b:s14+s3], $0x2000, $0x38;
	[tilespmem:$0x13E00] =	vst v63  }
0x186: {  	s14 =	sadd.s32 s12, s21  }
0x187: {  	[tilespmem:s31], [sflag:$0x1] =	stream.linear.gather [hbm4b:s14+s3], $0x2000, $0x38;
	[tilespmem:$0x13E00] =	vst v63  }
0x188: {  	s21 =	sadd.s32 s13, s21  }
0x189: {  	[tilespmem:s0], [sflag:$0x1] =	stream.linear.gather [hbm4b:s21+s3], $0x2000, $0x38;
	[tilespmem:$0x13E00] =	vst v63  }
0x18a: {  	_ =	swait.ge [sflag:s22], $0x2000  }
0x18b: {  	[sflag:s22] =	ssyncset.done $0x0  }
0x18c: {  	[sflag:s22] =	ssyncadd.s32 $0xFFFFE000  }
0x18d: {  	_ =	swait.ge [sflag:s22], $0x2000  }
0x18e: {  	[sflag:s22] =	ssyncset.done $0x0  }
0x18f: {  	[sflag:s22] =	ssyncadd.s32 $0xFFFFE000  }
0x190: {  	_ =	swait.ge [sflag:s22], $0x2000  }
0x191: {  	[sflag:s22] =	ssyncset.done $0x0  }
0x192: {  	[sflag:s22] =	ssyncadd.s32 $0xFFFFE000  }
0x193: {  	_ =	swait.ge [sflag:s22], $0x2000  }
0x194: {  	[sflag:s22] =	ssyncset.done $0x0  }
0x195: {  	[sflag:s22] =	ssyncadd.s32 $0xFFFFE000  }
0x196: {  	_ =	swait.ge [sflag:s22], $0x2000  }
0x197: {  	[sflag:s22] =	ssyncset.done $0x0  }
0x198: {  	[sflag:s22] =	ssyncadd.s32 $0xFFFFE000  }
0x199: {  	_ =	swait.ge [sflag:s22], $0x2000  }
0x19a: {  	[sflag:s22] =	ssyncset.done $0x0  }
0x19b: {  	[sflag:s22] =	ssyncadd.s32 $0xFFFFE000  }
0x19c: {  	s5 =	sadd.s32 $0x2000, s5;
	_ =	swait.ge [sflag:s22], $0x2000  }
0x19d: {  	vm0 =	vlt.s32 v16, s5;
	[sflag:s22] =	ssyncset.done $0x0  }
0x19e: {  	v0 =	vnsel vm0, s5, v16;
	[sflag:s22] =	ssyncadd.s32 $0xFFFFE000  }
0x19f: {  	v0 =	vsub.s32 v0, v61;
	_ =	swait.ge [sflag:s22], $0x2000  }
0x1a0: {  	vm15 =	vgt.s32 v0, $0x0;
	[sflag:s22] =	ssyncset.done $0x0  }
0x1a1: {  	v0 =	vnsel vm15, $0x0, v0;
	[sflag:s22] =	ssyncadd.s32 $0xFFFFE000  }
0x1a2: {  	v0 =	vor.u32 $0x80000000, v0;
	_ =	swait.ge [sflag:s22], $0x2000  }
0x1a3: {  	(xrf0) =	vmax.scan.msk.u32 $0xffff, v0;
	_ =	sdelay $0x5  }
0x1a4: {  	v0, _, _ =	vpop (xrf0)  }
0x1a5: {  	(v2sf) =	vpush v0, $0xF;
	_ =	sdelay $0xe  }
0x1a6: {  	s21 =	spop (v2sf)  }
0x1a7: {  	s21 =	sxor.u32 $0x80000000, s21  }
0x1a8: {  	p0 =	slt.s32 s21, $0x1  }
.Ltmp5:
0x1a9: {  	_ = 	snop;
	(pc) =	sbr.rel @p0 .LBB2_4-.Ltmp5, $3  }
0x1aa: {  	_ =	sdelay $0x1  }
0x1ab: {  	[sflag:s22] =	ssyncset.done $0x0  }
0x1ac: {  	[sflag:s22] =	ssyncadd.s32 $0xFFFFE000  }
0x1ad: {  	v0 =	vmov s20  }
0x1ae: {  	[tilespmem:$0x1FF50] =	vst v0;
	v0 =	vsub.s32 v61, v0  }
0x1af: {  	vm0 =	vgt.s32 v0, $0x0  }
0x1b0: {  	v0 =	vnsel vm0, $0x0, v0  }
0x1b1: {  	v6 =	vmin.u32 v0, $0x1FFF;
	_ =	sdelay $0x4  }
0x1b2: {  	v9 =	vld.idx.msk [tilespmem:v6+s25+$0x0], $0xffff  }
0x1b3: {  	v2 =	vld.idx.msk [tilespmem:v6+s24+$0x0], $0xffff  }
0x1b4: {  	v3 =	vld.idx.msk [tilespmem:v6+s28+$0x0], $0xffff  }
0x1b5: {  	v4 =	vld.idx.msk [tilespmem:v6+s26+$0x0], $0xffff  }
0x1b6: {  	v0 =	vmov s5;
	v5 =	vld.idx.msk [tilespmem:v6+s30+$0x0], $0xffff  }
0x1b7: {  	vm15 =	vlt.s32 v61, v16;
	[tilespmem:$0x1FF70] =	vst v0;
	vm1 =	vlt.s32 v61, v0;
	v0 =	vld.idx.msk [tilespmem:v6+s31+$0x0], $0xffff  }
0x1b8: {  	vm0 =	vmand vm15, vm1;
	v32 =	vld.idx.msk [tilespmem:v6+s0+$0x0], $0xffff  }
0x1b9: {  	[tilespmem:$0x1FF60] =	vst v1;
	v1 =	vsel vm0, $0x3F800000, v11  }
0x1ba: {  	[tilespmem:$0x1FF80] =	vst v8;
	v8 =	vsel vm0, $0x1, v12;
	v30 =	vmul.f32 v3, v1  }
0x1bb: {  	p0 =	seq.s32 s21, $0x1;
	v61 =	vadd.s32 v8, v61;
	v62 =	vmul.f32 v2, v1;
	v8 =	vmul.f32 v9, v1  }
.Ltmp6:
0x1bc: {  	v63 =	vmul.f32 v4, v1;
	v5 =	vmul.f32 v5, v1;
	v7 =	vadd.f32 v30, v7;
	(pc) =	sbr.rel @p0 .LBB2_8-.Ltmp6, $4  }
0x1bd: {  	v0 =	vmul.f32 v0, v1;
	v2 =	vld.idx.msk [tilespmem:v6+s23+$0x0], $0xffff;
	v3 =	vmul.f32 v32, v1;
	v13 =	vadd.f32 v62, v13  }
0x1be: {  	v9 =	vmul.f32 v62, v62;
	v10 =	vadd.f32 v8, v10;
	[tilespmem:$0x1FFA0] =	vst v7;
	v7 =	vmul.f32 v30, v30  }
0x1bf: {  	v32 =	vld.idx.msk [tilespmem:v6+s29+$0x0], $0xffff;
	v4 =	vmul.f32 v8, v62;
	v6 =	vmul.f32 v30, v63;
	[tilespmem:$0x1FF90] =	vst v13  }
0x1c0: {  	s20 =	sadd.s32 $0xFFFFFFFF, s21;
	[tilespmem:$0x1FFB0] =	vst v10;
	v49 =	vadd.f32 v9, v49;
	v9 =	vmul.f32 v30, v8;
	v53 =	vadd.f32 v7, v53  }
.LBB2_7:
0x1c1: {  	v10 =	vmul.f32 v63, v62;
	_ =	sdelay $0x1  }
0x1c2: {  	[tilespmem:$0x1FF10] =	vst v10;
	v10 =	vld [tilespmem:$0x1FF60]  }
0x1c3: {  	v7 =	vmul.f32 v0, v0;
	v37 =	vadd.f32 v0, v37  }
0x1c4: {  	v14 =	vadd.f32 v3, v14;
	v11 =	vmul.f32 v30, v62;
	v32 =	vmul.f32 v32, v1  }
0x1c5: {  	v12 =	vmul.f32 v3, v8;
	v13 =	vmul.f32 v5, v62;
	v60 =	vadd.f32 v6, v60  }
0x1c6: {  	[tilespmem:$0x1FF00] =	vst v57;
	v6 =	vmul.f32 v5, v30;
	v57 =	vmovc v55;
	v55 =	vmovc v51;
	v51 =	vmov v48;
	v48 =	vmov v42  }
0x1c7: {  	v42 =	vmovc v16;
	v16 =	vmul.f32 v3, v63;
	v43 =	vadd.f32 v9, v43;
	v10 =	vadd.f32 v63, v10  }
0x1c8: {  	v1 =	vmul.f32 v2, v1;
	v20 =	vadd.f32 v13, v20;
	v13 =	vmul.f32 v5, v8  }
0x1c9: {  	v46 =	vadd.f32 v4, v46;
	v4 =	vmul.f32 v63, v63;
	[tilespmem:$0x1FF40] =	vst v14;
	v14 =	vmul.f32 v5, v5  }
0x1ca: {  	v44 =	vadd.f32 v11, v44;
	v19 =	vadd.f32 v13, v19;
	v13 =	vmul.f32 v8, v1  }
0x1cb: {  	v18 =	vadd.f32 v12, v18;
	v7 =	vadd.f32 v7, v14;
	[tilespmem:$0x1FF60] =	vst v10;
	v10 =	vmov v33  }
0x1cc: {  	[tilespmem:$0x1FF20] =	vst v13;
	v13 =	vld [tilespmem:$0x1FF80];
	v33 =	vmovc v29;
	v29 =	vmovc v27;
	v27 =	vmov v23;
	v23 =	vmov v15;
	v15 =	vmul.f32 v3, v3  }
0x1cd: {  	v11 =	vmul.f32 v0, v63;
	v31 =	vadd.f32 v16, v31;
	v59 =	vadd.f32 v4, v59  }
0x1ce: {  	v9 =	vmul.f32 v1, v1;
	v36 =	vadd.f32 v6, v36;
	v7 =	vadd.f32 v15, v7  }
0x1cf: {  	v6 =	vld [tilespmem:$0x1FF50];
	v34 =	vadd.f32 v11, v34;
	v11 =	vmul.f32 v0, v8;
	v4 =	vmovc v58;
	v58 =	vmov v56  }
0x1d0: {  	v56 =	vmovc v54;
	v54 =	vmovc v49;
	v49 =	vmov v47;
	v47 =	vmov v44;
	v17 =	vadd.f32 v7, v17  }
0x1d1: {  	v44 =	vmovc v41;
	v41 =	vmovc v37;
	v37 =	vmov v31;
	v31 =	vmov v28;
	v13 =	vadd.f32 v1, v13  }
0x1d2: {  	v28 =	vmovc v26;
	v26 =	vmovc v22;
	v22 =	vmov v19;
	v19 =	vmov v17;
	v17 =	vmul.f32 v30, v1  }
0x1d3: {  	[tilespmem:$0x1FF30] =	vst v59;
	v59 =	vmul.f32 v3, v1;
	v21 =	vadd.f32 v11, v21;
	v15 =	vmul.f32 v5, v1  }
0x1d4: {  	v11 =	vmul.f32 v62, v1;
	v6 =	vsub.s32 v61, v6;
	v7 =	vmul.f32 v63, v1  }
0x1d5: {  	[tilespmem:$0x1FF80] =	vst v13;
	v13 =	vmovc v20;
	v20 =	vmov v18;
	v18 =	vmul.f32 v32, v1;
	v1 =	vmul.f32 v0, v1  }
0x1d6: {  	v50 =	vadd.f32 v17, v50;
	v17 =	vmovc v19;
	v19 =	vmovc v22;
	v22 =	vmov v26;
	v26 =	vmov v28  }
0x1d7: {  	v28 =	vmovc v31;
	v31 =	vmovc v37;
	v26 =	vadd.f32 v15, v26;
	v15 =	vmov v23;
	v23 =	vmov v27  }
0x1d8: {  	v37 =	vmovc v41;
	v41 =	vmovc v44;
	v44 =	vmov v47;
	v23 =	vadd.f32 v1, v23;
	v1 =	vmul.f32 v32, v63  }
0x1d9: {  	v47 =	vmovc v49;
	v49 =	vmovc v54;
	v54 =	vmov v56;
	v56 =	vmov v58;
	v58 =	vmov v4  }
0x1da: {  	vm0 =	vgt.s32 v6, $0x0;
	v58 =	vadd.f32 v1, v58;
	v1 =	vld [tilespmem:$0x1FF70]  }
0x1db: {  	v6 =	vnsel vm0, $0x0, v6  }
0x1dc: {  	v2 =	vmul.f32 v3, v30;
	v6 =	vmin.u32 v6, $0x1FFF;
	_ =	sdelay $0x1  }
0x1dd: {  	v25 =	vadd.f32 v2, v25;
	v16 =	vmul.f32 v0, v62  }
0x1de: {  	v2 =	vmul.f32 v0, v30;
	v0 =	vmul.f32 v0, v32;
	vm1 =	vlt.s32 v61, v1;
	v1 =	vld [tilespmem:$0x1FF20];
	_ =	sdelay $0x1  }
0x1df: {  	v28 =	vadd.f32 v0, v28;
	v0 =	vld.idx.msk [tilespmem:v6+s28+$0x0], $0xffff  }
0x1e0: {  	v12 =	vmul.f32 v63, v8;
	v24 =	vadd.f32 v16, v24;
	v16 =	vmov v42  }
0x1e1: {  	v42 =	vmovc v48;
	v48 =	vmovc v51;
	v51 =	vmov v55;
	vm15 =	vlt.s32 v61, v16;
	v27 =	vmov v29  }
0x1e2: {  	v29 =	vmovc v33;
	v33 =	vmovc v10;
	v10 =	vld.idx.msk [tilespmem:v6+s24+$0x0], $0xffff;
	vm0 =	vmand vm15, vm1;
	v51 =	vadd.f32 v1, v51;
	v1 =	vimm.f32 $0.0e+00  }
0x1e3: {  	v14 =	vmul.f32 v8, v8;
	v1 =	vsel vm0, $0x3F800000, v1  }
0x1e4: {  	v45 =	vadd.f32 v12, v45;
	v12 =	vmul.f32 v32, v30;
	v30 =	vmul.f32 v0, v1;
	v0 =	vld [tilespmem:$0x1FF90]  }
0x1e5: {  	v35 =	vadd.f32 v2, v35  }
0x1e6: {  	v2 =	vmul.f32 v3, v62;
	v52 =	vadd.f32 v14, v52;
	v55 =	vmovc v57;
	v57 =	vld [tilespmem:$0x1FF00];
	v3 =	vmul.f32 v3, v32  }
0x1e7: {  	v14 =	vmul.f32 v32, v62;
	v55 =	vadd.f32 v9, v55;
	v9 =	vld.idx.msk [tilespmem:v6+s25+$0x0], $0xffff;
	v62 =	vmul.f32 v10, v1  }
0x1e8: {  	v48 =	vadd.f32 v7, v48;
	v7 =	vmul.f32 v32, v32;
	v27 =	vadd.f32 v3, v27;
	v3 =	vld.idx.msk [tilespmem:v6+s26+$0x0], $0xffff  }
0x1e9: {  	v38 =	vadd.f32 v5, v38;
	v4 =	vld [tilespmem:$0x1FF10];
	v0 =	vadd.f32 v62, v0  }
0x1ea: {  	v56 =	vadd.f32 v7, v56;
	v7 =	vld.idx.msk [tilespmem:v6+s31+$0x0], $0xffff;
	v15 =	vadd.f32 v2, v15;
	v2 =	vmul.f32 v5, v32  }
0x1eb: {  	v39 =	vadd.f32 v32, v39;
	v8 =	vmul.f32 v32, v8;
	v40 =	vadd.f32 v14, v40;
	[tilespmem:$0x1FF90] =	vst v0;
	v0 =	vld [tilespmem:$0x1FFA0]  }
0x1ec: {  	v57 =	vadd.f32 v12, v57;
	v29 =	vadd.f32 v2, v29;
	v2 =	vmul.f32 v5, v63;
	v5 =	vld.idx.msk [tilespmem:v6+s30+$0x0], $0xffff  }
0x1ed: {  	v12 =	vimm.s32 $0x0;
	v54 =	vadd.f32 v11, v54;
	v63 =	vmul.f32 v3, v1;
	v3 =	vld [tilespmem:$0x1FFB0]  }
0x1ee: {  	v41 =	vadd.f32 v8, v41;
	v22 =	vadd.f32 v59, v22;
	v11 =	vimm.f32 $0.0e+00  }
0x1ef: {  	p0 =	seq.s32 s20, $0x1;
	v47 =	vadd.f32 v18, v47;
	v18 =	vmovc v20;
	v42 =	vadd.f32 v4, v42;
	v4 =	vld.idx.msk [tilespmem:v6+s0+$0x0], $0xffff;
	v8 =	vsel vm0, $0x1, v12  }
.Ltmp7:
0x1f0: {  	v32 =	vld.idx.msk [tilespmem:v6+s29+$0x0], $0xffff;
	v61 =	vadd.s32 v8, v61;
	v8 =	vmul.f32 v9, v1;
	v0 =	vadd.f32 v30, v0;
	(pc) =	sbr.rel @!p0 .LBB2_7-.Ltmp7, $4  }
0x1f1: {  	v33 =	vadd.f32 v2, v33;
	v2 =	vld.idx.msk [tilespmem:v6+s23+$0x0], $0xffff;
	v5 =	vmul.f32 v5, v1;
	v6 =	vmul.f32 v62, v62  }
0x1f2: {  	v3 =	vadd.f32 v8, v3;
	[tilespmem:$0x1FFA0] =	vst v0;
	v0 =	vmul.f32 v7, v1;
	v7 =	vmul.f32 v30, v30  }
0x1f3: {  	v14 =	vld [tilespmem:$0x1FF40];
	v20 =	vmovc v13;
	v9 =	vmul.f32 v30, v8;
	v49 =	vadd.f32 v6, v49;
	v6 =	vmul.f32 v30, v63  }
0x1f4: {  	s20 =	sadd.s32 $0xFFFFFFFF, s20;
	v59 =	vld [tilespmem:$0x1FF30];
	[tilespmem:$0x1FFB0] =	vst v3;
	v3 =	vmul.f32 v4, v1;
	v4 =	vmul.f32 v8, v62;
	v53 =	vadd.f32 v7, v53  }
.Ltmp8:
0x1f5: {  	_ = 	snop;
	(pc) =	sbr.rel .LBB2_8-.Ltmp8, $1  }
0x1f6: {  	_ =	sdelay $0x3  }
.LBB2_3:
0x1f7: {  	_ =	sfence.sel $0x180000  }
0x1f8: {  	[bflag:$0x0] =	sbarrier.arrive $0xFFFF  }
0x1f9: {  	_ =	strace $0x90000047  }
0x1fa: {  	s0 =	stileid.u32;
	[bflag:$0x2] =	sbarrier.arrive $0xFFFF  }
0x1fb: {  	p0 =	sne.s32 s0, $0x0;
	s0 =	rddreg [dreg:$0x2]  }
0x1fc: {  	s0 =	sadd.s32 @!p0 $0x100000, s0  }
0x1fd: {  	[sflag:s0] =	ssyncadd.tile.s32 @!p0 $0x1;
	_ =	shalt  }
.Lfunc_end2:
_tile_overlayer_lowered:
.L_overlay_start_2:
0x1fe: {  	(tag) =	ssettag $0x2  }
0x1ff: {  	s0 =	rddreg [dreg:$0x0];
	s2 =	stileid.u32  }
0x200: {  	s1 =	rddreg [dreg:$0x1];
	p0 =	sne.s32 s2, $0x0  }
0x201: {  	s3 =	rddreg [dreg:$0x2];
	[bflag:$0x3] =	sbarrier.arrive $0xFFFF;
	s2 =	simm.s32 @!p0 $0x1C02  }
0x202: {  	[timem:s3], [sflag:s2] =	dma.local @!p0 [hbm:s0], s1  }
0x203: {  	s0 =	simm.s32 @!p0 $0x2  }
0x204: {  	_ =	swait.ge @!p0 [sflag:s0], s1  }
0x205: {  	s1 =	ssub.s32 @!p0 $0x0, s1;
	[sflag:s0] =	ssyncset.done @!p0 $0x0  }
0x206: {  	[sflag:s0] =	ssyncadd.s32 @!p0 s1  }
0x207: {  	[bflag:$0x3] =	sbarrier.arrive $0xFFFF  }
0x208: {  	_ =	shalt  }

</sc_bundles>
